<compile_context>
chip_gen: v7x
topology: tpu7x:2x2x1
jax: 0.10.2.dev20260603
libtpu: 0.0.44.dev20260713+nightly
codegen_flags: <defaults>
</compile_context>

<pallas_src>
import dataclasses
import functools

import jax
import jax.numpy as jnp
from jax import lax
from jax.experimental import pallas as pl
from jax.experimental.pallas import tpu as pltpu
from jax.experimental.pallas import tpu_sc as plsc

TOPK = 100
SCALE = 4.0
W = 128
HW = W * W
NG = 80 * W
NB = 16
IG_CAP = 128
CAND_CAP = 2048
OUT_PAD = 112



def _gm_kernel(x_ref, gm_ref):
    gm_ref[0] = jnp.max(x_ref[0], axis=2)


def _group_max(x):
    b = x.shape[0]
    return pl.pallas_call(
        _gm_kernel,
        grid=(b,),
        in_specs=[pl.BlockSpec((1, 80, 128, 128), lambda i: (i, 0, 0, 0))],
        out_specs=pl.BlockSpec((1, 80, 128), lambda i: (i, 0, 0)),
        out_shape=jax.ShapeDtypeStruct((b, 80, 128), jnp.float32),
        compiler_params=pltpu.CompilerParams(
            dimension_semantics=("parallel",)),
    )(x)



def _monotone_i32(f):
    b = lax.bitcast_convert_type(f, jnp.int32)
    return jnp.where(b >= 0, b, jnp.bitwise_xor(b, jnp.int32(0x7FFFFFFF)))


def _thresh_kernel(gm_ref, t_ref):
    ms = _monotone_i32(gm_ref[...])
    bsz = ms.shape[0]

    def body(_, carry):
        lo, hi = carry
        mid = (lo >> 1) + (hi >> 1) + jnp.bitwise_and(jnp.bitwise_and(lo, hi), 1)
        cnt = jnp.sum((ms >= mid).astype(jnp.int32), axis=(1, 2), keepdims=True)
        ge = cnt >= TOPK
        return (jnp.where(ge, mid, lo), jnp.where(ge, hi, mid))

    lo0 = jnp.full((bsz, 1, 1), jnp.iinfo(jnp.int32).min, jnp.int32)
    hi0 = jnp.full((bsz, 1, 1), jnp.iinfo(jnp.int32).max, jnp.int32)
    lo, _ = lax.fori_loop(0, 32, body, (lo0, hi0))
    t_ref[...] = jnp.broadcast_to(lo.reshape(bsz, 1), t_ref.shape)


def _thresholds(gm):
    b = gm.shape[0]
    return pl.pallas_call(
        _thresh_kernel,
        in_specs=[pl.BlockSpec((b, 80, 128), lambda: (0, 0, 0))],
        out_specs=pl.BlockSpec((b, 128), lambda: (0, 0)),
        out_shape=jax.ShapeDtypeStruct((b, 128), jnp.int32),
    )(gm)



def _splat(s, n=16):
    return jnp.broadcast_to(s, (n,))


def _sc_body(xr_hbm, gm_hbm, t_hbm, reg_hbm, wh_hbm,
             o_cls, o_scr, o_x1, o_y1, o_x2, o_y2,
             gm_v, t_v, ig_v, rows_v, cval_v, cidx_v,
             wval_v, widx_v, rid0_v, rid1_v,
             rwb0_v, rwb1_v, rwb2_v, rwb3_v,
             sem0, sem1, sem2, sem3,
             oxo_v, oyo_v, ow_v, oh_v,
             ocls_v, oscr_v, ox1_v, oy1_v, ox2_v, oy2_v):
    wid = lax.axis_index("s") * 2 + lax.axis_index("c")

    @pl.when(wid < NB)
    def _():
        b = wid
        lanes = lax.iota(jnp.int32, 16)

        pltpu.sync_copy(t_hbm.at[b], t_v)
        tms = t_v[pl.ds(0, 16)]
        tbits = jnp.where(tms >= 0, tms,
                          jnp.bitwise_xor(tms, jnp.int32(0x7FFFFFFF)))
        tf = lax.bitcast_convert_type(tbits, jnp.float32)

        pltpu.sync_copy(gm_hbm.at[b], gm_v)

        @pl.loop(0, IG_CAP, step=16)
        def _(i):
            ig_v[pl.ds(i, 16)] = jnp.zeros((16,), jnp.int32)

        @pl.loop(0, CAND_CAP, step=16)
        def _(i):
            cval_v[pl.ds(i, 16)] = jnp.full((16,), -jnp.inf, jnp.float32)
            cidx_v[pl.ds(i, 16)] = jnp.full((16,), jnp.int32(0x40000000))

        @pl.loop(0, OUT_PAD, step=16)
        def _(i):
            wval_v[pl.ds(i, 16)] = jnp.zeros((16,), jnp.float32)
            widx_v[pl.ds(i, 16)] = jnp.zeros((16,), jnp.int32)

        def ig_body(j, o):
            g = gm_v[pl.ds(j * 16, 16)]
            m = g >= tf

            def hit(o=o, j=j, m=m):
                mi = m.astype(jnp.int32)
                pos = jnp.minimum(o + plsc.cumsum(mi) - 1, IG_CAP - 1)
                gid = b * NG + j * 16 + lanes
                plsc.store_scatter(ig_v, [pos], gid, mask=m)
                return o + jnp.sum(mi)

            return lax.cond(jnp.any(m), hit, lambda: o)

        n_ig = jnp.minimum(lax.fori_loop(0, NG // 16, ig_body, jnp.int32(0)),
                           IG_CAP)

        pltpu.sync_copy(xr_hbm.at[ig_v], rows_v)

        def cand_body(r, o):
            gidv = plsc.load_gather(ig_v, [_splat(r)])
            for c in range(8):
                lane = lanes + c * 16
                v = plsc.load_gather(rows_v, [_splat(r), lane])
                m = v >= tf

                def hit(o=o, v=v, m=m, lane=lane, gidv=gidv):
                    mi = m.astype(jnp.int32)
                    pos = jnp.minimum(o + plsc.cumsum(mi) - 1, CAND_CAP - 1)
                    flat = gidv * 128 + lane - b * (NG * 128)
                    plsc.store_scatter(cval_v, [pos], v, mask=m)
                    plsc.store_scatter(cidx_v, [pos], flat, mask=m)
                    return o + jnp.sum(mi)

                o = lax.cond(jnp.any(m), hit, lambda o=o: o)
            return o

        n_cand = jnp.minimum(
            lax.fori_loop(0, n_ig, cand_body, jnp.int32(0)), CAND_CAP)

        def sel_body(i, _):
            sl = pl.ds(i * 16, 16)
            vi = cval_v[sl]
            xi = cidx_v[sl]

            def rank_body(j, rank):
                vj = plsc.load_gather(cval_v, [_splat(j)])
                xj = plsc.load_gather(cidx_v, [_splat(j)])
                gt = jnp.logical_or(
                    vj > vi, jnp.logical_and(vj == vi, xj < xi))
                return rank + gt.astype(jnp.int32)

            rank = lax.fori_loop(0, n_cand, rank_body, jnp.zeros((16,), jnp.int32))
            wm = rank < TOPK
            pos = jnp.minimum(rank, OUT_PAD - 1)
            plsc.store_scatter(wval_v, [pos], vi, mask=wm)
            plsc.store_scatter(widx_v, [pos], xi, mask=wm)
            return 0

        lax.fori_loop(0, (n_cand + 15) // 16, sel_body, jnp.int32(0))

        for i in range(7):
            sl = pl.ds(i * 16, 16)
            sp = jnp.bitwise_and(widx_v[sl], HW - 1)
            yrow = jnp.right_shift(sp, 7)
            rid0_v[sl] = b * 256 + yrow
            rid1_v[sl] = b * 256 + 128 + yrow
        cps = [
            pltpu.async_copy(reg_hbm.at[rid0_v], rwb0_v, sem0),
            pltpu.async_copy(reg_hbm.at[rid1_v], rwb1_v, sem1),
            pltpu.async_copy(wh_hbm.at[rid0_v], rwb2_v, sem2),
            pltpu.async_copy(wh_hbm.at[rid1_v], rwb3_v, sem3),
        ]
        for cp in cps:
            cp.wait()
        for ch, (buf, dst) in enumerate((
                (rwb0_v, oxo_v), (rwb1_v, oyo_v),
                (rwb2_v, ow_v), (rwb3_v, oh_v))):
            for i in range(7):
                sl = pl.ds(i * 16, 16)
                sp = jnp.bitwise_and(widx_v[sl], HW - 1)
                xsi = jnp.bitwise_and(sp, 127)
                slot = lanes + i * 16
                dst[sl] = plsc.load_gather(buf, [slot, xsi])

        for i in range(7):
            sl = pl.ds(i * 16, 16)
            idx = widx_v[sl]
            val = wval_v[sl]
            ocls_v[sl] = idx.astype(jnp.float32) * (1.0 / HW)
            oscr_v[sl] = val
            sp = jnp.bitwise_and(idx, HW - 1)
            ysf = sp.astype(jnp.float32) * (1.0 / W)
            xsi = jnp.bitwise_and(sp, 127).astype(jnp.float32)
            cx = xsi + oxo_v[sl]
            cy = ysf + oyo_v[sl]
            hw = ow_v[sl] * 0.5
            hh = oh_v[sl] * 0.5
            ox1_v[sl] = (cx - hw) * SCALE
            oy1_v[sl] = (cy - hh) * SCALE
            ox2_v[sl] = (cx + hw) * SCALE
            oy2_v[sl] = (cy + hh) * SCALE

        pltpu.sync_copy(ocls_v, o_cls.at[b])
        pltpu.sync_copy(oscr_v, o_scr.at[b])
        pltpu.sync_copy(ox1_v, o_x1.at[b])
        pltpu.sync_copy(oy1_v, o_y1.at[b])
        pltpu.sync_copy(ox2_v, o_x2.at[b])
        pltpu.sync_copy(oy2_v, o_y2.at[b])


def _sc_decode(xr, gmr, tms, regr, whr):
    f32 = jnp.float32
    out = jax.ShapeDtypeStruct((NB, OUT_PAD), f32)
    mesh = plsc.VectorSubcoreMesh(core_axis_name="c", subcore_axis_name="s",
                                  num_cores=2, num_subcores=16)
    cp = pltpu.CompilerParams()
    if "needs_layout_passes" in pltpu.CompilerParams.__dataclass_fields__:
        cp = dataclasses.replace(cp, needs_layout_passes=False)
    return pl.kernel(
        _sc_body,
        out_type=(out,) * 6,
        compiler_params=cp,
        mesh=mesh,
        scratch_types=[
            pltpu.VMEM((NG,), f32),
            pltpu.VMEM((128,), jnp.int32),
            pltpu.VMEM((IG_CAP,), jnp.int32),
            pltpu.VMEM((IG_CAP, 128), f32),
            pltpu.VMEM((CAND_CAP,), f32),
            pltpu.VMEM((CAND_CAP,), jnp.int32),
            pltpu.VMEM((OUT_PAD,), f32),
            pltpu.VMEM((OUT_PAD,), jnp.int32),
            pltpu.VMEM((OUT_PAD,), jnp.int32),
            pltpu.VMEM((OUT_PAD,), jnp.int32),
            pltpu.VMEM((OUT_PAD, 128), f32),
            pltpu.VMEM((OUT_PAD, 128), f32),
            pltpu.VMEM((OUT_PAD, 128), f32),
            pltpu.VMEM((OUT_PAD, 128), f32),
            pltpu.SemaphoreType.DMA,
            pltpu.SemaphoreType.DMA,
            pltpu.SemaphoreType.DMA,
            pltpu.SemaphoreType.DMA,
            pltpu.VMEM((OUT_PAD,), f32),
            pltpu.VMEM((OUT_PAD,), f32),
            pltpu.VMEM((OUT_PAD,), f32),
            pltpu.VMEM((OUT_PAD,), f32),
            pltpu.VMEM((OUT_PAD,), f32),
            pltpu.VMEM((OUT_PAD,), f32),
            pltpu.VMEM((OUT_PAD,), f32),
            pltpu.VMEM((OUT_PAD,), f32),
            pltpu.VMEM((OUT_PAD,), f32),
            pltpu.VMEM((OUT_PAD,), f32),
        ],
    )(xr, gmr, tms, regr, whr)



def kernel(x, wh, reg):
    b = x.shape[0]
    gm = _group_max(x)
    t = _thresholds(gm)
    xr = x.reshape(b * NG, 128)
    gmr = gm.reshape(b, NG)
    regr = reg.reshape(b * 2 * 128, 128)
    whr = wh.reshape(b * 2 * 128, 128)
    cls, scr, x1, y1, x2, y2 = _sc_decode(xr, gmr, t, regr, whr)
    classes = cls[:, :TOPK]
    scores = scr[:, :TOPK]
    results = jnp.stack(
        [x1[:, :TOPK], y1[:, :TOPK], x2[:, :TOPK], y2[:, :TOPK]], axis=-1)
    return (classes, scores, results)

# --- scband reference (transcript-rebuilt; emitter-appended) ---
"""Pipeline reference for scband-center-net-decoder-51951924412588 (READ-ONLY COPY).

The authoritative reference and input builder live on the scoring server;
editing this copy changes nothing except your own understanding.
"""

import jax, jax.numpy as jnp
import numpy as np

TOPK = 100
SCALE = 4.0


def setup_inputs(seed: int = 0) -> dict:
    key = jax.random.key(seed)
    k1, k2, k3 = jax.random.split(key, 3)
    x = jax.random.normal(k1, (16, 80, 128, 128), dtype=jnp.float32)
    wh = jax.random.normal(k2, (16, 2, 128, 128), dtype=jnp.float32)
    reg = jax.random.normal(k3, (16, 2, 128, 128), dtype=jnp.float32)
    return {"x": x, "wh": wh, "reg": reg}


def reference(x, wh, reg):
    batch_size, _, out_h, out_w = x.shape
    scores, indices = jax.lax.top_k(x.reshape(batch_size, -1), TOPK)
    # NOTE: faithful to original torch code, including the out_w*out_w modulus
    topk_classes = indices / (out_h * out_w)          # float true-divide, as in torch
    topk_indices = indices % (out_w * out_w)          # int
    topk_ys = topk_indices / out_w                    # float true-divide, as in torch
    topk_xs = topk_indices % out_w                    # int
    center = jnp.transpose(reg, (0, 2, 3, 1)).reshape(batch_size, -1, 2)
    wh_r = jnp.transpose(wh, (0, 2, 3, 1)).reshape(batch_size, -1, 2)
    batch_indices = jnp.broadcast_to(jnp.arange(batch_size)[:, None], (batch_size, TOPK))
    reg_xs_indices = jnp.zeros_like(batch_indices, dtype=jnp.int64 if jax.config.jax_enable_x64 else jnp.int32)
    reg_ys_indices = jnp.ones_like(reg_xs_indices)
    xs = center[batch_indices, topk_indices, reg_xs_indices]
    ys = center[batch_indices, topk_indices, reg_ys_indices]
    topk_xs = topk_xs + xs
    topk_ys = topk_ys + ys
    w = wh_r[batch_indices, topk_indices, reg_xs_indices]
    h = wh_r[batch_indices, topk_indices, reg_ys_indices]
    half_w = w / 2
    half_h = h / 2
    results = jnp.stack([topk_xs - half_w, topk_ys - half_h, topk_xs + half_w, topk_ys + half_h], axis=-1)
    return (topk_classes, scores, results * SCALE)

if __name__ == "__main__":
    import jax
    _d = setup_inputs()
    print(jax.jit(kernel)(*tuple(_d.values())))

</pallas_src>

<mosaic_0001>
#map = affine_map<(d0, d1) -> (0, 0)>
module attributes {stable_mosaic.version = 14 : i64} {
  func.func @_sc_body(%arg0: i32, %arg1: i32, %arg2: memref<163840x128xf32, #tpu.memory_space<hbm>>, %arg3: memref<16x10240xf32, #tpu.memory_space<hbm>>, %arg4: memref<16x128xi32, #tpu.memory_space<hbm>>, %arg5: memref<4096x128xf32, #tpu.memory_space<hbm>>, %arg6: memref<4096x128xf32, #tpu.memory_space<hbm>>, %arg7: memref<16x112xf32, #tpu.memory_space<hbm>>, %arg8: memref<16x112xf32, #tpu.memory_space<hbm>>, %arg9: memref<16x112xf32, #tpu.memory_space<hbm>>, %arg10: memref<16x112xf32, #tpu.memory_space<hbm>>, %arg11: memref<16x112xf32, #tpu.memory_space<hbm>>, %arg12: memref<16x112xf32, #tpu.memory_space<hbm>>, %arg13: memref<10240xf32, #tpu.memory_space<vmem>>, %arg14: memref<128xi32, #tpu.memory_space<vmem>>, %arg15: memref<128xi32, #tpu.memory_space<vmem>>, %arg16: memref<128x128xf32, #tpu.memory_space<vmem>>, %arg17: memref<2048xf32, #tpu.memory_space<vmem>>, %arg18: memref<2048xi32, #tpu.memory_space<vmem>>, %arg19: memref<112xf32, #tpu.memory_space<vmem>>, %arg20: memref<112xi32, #tpu.memory_space<vmem>>, %arg21: memref<112xi32, #tpu.memory_space<vmem>>, %arg22: memref<112xi32, #tpu.memory_space<vmem>>, %arg23: memref<112x128xf32, #tpu.memory_space<vmem>>, %arg24: memref<112x128xf32, #tpu.memory_space<vmem>>, %arg25: memref<112x128xf32, #tpu.memory_space<vmem>>, %arg26: memref<112x128xf32, #tpu.memory_space<vmem>>, %arg27: memref<!tpu.dma_semaphore, #tpu.memory_space<semaphore_mem>>, %arg28: memref<!tpu.dma_semaphore, #tpu.memory_space<semaphore_mem>>, %arg29: memref<!tpu.dma_semaphore, #tpu.memory_space<semaphore_mem>>, %arg30: memref<!tpu.dma_semaphore, #tpu.memory_space<semaphore_mem>>, %arg31: memref<112xf32, #tpu.memory_space<vmem>>, %arg32: memref<112xf32, #tpu.memory_space<vmem>>, %arg33: memref<112xf32, #tpu.memory_space<vmem>>, %arg34: memref<112xf32, #tpu.memory_space<vmem>>, %arg35: memref<112xf32, #tpu.memory_space<vmem>>, %arg36: memref<112xf32, #tpu.memory_space<vmem>>, %arg37: memref<112xf32, #tpu.memory_space<vmem>>, %arg38: memref<112xf32, #tpu.memory_space<vmem>>, %arg39: memref<112xf32, #tpu.memory_space<vmem>>, %arg40: memref<112xf32, #tpu.memory_space<vmem>>) attributes {dimension_semantics = [#tpu.dimension_semantics<core_parallel>, #tpu.dimension_semantics<subcore_parallel>], iteration_bounds = array<i64: 2, 16>, scalar_prefetch = 0 : i64, scratch_operands = 28 : i64, tpu.core_type = #tpu.core_type<sc_vector_subcore>, window_params = [{transform_indices = #map}, {transform_indices = #map}, {transform_indices = #map}, {transform_indices = #map}, {transform_indices = #map}, {transform_indices = #map}, {transform_indices = #map}, {transform_indices = #map}, {transform_indices = #map}, {transform_indices = #map}, {transform_indices = #map}]} {
    %mul3A = arith.constant 2 : i32
    %mul3A_0 = arith.muli %arg1, %mul3A : i32
    %add3A = arith.addi %mul3A_0, %arg0 : i32
    %lt3A = arith.constant 16 : i32
    %lt3A_1 = arith.cmpi slt, %add3A, %lt3A : i32
    %convert_element_type3A = arith.extui %lt3A_1 : i1 to i32
    %cond3A = arith.constant 0 : i32
    %cond3A_2 = arith.cmpi ne, %convert_element_type3A, %cond3A : i32
    scf.if %cond3A_2 {
      %iota3A = tpu.iota {dimensions = array<i32: 0>} : vector<16xi32>
      "tpu.region"() ({
        %run_scoped3A = tpu.sem_alloc : memref<!tpu.dma_semaphore, #tpu.memory_space<semaphore_mem>>
        %dma_start3A_1080 = arith.constant 0 : i32
        %dma_start3A_1081 = tpu.memref_slice %arg4[%add3A, %dma_start3A_1080] : memref<16x128xi32, #tpu.memory_space<hbm>> -> memref<1x128xi32, #tpu.memory_space<hbm>>
        %dma_start3A_1082 = tpu.memref_squeeze %dma_start3A_1081 : memref<1x128xi32, #tpu.memory_space<hbm>> -> memref<128xi32, #tpu.memory_space<hbm>>
        %dma_start3A_1083 = arith.constant 0 : i32
        %dma_start3A_1084 = tpu.memref_slice %arg4[%add3A, %dma_start3A_1083] : memref<16x128xi32, #tpu.memory_space<hbm>> -> memref<1x128xi32, #tpu.memory_space<hbm>>
        %dma_start3A_1085 = tpu.memref_squeeze %dma_start3A_1084 : memref<1x128xi32, #tpu.memory_space<hbm>> -> memref<128xi32, #tpu.memory_space<hbm>>
        tpu.enqueue_dma source(%dma_start3A_1085 : memref<128xi32, #tpu.memory_space<hbm>>) target(%arg14 : memref<128xi32, #tpu.memory_space<vmem>>) target_semaphore(%run_scoped3A : memref<!tpu.dma_semaphore, #tpu.memory_space<semaphore_mem>>)
        %dma_wait3A_1086 = arith.constant 0 : i32
        %dma_wait3A_1087 = tpu.memref_slice %arg4[%add3A, %dma_wait3A_1086] : memref<16x128xi32, #tpu.memory_space<hbm>> -> memref<1x128xi32, #tpu.memory_space<hbm>>
        %dma_wait3A_1088 = tpu.memref_squeeze %dma_wait3A_1087 : memref<1x128xi32, #tpu.memory_space<hbm>> -> memref<128xi32, #tpu.memory_space<hbm>>
        %dma_wait3A_1089 = arith.constant 0 : i32
        %dma_wait3A_1090 = tpu.memref_slice %arg4[%add3A, %dma_wait3A_1089] : memref<16x128xi32, #tpu.memory_space<hbm>> -> memref<1x128xi32, #tpu.memory_space<hbm>>
        %dma_wait3A_1091 = tpu.memref_squeeze %dma_wait3A_1090 : memref<1x128xi32, #tpu.memory_space<hbm>> -> memref<128xi32, #tpu.memory_space<hbm>>
        tpu.wait_dma2 semaphore(%run_scoped3A : memref<!tpu.dma_semaphore, #tpu.memory_space<semaphore_mem>>) src(%dma_wait3A_1091 : memref<128xi32, #tpu.memory_space<hbm>>) dst(%arg14 : memref<128xi32, #tpu.memory_space<vmem>>)
        tpu.yield
      }) : () -> ()
      %get3A = arith.constant 0 : index
      %get3A_3 = tpu.vector_load %arg14[%get3A] {strides = array<i32>} : memref<128xi32, #tpu.memory_space<vmem>>, vector<16xi32>,
      %ge3A = arith.constant 0 : i32
      %ge3A_4 = vector.broadcast %ge3A : i32 to vector<16xi32>
      %ge3A_5 = arith.cmpi sge, %get3A_3, %ge3A_4 : vector<16xi32>
      %xor3A = arith.constant 2147483647 : i32
      %xor3A_6 = vector.broadcast %xor3A : i32 to vector<16xi32>
      %xor3A_7 = arith.xori %get3A_3, %xor3A_6 : vector<16xi32>
      %select_n3A = arith.select %ge3A_5, %get3A_3, %xor3A_7 : vector<16xi1>, vector<16xi32>
      %bitcast_convert_type3A = tpu.bitcast %select_n3A : vector<16xi32> -> vector<16xf32>
      "tpu.region"() ({
        %run_scoped3A = tpu.sem_alloc : memref<!tpu.dma_semaphore, #tpu.memory_space<semaphore_mem>>
        %dma_start3A_1080 = arith.constant 0 : i32
        %dma_start3A_1081 = tpu.memref_slice %arg3[%add3A, %dma_start3A_1080] : memref<16x10240xf32, #tpu.memory_space<hbm>> -> memref<1x10240xf32, #tpu.memory_space<hbm>>
        %dma_start3A_1082 = tpu.memref_squeeze %dma_start3A_1081 : memref<1x10240xf32, #tpu.memory_space<hbm>> -> memref<10240xf32, #tpu.memory_space<hbm>>
        %dma_start3A_1083 = arith.constant 0 : i32
        %dma_start3A_1084 = tpu.memref_slice %arg3[%add3A, %dma_start3A_1083] : memref<16x10240xf32, #tpu.memory_space<hbm>> -> memref<1x10240xf32, #tpu.memory_space<hbm>>
        %dma_start3A_1085 = tpu.memref_squeeze %dma_start3A_1084 : memref<1x10240xf32, #tpu.memory_space<hbm>> -> memref<10240xf32, #tpu.memory_space<hbm>>
        tpu.enqueue_dma source(%dma_start3A_1085 : memref<10240xf32, #tpu.memory_space<hbm>>) target(%arg13 : memref<10240xf32, #tpu.memory_space<vmem>>) target_semaphore(%run_scoped3A : memref<!tpu.dma_semaphore, #tpu.memory_space<semaphore_mem>>)
        %dma_wait3A_1086 = arith.constant 0 : i32
        %dma_wait3A_1087 = tpu.memref_slice %arg3[%add3A, %dma_wait3A_1086] : memref<16x10240xf32, #tpu.memory_space<hbm>> -> memref<1x10240xf32, #tpu.memory_space<hbm>>
        %dma_wait3A_1088 = tpu.memref_squeeze %dma_wait3A_1087 : memref<1x10240xf32, #tpu.memory_space<hbm>> -> memref<10240xf32, #tpu.memory_space<hbm>>
        %dma_wait3A_1089 = arith.constant 0 : i32
        %dma_wait3A_1090 = tpu.memref_slice %arg3[%add3A, %dma_wait3A_1089] : memref<16x10240xf32, #tpu.memory_space<hbm>> -> memref<1x10240xf32, #tpu.memory_space<hbm>>
        %dma_wait3A_1091 = tpu.memref_squeeze %dma_wait3A_1090 : memref<1x10240xf32, #tpu.memory_space<hbm>> -> memref<10240xf32, #tpu.memory_space<hbm>>
        tpu.wait_dma2 semaphore(%run_scoped3A : memref<!tpu.dma_semaphore, #tpu.memory_space<semaphore_mem>>) src(%dma_wait3A_1091 : memref<10240xf32, #tpu.memory_space<hbm>>) dst(%arg13 : memref<10240xf32, #tpu.memory_space<vmem>>)
        tpu.yield
      }) : () -> ()
      %scan3A = arith.constant 0 : i32
      %scan3A_8 = arith.constant 8 : i32
      %scan3A_9 = arith.addi %scan3A, %scan3A_8 : i32
      %scan3A_10 = arith.constant 1 : i32
      scf.for %scan3A_1080 = %scan3A to %scan3A_9 step %scan3A_10  : i32 {
        %mul3A_1081 = arith.constant 16 : i32
        %mul3A_1082 = arith.muli %scan3A_1080, %mul3A_1081 : i32
        %add3A_1083 = arith.constant 0 : i32
        %add3A_1084 = arith.addi %add3A_1083, %mul3A_1082 : i32
        %broadcast_in_dim3A = arith.constant 0 : i32
        %broadcast_in_dim3A_1085 = vector.broadcast %broadcast_in_dim3A : i32 to vector<16xi32>
        %swap3A_1086 = arith.index_cast %add3A_1084 : i32 to index
        %swap3A_1087 = tpu.vector_load %arg15[%swap3A_1086] {strides = array<i32>} : memref<128xi32, #tpu.memory_space<vmem>>, vector<16xi32>,
        tpu.vector_store %arg15[%swap3A_1086], %broadcast_in_dim3A_1085 {strides = array<i32>} : memref<128xi32, #tpu.memory_space<vmem>>, vector<16xi32>,
      }
      %scan3A_11 = arith.constant 8 : i32
      %scan3A_12 = arith.constant 0 : i32
      %scan3A_13 = arith.constant 128 : i32
      %scan3A_14 = arith.addi %scan3A_12, %scan3A_13 : i32
      %scan3A_15 = arith.constant 1 : i32
      scf.for %scan3A_1080 = %scan3A_12 to %scan3A_14 step %scan3A_15  : i32 {
        %mul3A_1081 = arith.constant 16 : i32
        %mul3A_1082 = arith.muli %scan3A_1080, %mul3A_1081 : i32
        %add3A_1083 = arith.constant 0 : i32
        %add3A_1084 = arith.addi %add3A_1083, %mul3A_1082 : i32
        %broadcast_in_dim3A = arith.constant 0xFF800000 : f32
        %broadcast_in_dim3A_1085 = vector.broadcast %broadcast_in_dim3A : f32 to vector<16xf32>
        %swap3A_1086 = arith.index_cast %add3A_1084 : i32 to index
        %swap3A_1087 = tpu.vector_load %arg17[%swap3A_1086] {strides = array<i32>} : memref<2048xf32, #tpu.memory_space<vmem>>, vector<16xf32>,
        tpu.vector_store %arg17[%swap3A_1086], %broadcast_in_dim3A_1085 {strides = array<i32>} : memref<2048xf32, #tpu.memory_space<vmem>>, vector<16xf32>,
        %broadcast_in_dim3A_1088 = arith.constant 1073741824 : i32
        %broadcast_in_dim3A_1089 = vector.broadcast %broadcast_in_dim3A_1088 : i32 to vector<16xi32>
        %swap3A_1090 = arith.index_cast %add3A_1084 : i32 to index
        %swap3A_1091 = tpu.vector_load %arg18[%swap3A_1090] {strides = array<i32>} : memref<2048xi32, #tpu.memory_space<vmem>>, vector<16xi32>,
        tpu.vector_store %arg18[%swap3A_1090], %broadcast_in_dim3A_1089 {strides = array<i32>} : memref<2048xi32, #tpu.memory_space<vmem>>, vector<16xi32>,
      }
      %scan3A_16 = arith.constant 128 : i32
      %scan3A_17 = arith.constant 0 : i32
      %scan3A_18 = arith.constant 7 : i32
      %scan3A_19 = arith.addi %scan3A_17, %scan3A_18 : i32
      %scan3A_20 = arith.constant 1 : i32
      scf.for %scan3A_1080 = %scan3A_17 to %scan3A_19 step %scan3A_20  : i32 {
        %mul3A_1081 = arith.constant 16 : i32
        %mul3A_1082 = arith.muli %scan3A_1080, %mul3A_1081 : i32
        %add3A_1083 = arith.constant 0 : i32
        %add3A_1084 = arith.addi %add3A_1083, %mul3A_1082 : i32
        %broadcast_in_dim3A = arith.constant 0.000000e+00 : f32
        %broadcast_in_dim3A_1085 = vector.broadcast %broadcast_in_dim3A : f32 to vector<16xf32>
        %swap3A_1086 = arith.index_cast %add3A_1084 : i32 to index
        %swap3A_1087 = tpu.vector_load %arg19[%swap3A_1086] {strides = array<i32>} : memref<112xf32, #tpu.memory_space<vmem>>, vector<16xf32>,
        tpu.vector_store %arg19[%swap3A_1086], %broadcast_in_dim3A_1085 {strides = array<i32>} : memref<112xf32, #tpu.memory_space<vmem>>, vector<16xf32>,
        %broadcast_in_dim3A_1088 = arith.constant 0 : i32
        %broadcast_in_dim3A_1089 = vector.broadcast %broadcast_in_dim3A_1088 : i32 to vector<16xi32>
        %swap3A_1090 = arith.index_cast %add3A_1084 : i32 to index
        %swap3A_1091 = tpu.vector_load %arg20[%swap3A_1090] {strides = array<i32>} : memref<112xi32, #tpu.memory_space<vmem>>, vector<16xi32>,
        tpu.vector_store %arg20[%swap3A_1090], %broadcast_in_dim3A_1089 {strides = array<i32>} : memref<112xi32, #tpu.memory_space<vmem>>, vector<16xi32>,
      }
      %scan3A_21 = arith.constant 7 : i32
      %scan3A_22 = arith.constant 0 : i32
      %scan3A_23 = arith.constant 0 : i32
      %scan3A_24 = arith.constant 640 : i32
      %scan3A_25 = arith.addi %scan3A_23, %scan3A_24 : i32
      %scan3A_26 = arith.constant 1 : i32
      %scan3A_27 = scf.for %scan3A_1080 = %scan3A_23 to %scan3A_25 step %scan3A_26 iter_args(%scan3A_1081 = %scan3A_22) -> (i32)  : i32 {
        %mul3A_1082 = arith.constant 16 : i32
        %mul3A_1083 = arith.muli %scan3A_1080, %mul3A_1082 : i32
        %get3A_1084 = arith.index_cast %mul3A_1083 : i32 to index
        %get3A_1085 = tpu.vector_load %arg13[%get3A_1084] {strides = array<i32>} : memref<10240xf32, #tpu.memory_space<vmem>>, vector<16xf32>,
        %ge3A_1086 = arith.cmpf oge, %get3A_1085, %bitcast_convert_type3A : vector<16xf32>
        %reduce_or3A = arith.constant 1.000000e+00 : f32
        %reduce_or3A_1087 = arith.constant 0.000000e+00 : f32
        %reduce_or3A_1088 = vector.broadcast %reduce_or3A : f32 to vector<16xf32>
        %reduce_or3A_1089 = vector.broadcast %reduce_or3A_1087 : f32 to vector<16xf32>
        %reduce_or3A_1090 = arith.select %ge3A_1086, %reduce_or3A_1088, %reduce_or3A_1089 : vector<16xi1>, vector<16xf32>
        %reduce_or3A_1091 = arith.constant true
        %reduce_or3A_1092 = vector.broadcast %reduce_or3A_1091 : i1 to vector<16xi1>
        %reduce_or3A_1093 = tpu.scan <max>, %reduce_or3A_1090 masked %reduce_or3A_1092 : vector<16xf32>, vector<16xi1> -> vector<16xf32>
        %reduce_or3A_1094 = vector.extract %reduce_or3A_1093[15] : f32 from vector<16xf32>
        %reduce_or3A_1095 = arith.constant 0.000000e+00 : f32
        %reduce_or3A_1096 = arith.cmpf ogt, %reduce_or3A_1094, %reduce_or3A_1095 : f32
        %convert_element_type3A_1097 = arith.extui %reduce_or3A_1096 : i1 to i32
        %cond3A_1098 = arith.constant 0 : i32
        %cond3A_1099 = arith.cmpi ne, %convert_element_type3A_1097, %cond3A_1098 : i32
        %cond3A_1100 = scf.if %cond3A_1099 -> (i32) {
          %convert_element_type3A_1101 = arith.extui %ge3A_1086 : vector<16xi1> to vector<16xi32>
          %broadcast_in_dim3A = arith.constant true
          %broadcast_in_dim3A_1102 = vector.broadcast %broadcast_in_dim3A : i1 to vector<16xi1>
          %masked_cumsum3A = tpu.scan <sum>, %convert_element_type3A_1101 masked %broadcast_in_dim3A_1102 : vector<16xi32>, vector<16xi1> -> vector<16xi32>
          %add3A_1103 = vector.broadcast %scan3A_1081 : i32 to vector<16xi32>
          %add3A_1104 = arith.addi %add3A_1103, %masked_cumsum3A : vector<16xi32>
          %sub3A_1105 = arith.constant 1 : i32
          %sub3A_1106 = vector.broadcast %sub3A_1105 : i32 to vector<16xi32>
          %sub3A_1107 = arith.subi %add3A_1104, %sub3A_1106 : vector<16xi32>
          %min3A_1108 = arith.constant 127 : i32
          %min3A_1109 = vector.broadcast %min3A_1108 : i32 to vector<16xi32>
          %min3A_1110 = arith.minsi %sub3A_1107, %min3A_1109 : vector<16xi32>
          %mul3A_1111 = arith.constant 10240 : i32
          %mul3A_1112 = arith.muli %add3A, %mul3A_1111 : i32
          %mul3A_1113 = arith.constant 16 : i32
          %mul3A_1114 = arith.muli %scan3A_1080, %mul3A_1113 : i32
          %add3A_1115 = arith.addi %mul3A_1112, %mul3A_1114 : i32
          %add3A_1116 = vector.broadcast %add3A_1115 : i32 to vector<16xi32>
          %add3A_1117 = arith.addi %add3A_1116, %iota3A : vector<16xi32>
          tpu.vector_store_idx %arg15[%min3A_1110], %add3A_1117 masked %ge3A_1086 : memref<128xi32, #tpu.memory_space<vmem>>[vector<16xi32>], vector<16xi32>, vector<16xi1>
          %reduce_sum3A = arith.constant true
          %reduce_sum3A_1118 = vector.broadcast %reduce_sum3A : i1 to vector<16xi1>
          %reduce_sum3A_1119 = tpu.scan <sum>, %convert_element_type3A_1101 masked %reduce_sum3A_1118 : vector<16xi32>, vector<16xi1> -> vector<16xi32>
          %reduce_sum3A_1120 = vector.extract %reduce_sum3A_1119[15] : i32 from vector<16xi32>
          %add3A_1121 = arith.addi %scan3A_1081, %reduce_sum3A_1120 : i32
          scf.yield %add3A_1121 : i32
        } else {
          scf.yield %scan3A_1081 : i32
        }
        scf.yield %cond3A_1100 : i32
      }
      %scan3A_28 = arith.constant 640 : i32
      %min3A = arith.constant 128 : i32
      %min3A_29 = arith.minsi %scan3A_27, %min3A : i32
      "tpu.region"() ({
        %run_scoped3A = tpu.sem_alloc : memref<!tpu.dma_semaphore, #tpu.memory_space<semaphore_mem>>
        %dma_start3A_1080 = arith.constant 0 : i32
        %dma_start3A_1081 = arith.constant 0 : i32
        %dma_start3A_1082 = tpu.memref_slice %arg2[%dma_start3A_1080, %dma_start3A_1081] : memref<163840x128xf32, #tpu.memory_space<hbm>> -> memref<163840x128xf32, #tpu.memory_space<hbm>>
        tpu.enqueue_indirect_dma source(%dma_start3A_1082 : memref<163840x128xf32, #tpu.memory_space<hbm>>) target(%arg16 : memref<128x128xf32, #tpu.memory_space<vmem>>) offsets(%arg15 : memref<128xi32, #tpu.memory_space<vmem>>) semaphore(%run_scoped3A : memref<!tpu.dma_semaphore, #tpu.memory_space<semaphore_mem>>)
        %dma_wait3A_1083 = arith.constant 0 : i32
        %dma_wait3A_1084 = arith.constant 0 : i32
        %dma_wait3A_1085 = tpu.memref_slice %arg2[%dma_wait3A_1083, %dma_wait3A_1084] : memref<163840x128xf32, #tpu.memory_space<hbm>> -> memref<163840x128xf32, #tpu.memory_space<hbm>>
        tpu.wait_indirect_dma semaphore(%run_scoped3A : memref<!tpu.dma_semaphore, #tpu.memory_space<semaphore_mem>>) src(%dma_wait3A_1085 : memref<163840x128xf32, #tpu.memory_space<hbm>>) dst(%arg16 : memref<128x128xf32, #tpu.memory_space<vmem>>)
        tpu.yield
      }) : () -> ()
      %while3A = arith.constant 0 : i32
      %while3A_30 = arith.constant 0 : i32
      %while3A_31 = arith.subi %min3A_29, %while3A : i32
      %while3A_32 = arith.addi %while3A, %while3A_31 : i32
      %while3A_33 = arith.constant 1 : i32
      %while3A_34 = arith.divsi %while3A_31, %while3A_33 : i32
      %while3A_35 = arith.muli %while3A_34, %while3A_33 : i32
      %while3A_36 = arith.addi %while3A, %while3A_35 : i32
      %while3A_37 = arith.constant 1 : i32
      %while3A_38 = scf.for %while3A_1080 = %while3A to %while3A_36 step %while3A_37 iter_args(%while3A_1081 = %while3A_30) -> (i32)  : i32 {
        %broadcast_in_dim3A = vector.broadcast %while3A_1080 : i32 to vector<16xi32>
        %gather3A_1082 = tpu.vector_load_idx %arg15[%broadcast_in_dim3A] : memref<128xi32, #tpu.memory_space<vmem>>[vector<16xi32>], vector<16xi32>,
        %add3A_1083 = arith.constant 0 : i32
        %add3A_1084 = vector.broadcast %add3A_1083 : i32 to vector<16xi32>
        %add3A_1085 = arith.addi %iota3A, %add3A_1084 : vector<16xi32>
        %broadcast_in_dim3A_1086 = vector.broadcast %while3A_1080 : i32 to vector<16xi32>
        %gather3A_1087 = tpu.vector_load_idx %arg16[%broadcast_in_dim3A_1086, %add3A_1085] : memref<128x128xf32, #tpu.memory_space<vmem>>[vector<16xi32>, vector<16xi32>], vector<16xf32>,
        %ge3A_1088 = arith.cmpf oge, %gather3A_1087, %bitcast_convert_type3A : vector<16xf32>
        %reduce_or3A = arith.constant 1.000000e+00 : f32
        %reduce_or3A_1089 = arith.constant 0.000000e+00 : f32
        %reduce_or3A_1090 = vector.broadcast %reduce_or3A : f32 to vector<16xf32>
        %reduce_or3A_1091 = vector.broadcast %reduce_or3A_1089 : f32 to vector<16xf32>
        %reduce_or3A_1092 = arith.select %ge3A_1088, %reduce_or3A_1090, %reduce_or3A_1091 : vector<16xi1>, vector<16xf32>
        %reduce_or3A_1093 = arith.constant true
        %reduce_or3A_1094 = vector.broadcast %reduce_or3A_1093 : i1 to vector<16xi1>
        %reduce_or3A_1095 = tpu.scan <max>, %reduce_or3A_1092 masked %reduce_or3A_1094 : vector<16xf32>, vector<16xi1> -> vector<16xf32>
        %reduce_or3A_1096 = vector.extract %reduce_or3A_1095[15] : f32 from vector<16xf32>
        %reduce_or3A_1097 = arith.constant 0.000000e+00 : f32
        %reduce_or3A_1098 = arith.cmpf ogt, %reduce_or3A_1096, %reduce_or3A_1097 : f32
        %convert_element_type3A_1099 = arith.extui %reduce_or3A_1098 : i1 to i32
        %cond3A_1100 = arith.constant 0 : i32
        %cond3A_1101 = arith.cmpi ne, %convert_element_type3A_1099, %cond3A_1100 : i32
        %cond3A_1102 = scf.if %cond3A_1101 -> (i32) {
          %convert_element_type3A_1250 = arith.extui %ge3A_1088 : vector<16xi1> to vector<16xi32>
          %broadcast_in_dim3A_1251 = arith.constant true
          %broadcast_in_dim3A_1252 = vector.broadcast %broadcast_in_dim3A_1251 : i1 to vector<16xi1>
          %masked_cumsum3A = tpu.scan <sum>, %convert_element_type3A_1250 masked %broadcast_in_dim3A_1252 : vector<16xi32>, vector<16xi1> -> vector<16xi32>
          %add3A_1253 = vector.broadcast %while3A_1081 : i32 to vector<16xi32>
          %add3A_1254 = arith.addi %add3A_1253, %masked_cumsum3A : vector<16xi32>
          %sub3A_1255 = arith.constant 1 : i32
          %sub3A_1256 = vector.broadcast %sub3A_1255 : i32 to vector<16xi32>
          %sub3A_1257 = arith.subi %add3A_1254, %sub3A_1256 : vector<16xi32>
          %min3A_1258 = arith.constant 2047 : i32
          %min3A_1259 = vector.broadcast %min3A_1258 : i32 to vector<16xi32>
          %min3A_1260 = arith.minsi %sub3A_1257, %min3A_1259 : vector<16xi32>
          %mul3A_1261 = arith.constant 128 : i32
          %mul3A_1262 = vector.broadcast %mul3A_1261 : i32 to vector<16xi32>
          %mul3A_1263 = arith.muli %gather3A_1082, %mul3A_1262 : vector<16xi32>
          %add3A_1264 = arith.addi %mul3A_1263, %add3A_1085 : vector<16xi32>
          %mul3A_1265 = arith.constant 1310720 : i32
          %mul3A_1266 = arith.muli %add3A, %mul3A_1265 : i32
          %sub3A_1267 = vector.broadcast %mul3A_1266 : i32 to vector<16xi32>
          %sub3A_1268 = arith.subi %add3A_1264, %sub3A_1267 : vector<16xi32>
          tpu.vector_store_idx %arg17[%min3A_1260], %gather3A_1087 masked %ge3A_1088 : memref<2048xf32, #tpu.memory_space<vmem>>[vector<16xi32>], vector<16xf32>, vector<16xi1>
          tpu.vector_store_idx %arg18[%min3A_1260], %sub3A_1268 masked %ge3A_1088 : memref<2048xi32, #tpu.memory_space<vmem>>[vector<16xi32>], vector<16xi32>, vector<16xi1>
          %reduce_sum3A = arith.constant true
          %reduce_sum3A_1269 = vector.broadcast %reduce_sum3A : i1 to vector<16xi1>
          %reduce_sum3A_1270 = tpu.scan <sum>, %convert_element_type3A_1250 masked %reduce_sum3A_1269 : vector<16xi32>, vector<16xi1> -> vector<16xi32>
          %reduce_sum3A_1271 = vector.extract %reduce_sum3A_1270[15] : i32 from vector<16xi32>
          %add3A_1272 = arith.addi %while3A_1081, %reduce_sum3A_1271 : i32
          scf.yield %add3A_1272 : i32
        } else {
          scf.yield %while3A_1081 : i32
        }
        %add3A_1103 = arith.constant 16 : i32
        %add3A_1104 = vector.broadcast %add3A_1103 : i32 to vector<16xi32>
        %add3A_1105 = arith.addi %iota3A, %add3A_1104 : vector<16xi32>
        %broadcast_in_dim3A_1106 = vector.broadcast %while3A_1080 : i32 to vector<16xi32>
        %gather3A_1107 = tpu.vector_load_idx %arg16[%broadcast_in_dim3A_1106, %add3A_1105] : memref<128x128xf32, #tpu.memory_space<vmem>>[vector<16xi32>, vector<16xi32>], vector<16xf32>,
        %ge3A_1108 = arith.cmpf oge, %gather3A_1107, %bitcast_convert_type3A : vector<16xf32>
        %reduce_or3A_1109 = arith.constant 1.000000e+00 : f32
        %reduce_or3A_1110 = arith.constant 0.000000e+00 : f32
        %reduce_or3A_1111 = vector.broadcast %reduce_or3A_1109 : f32 to vector<16xf32>
        %reduce_or3A_1112 = vector.broadcast %reduce_or3A_1110 : f32 to vector<16xf32>
        %reduce_or3A_1113 = arith.select %ge3A_1108, %reduce_or3A_1111, %reduce_or3A_1112 : vector<16xi1>, vector<16xf32>
        %reduce_or3A_1114 = arith.constant true
        %reduce_or3A_1115 = vector.broadcast %reduce_or3A_1114 : i1 to vector<16xi1>
        %reduce_or3A_1116 = tpu.scan <max>, %reduce_or3A_1113 masked %reduce_or3A_1115 : vector<16xf32>, vector<16xi1> -> vector<16xf32>
        %reduce_or3A_1117 = vector.extract %reduce_or3A_1116[15] : f32 from vector<16xf32>
        %reduce_or3A_1118 = arith.constant 0.000000e+00 : f32
        %reduce_or3A_1119 = arith.cmpf ogt, %reduce_or3A_1117, %reduce_or3A_1118 : f32
        %convert_element_type3A_1120 = arith.extui %reduce_or3A_1119 : i1 to i32
        %cond3A_1121 = arith.constant 0 : i32
        %cond3A_1122 = arith.cmpi ne, %convert_element_type3A_1120, %cond3A_1121 : i32
        %cond3A_1123 = scf.if %cond3A_1122 -> (i32) {
          %convert_element_type3A_1250 = arith.extui %ge3A_1108 : vector<16xi1> to vector<16xi32>
          %broadcast_in_dim3A_1251 = arith.constant true
          %broadcast_in_dim3A_1252 = vector.broadcast %broadcast_in_dim3A_1251 : i1 to vector<16xi1>
          %masked_cumsum3A = tpu.scan <sum>, %convert_element_type3A_1250 masked %broadcast_in_dim3A_1252 : vector<16xi32>, vector<16xi1> -> vector<16xi32>
          %add3A_1253 = vector.broadcast %cond3A_1102 : i32 to vector<16xi32>
          %add3A_1254 = arith.addi %add3A_1253, %masked_cumsum3A : vector<16xi32>
          %sub3A_1255 = arith.constant 1 : i32
          %sub3A_1256 = vector.broadcast %sub3A_1255 : i32 to vector<16xi32>
          %sub3A_1257 = arith.subi %add3A_1254, %sub3A_1256 : vector<16xi32>
          %min3A_1258 = arith.constant 2047 : i32
          %min3A_1259 = vector.broadcast %min3A_1258 : i32 to vector<16xi32>
          %min3A_1260 = arith.minsi %sub3A_1257, %min3A_1259 : vector<16xi32>
          %mul3A_1261 = arith.constant 128 : i32
          %mul3A_1262 = vector.broadcast %mul3A_1261 : i32 to vector<16xi32>
          %mul3A_1263 = arith.muli %gather3A_1082, %mul3A_1262 : vector<16xi32>
          %add3A_1264 = arith.addi %mul3A_1263, %add3A_1105 : vector<16xi32>
          %mul3A_1265 = arith.constant 1310720 : i32
          %mul3A_1266 = arith.muli %add3A, %mul3A_1265 : i32
          %sub3A_1267 = vector.broadcast %mul3A_1266 : i32 to vector<16xi32>
          %sub3A_1268 = arith.subi %add3A_1264, %sub3A_1267 : vector<16xi32>
          tpu.vector_store_idx %arg17[%min3A_1260], %gather3A_1107 masked %ge3A_1108 : memref<2048xf32, #tpu.memory_space<vmem>>[vector<16xi32>], vector<16xf32>, vector<16xi1>
          tpu.vector_store_idx %arg18[%min3A_1260], %sub3A_1268 masked %ge3A_1108 : memref<2048xi32, #tpu.memory_space<vmem>>[vector<16xi32>], vector<16xi32>, vector<16xi1>
          %reduce_sum3A = arith.constant true
          %reduce_sum3A_1269 = vector.broadcast %reduce_sum3A : i1 to vector<16xi1>
          %reduce_sum3A_1270 = tpu.scan <sum>, %convert_element_type3A_1250 masked %reduce_sum3A_1269 : vector<16xi32>, vector<16xi1> -> vector<16xi32>
          %reduce_sum3A_1271 = vector.extract %reduce_sum3A_1270[15] : i32 from vector<16xi32>
          %add3A_1272 = arith.addi %cond3A_1102, %reduce_sum3A_1271 : i32
          scf.yield %add3A_1272 : i32
        } else {
          scf.yield %cond3A_1102 : i32
        }
        %add3A_1124 = arith.constant 32 : i32
        %add3A_1125 = vector.broadcast %add3A_1124 : i32 to vector<16xi32>
        %add3A_1126 = arith.addi %iota3A, %add3A_1125 : vector<16xi32>
        %broadcast_in_dim3A_1127 = vector.broadcast %while3A_1080 : i32 to vector<16xi32>
        %gather3A_1128 = tpu.vector_load_idx %arg16[%broadcast_in_dim3A_1127, %add3A_1126] : memref<128x128xf32, #tpu.memory_space<vmem>>[vector<16xi32>, vector<16xi32>], vector<16xf32>,
        %ge3A_1129 = arith.cmpf oge, %gather3A_1128, %bitcast_convert_type3A : vector<16xf32>
        %reduce_or3A_1130 = arith.constant 1.000000e+00 : f32
        %reduce_or3A_1131 = arith.constant 0.000000e+00 : f32
        %reduce_or3A_1132 = vector.broadcast %reduce_or3A_1130 : f32 to vector<16xf32>
        %reduce_or3A_1133 = vector.broadcast %reduce_or3A_1131 : f32 to vector<16xf32>
        %reduce_or3A_1134 = arith.select %ge3A_1129, %reduce_or3A_1132, %reduce_or3A_1133 : vector<16xi1>, vector<16xf32>
        %reduce_or3A_1135 = arith.constant true
        %reduce_or3A_1136 = vector.broadcast %reduce_or3A_1135 : i1 to vector<16xi1>
        %reduce_or3A_1137 = tpu.scan <max>, %reduce_or3A_1134 masked %reduce_or3A_1136 : vector<16xf32>, vector<16xi1> -> vector<16xf32>
        %reduce_or3A_1138 = vector.extract %reduce_or3A_1137[15] : f32 from vector<16xf32>
        %reduce_or3A_1139 = arith.constant 0.000000e+00 : f32
        %reduce_or3A_1140 = arith.cmpf ogt, %reduce_or3A_1138, %reduce_or3A_1139 : f32
        %convert_element_type3A_1141 = arith.extui %reduce_or3A_1140 : i1 to i32
        %cond3A_1142 = arith.constant 0 : i32
        %cond3A_1143 = arith.cmpi ne, %convert_element_type3A_1141, %cond3A_1142 : i32
        %cond3A_1144 = scf.if %cond3A_1143 -> (i32) {
          %convert_element_type3A_1250 = arith.extui %ge3A_1129 : vector<16xi1> to vector<16xi32>
          %broadcast_in_dim3A_1251 = arith.constant true
          %broadcast_in_dim3A_1252 = vector.broadcast %broadcast_in_dim3A_1251 : i1 to vector<16xi1>
          %masked_cumsum3A = tpu.scan <sum>, %convert_element_type3A_1250 masked %broadcast_in_dim3A_1252 : vector<16xi32>, vector<16xi1> -> vector<16xi32>
          %add3A_1253 = vector.broadcast %cond3A_1123 : i32 to vector<16xi32>
          %add3A_1254 = arith.addi %add3A_1253, %masked_cumsum3A : vector<16xi32>
          %sub3A_1255 = arith.constant 1 : i32
          %sub3A_1256 = vector.broadcast %sub3A_1255 : i32 to vector<16xi32>
          %sub3A_1257 = arith.subi %add3A_1254, %sub3A_1256 : vector<16xi32>
          %min3A_1258 = arith.constant 2047 : i32
          %min3A_1259 = vector.broadcast %min3A_1258 : i32 to vector<16xi32>
          %min3A_1260 = arith.minsi %sub3A_1257, %min3A_1259 : vector<16xi32>
          %mul3A_1261 = arith.constant 128 : i32
          %mul3A_1262 = vector.broadcast %mul3A_1261 : i32 to vector<16xi32>
          %mul3A_1263 = arith.muli %gather3A_1082, %mul3A_1262 : vector<16xi32>
          %add3A_1264 = arith.addi %mul3A_1263, %add3A_1126 : vector<16xi32>
          %mul3A_1265 = arith.constant 1310720 : i32
          %mul3A_1266 = arith.muli %add3A, %mul3A_1265 : i32
          %sub3A_1267 = vector.broadcast %mul3A_1266 : i32 to vector<16xi32>
          %sub3A_1268 = arith.subi %add3A_1264, %sub3A_1267 : vector<16xi32>
          tpu.vector_store_idx %arg17[%min3A_1260], %gather3A_1128 masked %ge3A_1129 : memref<2048xf32, #tpu.memory_space<vmem>>[vector<16xi32>], vector<16xf32>, vector<16xi1>
          tpu.vector_store_idx %arg18[%min3A_1260], %sub3A_1268 masked %ge3A_1129 : memref<2048xi32, #tpu.memory_space<vmem>>[vector<16xi32>], vector<16xi32>, vector<16xi1>
          %reduce_sum3A = arith.constant true
          %reduce_sum3A_1269 = vector.broadcast %reduce_sum3A : i1 to vector<16xi1>
          %reduce_sum3A_1270 = tpu.scan <sum>, %convert_element_type3A_1250 masked %reduce_sum3A_1269 : vector<16xi32>, vector<16xi1> -> vector<16xi32>
          %reduce_sum3A_1271 = vector.extract %reduce_sum3A_1270[15] : i32 from vector<16xi32>
          %add3A_1272 = arith.addi %cond3A_1123, %reduce_sum3A_1271 : i32
          scf.yield %add3A_1272 : i32
        } else {
          scf.yield %cond3A_1123 : i32
        }
        %add3A_1145 = arith.constant 48 : i32
        %add3A_1146 = vector.broadcast %add3A_1145 : i32 to vector<16xi32>
        %add3A_1147 = arith.addi %iota3A, %add3A_1146 : vector<16xi32>
        %broadcast_in_dim3A_1148 = vector.broadcast %while3A_1080 : i32 to vector<16xi32>
        %gather3A_1149 = tpu.vector_load_idx %arg16[%broadcast_in_dim3A_1148, %add3A_1147] : memref<128x128xf32, #tpu.memory_space<vmem>>[vector<16xi32>, vector<16xi32>], vector<16xf32>,
        %ge3A_1150 = arith.cmpf oge, %gather3A_1149, %bitcast_convert_type3A : vector<16xf32>
        %reduce_or3A_1151 = arith.constant 1.000000e+00 : f32
        %reduce_or3A_1152 = arith.constant 0.000000e+00 : f32
        %reduce_or3A_1153 = vector.broadcast %reduce_or3A_1151 : f32 to vector<16xf32>
        %reduce_or3A_1154 = vector.broadcast %reduce_or3A_1152 : f32 to vector<16xf32>
        %reduce_or3A_1155 = arith.select %ge3A_1150, %reduce_or3A_1153, %reduce_or3A_1154 : vector<16xi1>, vector<16xf32>
        %reduce_or3A_1156 = arith.constant true
        %reduce_or3A_1157 = vector.broadcast %reduce_or3A_1156 : i1 to vector<16xi1>
        %reduce_or3A_1158 = tpu.scan <max>, %reduce_or3A_1155 masked %reduce_or3A_1157 : vector<16xf32>, vector<16xi1> -> vector<16xf32>
        %reduce_or3A_1159 = vector.extract %reduce_or3A_1158[15] : f32 from vector<16xf32>
        %reduce_or3A_1160 = arith.constant 0.000000e+00 : f32
        %reduce_or3A_1161 = arith.cmpf ogt, %reduce_or3A_1159, %reduce_or3A_1160 : f32
        %convert_element_type3A_1162 = arith.extui %reduce_or3A_1161 : i1 to i32
        %cond3A_1163 = arith.constant 0 : i32
        %cond3A_1164 = arith.cmpi ne, %convert_element_type3A_1162, %cond3A_1163 : i32
        %cond3A_1165 = scf.if %cond3A_1164 -> (i32) {
          %convert_element_type3A_1250 = arith.extui %ge3A_1150 : vector<16xi1> to vector<16xi32>
          %broadcast_in_dim3A_1251 = arith.constant true
          %broadcast_in_dim3A_1252 = vector.broadcast %broadcast_in_dim3A_1251 : i1 to vector<16xi1>
          %masked_cumsum3A = tpu.scan <sum>, %convert_element_type3A_1250 masked %broadcast_in_dim3A_1252 : vector<16xi32>, vector<16xi1> -> vector<16xi32>
          %add3A_1253 = vector.broadcast %cond3A_1144 : i32 to vector<16xi32>
          %add3A_1254 = arith.addi %add3A_1253, %masked_cumsum3A : vector<16xi32>
          %sub3A_1255 = arith.constant 1 : i32
          %sub3A_1256 = vector.broadcast %sub3A_1255 : i32 to vector<16xi32>
          %sub3A_1257 = arith.subi %add3A_1254, %sub3A_1256 : vector<16xi32>
          %min3A_1258 = arith.constant 2047 : i32
          %min3A_1259 = vector.broadcast %min3A_1258 : i32 to vector<16xi32>
          %min3A_1260 = arith.minsi %sub3A_1257, %min3A_1259 : vector<16xi32>
          %mul3A_1261 = arith.constant 128 : i32
          %mul3A_1262 = vector.broadcast %mul3A_1261 : i32 to vector<16xi32>
          %mul3A_1263 = arith.muli %gather3A_1082, %mul3A_1262 : vector<16xi32>
          %add3A_1264 = arith.addi %mul3A_1263, %add3A_1147 : vector<16xi32>
          %mul3A_1265 = arith.constant 1310720 : i32
          %mul3A_1266 = arith.muli %add3A, %mul3A_1265 : i32
          %sub3A_1267 = vector.broadcast %mul3A_1266 : i32 to vector<16xi32>
          %sub3A_1268 = arith.subi %add3A_1264, %sub3A_1267 : vector<16xi32>
          tpu.vector_store_idx %arg17[%min3A_1260], %gather3A_1149 masked %ge3A_1150 : memref<2048xf32, #tpu.memory_space<vmem>>[vector<16xi32>], vector<16xf32>, vector<16xi1>
          tpu.vector_store_idx %arg18[%min3A_1260], %sub3A_1268 masked %ge3A_1150 : memref<2048xi32, #tpu.memory_space<vmem>>[vector<16xi32>], vector<16xi32>, vector<16xi1>
          %reduce_sum3A = arith.constant true
          %reduce_sum3A_1269 = vector.broadcast %reduce_sum3A : i1 to vector<16xi1>
          %reduce_sum3A_1270 = tpu.scan <sum>, %convert_element_type3A_1250 masked %reduce_sum3A_1269 : vector<16xi32>, vector<16xi1> -> vector<16xi32>
          %reduce_sum3A_1271 = vector.extract %reduce_sum3A_1270[15] : i32 from vector<16xi32>
          %add3A_1272 = arith.addi %cond3A_1144, %reduce_sum3A_1271 : i32
          scf.yield %add3A_1272 : i32
        } else {
          scf.yield %cond3A_1144 : i32
        }
        %add3A_1166 = arith.constant 64 : i32
        %add3A_1167 = vector.broadcast %add3A_1166 : i32 to vector<16xi32>
        %add3A_1168 = arith.addi %iota3A, %add3A_1167 : vector<16xi32>
        %broadcast_in_dim3A_1169 = vector.broadcast %while3A_1080 : i32 to vector<16xi32>
        %gather3A_1170 = tpu.vector_load_idx %arg16[%broadcast_in_dim3A_1169, %add3A_1168] : memref<128x128xf32, #tpu.memory_space<vmem>>[vector<16xi32>, vector<16xi32>], vector<16xf32>,
        %ge3A_1171 = arith.cmpf oge, %gather3A_1170, %bitcast_convert_type3A : vector<16xf32>
        %reduce_or3A_1172 = arith.constant 1.000000e+00 : f32
        %reduce_or3A_1173 = arith.constant 0.000000e+00 : f32
        %reduce_or3A_1174 = vector.broadcast %reduce_or3A_1172 : f32 to vector<16xf32>
        %reduce_or3A_1175 = vector.broadcast %reduce_or3A_1173 : f32 to vector<16xf32>
        %reduce_or3A_1176 = arith.select %ge3A_1171, %reduce_or3A_1174, %reduce_or3A_1175 : vector<16xi1>, vector<16xf32>
        %reduce_or3A_1177 = arith.constant true
        %reduce_or3A_1178 = vector.broadcast %reduce_or3A_1177 : i1 to vector<16xi1>
        %reduce_or3A_1179 = tpu.scan <max>, %reduce_or3A_1176 masked %reduce_or3A_1178 : vector<16xf32>, vector<16xi1> -> vector<16xf32>
        %reduce_or3A_1180 = vector.extract %reduce_or3A_1179[15] : f32 from vector<16xf32>
        %reduce_or3A_1181 = arith.constant 0.000000e+00 : f32
        %reduce_or3A_1182 = arith.cmpf ogt, %reduce_or3A_1180, %reduce_or3A_1181 : f32
        %convert_element_type3A_1183 = arith.extui %reduce_or3A_1182 : i1 to i32
        %cond3A_1184 = arith.constant 0 : i32
        %cond3A_1185 = arith.cmpi ne, %convert_element_type3A_1183, %cond3A_1184 : i32
        %cond3A_1186 = scf.if %cond3A_1185 -> (i32) {
          %convert_element_type3A_1250 = arith.extui %ge3A_1171 : vector<16xi1> to vector<16xi32>
          %broadcast_in_dim3A_1251 = arith.constant true
          %broadcast_in_dim3A_1252 = vector.broadcast %broadcast_in_dim3A_1251 : i1 to vector<16xi1>
          %masked_cumsum3A = tpu.scan <sum>, %convert_element_type3A_1250 masked %broadcast_in_dim3A_1252 : vector<16xi32>, vector<16xi1> -> vector<16xi32>
          %add3A_1253 = vector.broadcast %cond3A_1165 : i32 to vector<16xi32>
          %add3A_1254 = arith.addi %add3A_1253, %masked_cumsum3A : vector<16xi32>
          %sub3A_1255 = arith.constant 1 : i32
          %sub3A_1256 = vector.broadcast %sub3A_1255 : i32 to vector<16xi32>
          %sub3A_1257 = arith.subi %add3A_1254, %sub3A_1256 : vector<16xi32>
          %min3A_1258 = arith.constant 2047 : i32
          %min3A_1259 = vector.broadcast %min3A_1258 : i32 to vector<16xi32>
          %min3A_1260 = arith.minsi %sub3A_1257, %min3A_1259 : vector<16xi32>
          %mul3A_1261 = arith.constant 128 : i32
          %mul3A_1262 = vector.broadcast %mul3A_1261 : i32 to vector<16xi32>
          %mul3A_1263 = arith.muli %gather3A_1082, %mul3A_1262 : vector<16xi32>
          %add3A_1264 = arith.addi %mul3A_1263, %add3A_1168 : vector<16xi32>
          %mul3A_1265 = arith.constant 1310720 : i32
          %mul3A_1266 = arith.muli %add3A, %mul3A_1265 : i32
          %sub3A_1267 = vector.broadcast %mul3A_1266 : i32 to vector<16xi32>
          %sub3A_1268 = arith.subi %add3A_1264, %sub3A_1267 : vector<16xi32>
          tpu.vector_store_idx %arg17[%min3A_1260], %gather3A_1170 masked %ge3A_1171 : memref<2048xf32, #tpu.memory_space<vmem>>[vector<16xi32>], vector<16xf32>, vector<16xi1>
          tpu.vector_store_idx %arg18[%min3A_1260], %sub3A_1268 masked %ge3A_1171 : memref<2048xi32, #tpu.memory_space<vmem>>[vector<16xi32>], vector<16xi32>, vector<16xi1>
          %reduce_sum3A = arith.constant true
          %reduce_sum3A_1269 = vector.broadcast %reduce_sum3A : i1 to vector<16xi1>
          %reduce_sum3A_1270 = tpu.scan <sum>, %convert_element_type3A_1250 masked %reduce_sum3A_1269 : vector<16xi32>, vector<16xi1> -> vector<16xi32>
          %reduce_sum3A_1271 = vector.extract %reduce_sum3A_1270[15] : i32 from vector<16xi32>
          %add3A_1272 = arith.addi %cond3A_1165, %reduce_sum3A_1271 : i32
          scf.yield %add3A_1272 : i32
        } else {
          scf.yield %cond3A_1165 : i32
        }
        %add3A_1187 = arith.constant 80 : i32
        %add3A_1188 = vector.broadcast %add3A_1187 : i32 to vector<16xi32>
        %add3A_1189 = arith.addi %iota3A, %add3A_1188 : vector<16xi32>
        %broadcast_in_dim3A_1190 = vector.broadcast %while3A_1080 : i32 to vector<16xi32>
        %gather3A_1191 = tpu.vector_load_idx %arg16[%broadcast_in_dim3A_1190, %add3A_1189] : memref<128x128xf32, #tpu.memory_space<vmem>>[vector<16xi32>, vector<16xi32>], vector<16xf32>,
        %ge3A_1192 = arith.cmpf oge, %gather3A_1191, %bitcast_convert_type3A : vector<16xf32>
        %reduce_or3A_1193 = arith.constant 1.000000e+00 : f32
        %reduce_or3A_1194 = arith.constant 0.000000e+00 : f32
        %reduce_or3A_1195 = vector.broadcast %reduce_or3A_1193 : f32 to vector<16xf32>
        %reduce_or3A_1196 = vector.broadcast %reduce_or3A_1194 : f32 to vector<16xf32>
        %reduce_or3A_1197 = arith.select %ge3A_1192, %reduce_or3A_1195, %reduce_or3A_1196 : vector<16xi1>, vector<16xf32>
        %reduce_or3A_1198 = arith.constant true
        %reduce_or3A_1199 = vector.broadcast %reduce_or3A_1198 : i1 to vector<16xi1>
        %reduce_or3A_1200 = tpu.scan <max>, %reduce_or3A_1197 masked %reduce_or3A_1199 : vector<16xf32>, vector<16xi1> -> vector<16xf32>
        %reduce_or3A_1201 = vector.extract %reduce_or3A_1200[15] : f32 from vector<16xf32>
        %reduce_or3A_1202 = arith.constant 0.000000e+00 : f32
        %reduce_or3A_1203 = arith.cmpf ogt, %reduce_or3A_1201, %reduce_or3A_1202 : f32
        %convert_element_type3A_1204 = arith.extui %reduce_or3A_1203 : i1 to i32
        %cond3A_1205 = arith.constant 0 : i32
        %cond3A_1206 = arith.cmpi ne, %convert_element_type3A_1204, %cond3A_1205 : i32
        %cond3A_1207 = scf.if %cond3A_1206 -> (i32) {
          %convert_element_type3A_1250 = arith.extui %ge3A_1192 : vector<16xi1> to vector<16xi32>
          %broadcast_in_dim3A_1251 = arith.constant true
          %broadcast_in_dim3A_1252 = vector.broadcast %broadcast_in_dim3A_1251 : i1 to vector<16xi1>
          %masked_cumsum3A = tpu.scan <sum>, %convert_element_type3A_1250 masked %broadcast_in_dim3A_1252 : vector<16xi32>, vector<16xi1> -> vector<16xi32>
          %add3A_1253 = vector.broadcast %cond3A_1186 : i32 to vector<16xi32>
          %add3A_1254 = arith.addi %add3A_1253, %masked_cumsum3A : vector<16xi32>
          %sub3A_1255 = arith.constant 1 : i32
          %sub3A_1256 = vector.broadcast %sub3A_1255 : i32 to vector<16xi32>
          %sub3A_1257 = arith.subi %add3A_1254, %sub3A_1256 : vector<16xi32>
          %min3A_1258 = arith.constant 2047 : i32
          %min3A_1259 = vector.broadcast %min3A_1258 : i32 to vector<16xi32>
          %min3A_1260 = arith.minsi %sub3A_1257, %min3A_1259 : vector<16xi32>
          %mul3A_1261 = arith.constant 128 : i32
          %mul3A_1262 = vector.broadcast %mul3A_1261 : i32 to vector<16xi32>
          %mul3A_1263 = arith.muli %gather3A_1082, %mul3A_1262 : vector<16xi32>
          %add3A_1264 = arith.addi %mul3A_1263, %add3A_1189 : vector<16xi32>
          %mul3A_1265 = arith.constant 1310720 : i32
          %mul3A_1266 = arith.muli %add3A, %mul3A_1265 : i32
          %sub3A_1267 = vector.broadcast %mul3A_1266 : i32 to vector<16xi32>
          %sub3A_1268 = arith.subi %add3A_1264, %sub3A_1267 : vector<16xi32>
          tpu.vector_store_idx %arg17[%min3A_1260], %gather3A_1191 masked %ge3A_1192 : memref<2048xf32, #tpu.memory_space<vmem>>[vector<16xi32>], vector<16xf32>, vector<16xi1>
          tpu.vector_store_idx %arg18[%min3A_1260], %sub3A_1268 masked %ge3A_1192 : memref<2048xi32, #tpu.memory_space<vmem>>[vector<16xi32>], vector<16xi32>, vector<16xi1>
          %reduce_sum3A = arith.constant true
          %reduce_sum3A_1269 = vector.broadcast %reduce_sum3A : i1 to vector<16xi1>
          %reduce_sum3A_1270 = tpu.scan <sum>, %convert_element_type3A_1250 masked %reduce_sum3A_1269 : vector<16xi32>, vector<16xi1> -> vector<16xi32>
          %reduce_sum3A_1271 = vector.extract %reduce_sum3A_1270[15] : i32 from vector<16xi32>
          %add3A_1272 = arith.addi %cond3A_1186, %reduce_sum3A_1271 : i32
          scf.yield %add3A_1272 : i32
        } else {
          scf.yield %cond3A_1186 : i32
        }
        %add3A_1208 = arith.constant 96 : i32
        %add3A_1209 = vector.broadcast %add3A_1208 : i32 to vector<16xi32>
        %add3A_1210 = arith.addi %iota3A, %add3A_1209 : vector<16xi32>
        %broadcast_in_dim3A_1211 = vector.broadcast %while3A_1080 : i32 to vector<16xi32>
        %gather3A_1212 = tpu.vector_load_idx %arg16[%broadcast_in_dim3A_1211, %add3A_1210] : memref<128x128xf32, #tpu.memory_space<vmem>>[vector<16xi32>, vector<16xi32>], vector<16xf32>,
        %ge3A_1213 = arith.cmpf oge, %gather3A_1212, %bitcast_convert_type3A : vector<16xf32>
        %reduce_or3A_1214 = arith.constant 1.000000e+00 : f32
        %reduce_or3A_1215 = arith.constant 0.000000e+00 : f32
        %reduce_or3A_1216 = vector.broadcast %reduce_or3A_1214 : f32 to vector<16xf32>
        %reduce_or3A_1217 = vector.broadcast %reduce_or3A_1215 : f32 to vector<16xf32>
        %reduce_or3A_1218 = arith.select %ge3A_1213, %reduce_or3A_1216, %reduce_or3A_1217 : vector<16xi1>, vector<16xf32>
        %reduce_or3A_1219 = arith.constant true
        %reduce_or3A_1220 = vector.broadcast %reduce_or3A_1219 : i1 to vector<16xi1>
        %reduce_or3A_1221 = tpu.scan <max>, %reduce_or3A_1218 masked %reduce_or3A_1220 : vector<16xf32>, vector<16xi1> -> vector<16xf32>
        %reduce_or3A_1222 = vector.extract %reduce_or3A_1221[15] : f32 from vector<16xf32>
        %reduce_or3A_1223 = arith.constant 0.000000e+00 : f32
        %reduce_or3A_1224 = arith.cmpf ogt, %reduce_or3A_1222, %reduce_or3A_1223 : f32
        %convert_element_type3A_1225 = arith.extui %reduce_or3A_1224 : i1 to i32
        %cond3A_1226 = arith.constant 0 : i32
        %cond3A_1227 = arith.cmpi ne, %convert_element_type3A_1225, %cond3A_1226 : i32
        %cond3A_1228 = scf.if %cond3A_1227 -> (i32) {
          %convert_element_type3A_1250 = arith.extui %ge3A_1213 : vector<16xi1> to vector<16xi32>
          %broadcast_in_dim3A_1251 = arith.constant true
          %broadcast_in_dim3A_1252 = vector.broadcast %broadcast_in_dim3A_1251 : i1 to vector<16xi1>
          %masked_cumsum3A = tpu.scan <sum>, %convert_element_type3A_1250 masked %broadcast_in_dim3A_1252 : vector<16xi32>, vector<16xi1> -> vector<16xi32>
          %add3A_1253 = vector.broadcast %cond3A_1207 : i32 to vector<16xi32>
          %add3A_1254 = arith.addi %add3A_1253, %masked_cumsum3A : vector<16xi32>
          %sub3A_1255 = arith.constant 1 : i32
          %sub3A_1256 = vector.broadcast %sub3A_1255 : i32 to vector<16xi32>
          %sub3A_1257 = arith.subi %add3A_1254, %sub3A_1256 : vector<16xi32>
          %min3A_1258 = arith.constant 2047 : i32
          %min3A_1259 = vector.broadcast %min3A_1258 : i32 to vector<16xi32>
          %min3A_1260 = arith.minsi %sub3A_1257, %min3A_1259 : vector<16xi32>
          %mul3A_1261 = arith.constant 128 : i32
          %mul3A_1262 = vector.broadcast %mul3A_1261 : i32 to vector<16xi32>
          %mul3A_1263 = arith.muli %gather3A_1082, %mul3A_1262 : vector<16xi32>
          %add3A_1264 = arith.addi %mul3A_1263, %add3A_1210 : vector<16xi32>
          %mul3A_1265 = arith.constant 1310720 : i32
          %mul3A_1266 = arith.muli %add3A, %mul3A_1265 : i32
          %sub3A_1267 = vector.broadcast %mul3A_1266 : i32 to vector<16xi32>
          %sub3A_1268 = arith.subi %add3A_1264, %sub3A_1267 : vector<16xi32>
          tpu.vector_store_idx %arg17[%min3A_1260], %gather3A_1212 masked %ge3A_1213 : memref<2048xf32, #tpu.memory_space<vmem>>[vector<16xi32>], vector<16xf32>, vector<16xi1>
          tpu.vector_store_idx %arg18[%min3A_1260], %sub3A_1268 masked %ge3A_1213 : memref<2048xi32, #tpu.memory_space<vmem>>[vector<16xi32>], vector<16xi32>, vector<16xi1>
          %reduce_sum3A = arith.constant true
          %reduce_sum3A_1269 = vector.broadcast %reduce_sum3A : i1 to vector<16xi1>
          %reduce_sum3A_1270 = tpu.scan <sum>, %convert_element_type3A_1250 masked %reduce_sum3A_1269 : vector<16xi32>, vector<16xi1> -> vector<16xi32>
          %reduce_sum3A_1271 = vector.extract %reduce_sum3A_1270[15] : i32 from vector<16xi32>
          %add3A_1272 = arith.addi %cond3A_1207, %reduce_sum3A_1271 : i32
          scf.yield %add3A_1272 : i32
        } else {
          scf.yield %cond3A_1207 : i32
        }
        %add3A_1229 = arith.constant 112 : i32
        %add3A_1230 = vector.broadcast %add3A_1229 : i32 to vector<16xi32>
        %add3A_1231 = arith.addi %iota3A, %add3A_1230 : vector<16xi32>
        %broadcast_in_dim3A_1232 = vector.broadcast %while3A_1080 : i32 to vector<16xi32>
        %gather3A_1233 = tpu.vector_load_idx %arg16[%broadcast_in_dim3A_1232, %add3A_1231] : memref<128x128xf32, #tpu.memory_space<vmem>>[vector<16xi32>, vector<16xi32>], vector<16xf32>,
        %ge3A_1234 = arith.cmpf oge, %gather3A_1233, %bitcast_convert_type3A : vector<16xf32>
        %reduce_or3A_1235 = arith.constant 1.000000e+00 : f32
        %reduce_or3A_1236 = arith.constant 0.000000e+00 : f32
        %reduce_or3A_1237 = vector.broadcast %reduce_or3A_1235 : f32 to vector<16xf32>
        %reduce_or3A_1238 = vector.broadcast %reduce_or3A_1236 : f32 to vector<16xf32>
        %reduce_or3A_1239 = arith.select %ge3A_1234, %reduce_or3A_1237, %reduce_or3A_1238 : vector<16xi1>, vector<16xf32>
        %reduce_or3A_1240 = arith.constant true
        %reduce_or3A_1241 = vector.broadcast %reduce_or3A_1240 : i1 to vector<16xi1>
        %reduce_or3A_1242 = tpu.scan <max>, %reduce_or3A_1239 masked %reduce_or3A_1241 : vector<16xf32>, vector<16xi1> -> vector<16xf32>
        %reduce_or3A_1243 = vector.extract %reduce_or3A_1242[15] : f32 from vector<16xf32>
        %reduce_or3A_1244 = arith.constant 0.000000e+00 : f32
        %reduce_or3A_1245 = arith.cmpf ogt, %reduce_or3A_1243, %reduce_or3A_1244 : f32
        %convert_element_type3A_1246 = arith.extui %reduce_or3A_1245 : i1 to i32
        %cond3A_1247 = arith.constant 0 : i32
        %cond3A_1248 = arith.cmpi ne, %convert_element_type3A_1246, %cond3A_1247 : i32
        %cond3A_1249 = scf.if %cond3A_1248 -> (i32) {
          %convert_element_type3A_1250 = arith.extui %ge3A_1234 : vector<16xi1> to vector<16xi32>
          %broadcast_in_dim3A_1251 = arith.constant true
          %broadcast_in_dim3A_1252 = vector.broadcast %broadcast_in_dim3A_1251 : i1 to vector<16xi1>
          %masked_cumsum3A = tpu.scan <sum>, %convert_element_type3A_1250 masked %broadcast_in_dim3A_1252 : vector<16xi32>, vector<16xi1> -> vector<16xi32>
          %add3A_1253 = vector.broadcast %cond3A_1228 : i32 to vector<16xi32>
          %add3A_1254 = arith.addi %add3A_1253, %masked_cumsum3A : vector<16xi32>
          %sub3A_1255 = arith.constant 1 : i32
          %sub3A_1256 = vector.broadcast %sub3A_1255 : i32 to vector<16xi32>
          %sub3A_1257 = arith.subi %add3A_1254, %sub3A_1256 : vector<16xi32>
          %min3A_1258 = arith.constant 2047 : i32
          %min3A_1259 = vector.broadcast %min3A_1258 : i32 to vector<16xi32>
          %min3A_1260 = arith.minsi %sub3A_1257, %min3A_1259 : vector<16xi32>
          %mul3A_1261 = arith.constant 128 : i32
          %mul3A_1262 = vector.broadcast %mul3A_1261 : i32 to vector<16xi32>
          %mul3A_1263 = arith.muli %gather3A_1082, %mul3A_1262 : vector<16xi32>
          %add3A_1264 = arith.addi %mul3A_1263, %add3A_1231 : vector<16xi32>
          %mul3A_1265 = arith.constant 1310720 : i32
          %mul3A_1266 = arith.muli %add3A, %mul3A_1265 : i32
          %sub3A_1267 = vector.broadcast %mul3A_1266 : i32 to vector<16xi32>
          %sub3A_1268 = arith.subi %add3A_1264, %sub3A_1267 : vector<16xi32>
          tpu.vector_store_idx %arg17[%min3A_1260], %gather3A_1233 masked %ge3A_1234 : memref<2048xf32, #tpu.memory_space<vmem>>[vector<16xi32>], vector<16xf32>, vector<16xi1>
          tpu.vector_store_idx %arg18[%min3A_1260], %sub3A_1268 masked %ge3A_1234 : memref<2048xi32, #tpu.memory_space<vmem>>[vector<16xi32>], vector<16xi32>, vector<16xi1>
          %reduce_sum3A = arith.constant true
          %reduce_sum3A_1269 = vector.broadcast %reduce_sum3A : i1 to vector<16xi1>
          %reduce_sum3A_1270 = tpu.scan <sum>, %convert_element_type3A_1250 masked %reduce_sum3A_1269 : vector<16xi32>, vector<16xi1> -> vector<16xi32>
          %reduce_sum3A_1271 = vector.extract %reduce_sum3A_1270[15] : i32 from vector<16xi32>
          %add3A_1272 = arith.addi %cond3A_1228, %reduce_sum3A_1271 : i32
          scf.yield %add3A_1272 : i32
        } else {
          scf.yield %cond3A_1228 : i32
        }
        scf.yield %cond3A_1249 : i32
      }
      %while3A_39 = arith.constant 1 : i32
      %while3A_40 = scf.for %while3A_1080 = %while3A_36 to %while3A_32 step %while3A_39 iter_args(%while3A_1081 = %while3A_38) -> (i32)  : i32 {
        %broadcast_in_dim3A = vector.broadcast %while3A_1080 : i32 to vector<16xi32>
        %gather3A_1082 = tpu.vector_load_idx %arg15[%broadcast_in_dim3A] : memref<128xi32, #tpu.memory_space<vmem>>[vector<16xi32>], vector<16xi32>,
        %add3A_1083 = arith.constant 0 : i32
        %add3A_1084 = vector.broadcast %add3A_1083 : i32 to vector<16xi32>
        %add3A_1085 = arith.addi %iota3A, %add3A_1084 : vector<16xi32>
        %broadcast_in_dim3A_1086 = vector.broadcast %while3A_1080 : i32 to vector<16xi32>
        %gather3A_1087 = tpu.vector_load_idx %arg16[%broadcast_in_dim3A_1086, %add3A_1085] : memref<128x128xf32, #tpu.memory_space<vmem>>[vector<16xi32>, vector<16xi32>], vector<16xf32>,
        %ge3A_1088 = arith.cmpf oge, %gather3A_1087, %bitcast_convert_type3A : vector<16xf32>
        %reduce_or3A = arith.constant 1.000000e+00 : f32
        %reduce_or3A_1089 = arith.constant 0.000000e+00 : f32
        %reduce_or3A_1090 = vector.broadcast %reduce_or3A : f32 to vector<16xf32>
        %reduce_or3A_1091 = vector.broadcast %reduce_or3A_1089 : f32 to vector<16xf32>
        %reduce_or3A_1092 = arith.select %ge3A_1088, %reduce_or3A_1090, %reduce_or3A_1091 : vector<16xi1>, vector<16xf32>
        %reduce_or3A_1093 = arith.constant true
        %reduce_or3A_1094 = vector.broadcast %reduce_or3A_1093 : i1 to vector<16xi1>
        %reduce_or3A_1095 = tpu.scan <max>, %reduce_or3A_1092 masked %reduce_or3A_1094 : vector<16xf32>, vector<16xi1> -> vector<16xf32>
        %reduce_or3A_1096 = vector.extract %reduce_or3A_1095[15] : f32 from vector<16xf32>
        %reduce_or3A_1097 = arith.constant 0.000000e+00 : f32
        %reduce_or3A_1098 = arith.cmpf ogt, %reduce_or3A_1096, %reduce_or3A_1097 : f32
        %convert_element_type3A_1099 = arith.extui %reduce_or3A_1098 : i1 to i32
        %cond3A_1100 = arith.constant 0 : i32
        %cond3A_1101 = arith.cmpi ne, %convert_element_type3A_1099, %cond3A_1100 : i32
        %cond3A_1102 = scf.if %cond3A_1101 -> (i32) {
          %convert_element_type3A_1250 = arith.extui %ge3A_1088 : vector<16xi1> to vector<16xi32>
          %broadcast_in_dim3A_1251 = arith.constant true
          %broadcast_in_dim3A_1252 = vector.broadcast %broadcast_in_dim3A_1251 : i1 to vector<16xi1>
          %masked_cumsum3A = tpu.scan <sum>, %convert_element_type3A_1250 masked %broadcast_in_dim3A_1252 : vector<16xi32>, vector<16xi1> -> vector<16xi32>
          %add3A_1253 = vector.broadcast %while3A_1081 : i32 to vector<16xi32>
          %add3A_1254 = arith.addi %add3A_1253, %masked_cumsum3A : vector<16xi32>
          %sub3A_1255 = arith.constant 1 : i32
          %sub3A_1256 = vector.broadcast %sub3A_1255 : i32 to vector<16xi32>
          %sub3A_1257 = arith.subi %add3A_1254, %sub3A_1256 : vector<16xi32>
          %min3A_1258 = arith.constant 2047 : i32
          %min3A_1259 = vector.broadcast %min3A_1258 : i32 to vector<16xi32>
          %min3A_1260 = arith.minsi %sub3A_1257, %min3A_1259 : vector<16xi32>
          %mul3A_1261 = arith.constant 128 : i32
          %mul3A_1262 = vector.broadcast %mul3A_1261 : i32 to vector<16xi32>
          %mul3A_1263 = arith.muli %gather3A_1082, %mul3A_1262 : vector<16xi32>
          %add3A_1264 = arith.addi %mul3A_1263, %add3A_1085 : vector<16xi32>
          %mul3A_1265 = arith.constant 1310720 : i32
          %mul3A_1266 = arith.muli %add3A, %mul3A_1265 : i32
          %sub3A_1267 = vector.broadcast %mul3A_1266 : i32 to vector<16xi32>
          %sub3A_1268 = arith.subi %add3A_1264, %sub3A_1267 : vector<16xi32>
          tpu.vector_store_idx %arg17[%min3A_1260], %gather3A_1087 masked %ge3A_1088 : memref<2048xf32, #tpu.memory_space<vmem>>[vector<16xi32>], vector<16xf32>, vector<16xi1>
          tpu.vector_store_idx %arg18[%min3A_1260], %sub3A_1268 masked %ge3A_1088 : memref<2048xi32, #tpu.memory_space<vmem>>[vector<16xi32>], vector<16xi32>, vector<16xi1>
          %reduce_sum3A = arith.constant true
          %reduce_sum3A_1269 = vector.broadcast %reduce_sum3A : i1 to vector<16xi1>
          %reduce_sum3A_1270 = tpu.scan <sum>, %convert_element_type3A_1250 masked %reduce_sum3A_1269 : vector<16xi32>, vector<16xi1> -> vector<16xi32>
          %reduce_sum3A_1271 = vector.extract %reduce_sum3A_1270[15] : i32 from vector<16xi32>
          %add3A_1272 = arith.addi %while3A_1081, %reduce_sum3A_1271 : i32
          scf.yield %add3A_1272 : i32
        } else {
          scf.yield %while3A_1081 : i32
        }
        %add3A_1103 = arith.constant 16 : i32
        %add3A_1104 = vector.broadcast %add3A_1103 : i32 to vector<16xi32>
        %add3A_1105 = arith.addi %iota3A, %add3A_1104 : vector<16xi32>
        %broadcast_in_dim3A_1106 = vector.broadcast %while3A_1080 : i32 to vector<16xi32>
        %gather3A_1107 = tpu.vector_load_idx %arg16[%broadcast_in_dim3A_1106, %add3A_1105] : memref<128x128xf32, #tpu.memory_space<vmem>>[vector<16xi32>, vector<16xi32>], vector<16xf32>,
        %ge3A_1108 = arith.cmpf oge, %gather3A_1107, %bitcast_convert_type3A : vector<16xf32>
        %reduce_or3A_1109 = arith.constant 1.000000e+00 : f32
        %reduce_or3A_1110 = arith.constant 0.000000e+00 : f32
        %reduce_or3A_1111 = vector.broadcast %reduce_or3A_1109 : f32 to vector<16xf32>
        %reduce_or3A_1112 = vector.broadcast %reduce_or3A_1110 : f32 to vector<16xf32>
        %reduce_or3A_1113 = arith.select %ge3A_1108, %reduce_or3A_1111, %reduce_or3A_1112 : vector<16xi1>, vector<16xf32>
        %reduce_or3A_1114 = arith.constant true
        %reduce_or3A_1115 = vector.broadcast %reduce_or3A_1114 : i1 to vector<16xi1>
        %reduce_or3A_1116 = tpu.scan <max>, %reduce_or3A_1113 masked %reduce_or3A_1115 : vector<16xf32>, vector<16xi1> -> vector<16xf32>
        %reduce_or3A_1117 = vector.extract %reduce_or3A_1116[15] : f32 from vector<16xf32>
        %reduce_or3A_1118 = arith.constant 0.000000e+00 : f32
        %reduce_or3A_1119 = arith.cmpf ogt, %reduce_or3A_1117, %reduce_or3A_1118 : f32
        %convert_element_type3A_1120 = arith.extui %reduce_or3A_1119 : i1 to i32
        %cond3A_1121 = arith.constant 0 : i32
        %cond3A_1122 = arith.cmpi ne, %convert_element_type3A_1120, %cond3A_1121 : i32
        %cond3A_1123 = scf.if %cond3A_1122 -> (i32) {
          %convert_element_type3A_1250 = arith.extui %ge3A_1108 : vector<16xi1> to vector<16xi32>
          %broadcast_in_dim3A_1251 = arith.constant true
          %broadcast_in_dim3A_1252 = vector.broadcast %broadcast_in_dim3A_1251 : i1 to vector<16xi1>
          %masked_cumsum3A = tpu.scan <sum>, %convert_element_type3A_1250 masked %broadcast_in_dim3A_1252 : vector<16xi32>, vector<16xi1> -> vector<16xi32>
          %add3A_1253 = vector.broadcast %cond3A_1102 : i32 to vector<16xi32>
          %add3A_1254 = arith.addi %add3A_1253, %masked_cumsum3A : vector<16xi32>
          %sub3A_1255 = arith.constant 1 : i32
          %sub3A_1256 = vector.broadcast %sub3A_1255 : i32 to vector<16xi32>
          %sub3A_1257 = arith.subi %add3A_1254, %sub3A_1256 : vector<16xi32>
          %min3A_1258 = arith.constant 2047 : i32
          %min3A_1259 = vector.broadcast %min3A_1258 : i32 to vector<16xi32>
          %min3A_1260 = arith.minsi %sub3A_1257, %min3A_1259 : vector<16xi32>
          %mul3A_1261 = arith.constant 128 : i32
          %mul3A_1262 = vector.broadcast %mul3A_1261 : i32 to vector<16xi32>
          %mul3A_1263 = arith.muli %gather3A_1082, %mul3A_1262 : vector<16xi32>
          %add3A_1264 = arith.addi %mul3A_1263, %add3A_1105 : vector<16xi32>
          %mul3A_1265 = arith.constant 1310720 : i32
          %mul3A_1266 = arith.muli %add3A, %mul3A_1265 : i32
          %sub3A_1267 = vector.broadcast %mul3A_1266 : i32 to vector<16xi32>
          %sub3A_1268 = arith.subi %add3A_1264, %sub3A_1267 : vector<16xi32>
          tpu.vector_store_idx %arg17[%min3A_1260], %gather3A_1107 masked %ge3A_1108 : memref<2048xf32, #tpu.memory_space<vmem>>[vector<16xi32>], vector<16xf32>, vector<16xi1>
          tpu.vector_store_idx %arg18[%min3A_1260], %sub3A_1268 masked %ge3A_1108 : memref<2048xi32, #tpu.memory_space<vmem>>[vector<16xi32>], vector<16xi32>, vector<16xi1>
          %reduce_sum3A = arith.constant true
          %reduce_sum3A_1269 = vector.broadcast %reduce_sum3A : i1 to vector<16xi1>
          %reduce_sum3A_1270 = tpu.scan <sum>, %convert_element_type3A_1250 masked %reduce_sum3A_1269 : vector<16xi32>, vector<16xi1> -> vector<16xi32>
          %reduce_sum3A_1271 = vector.extract %reduce_sum3A_1270[15] : i32 from vector<16xi32>
          %add3A_1272 = arith.addi %cond3A_1102, %reduce_sum3A_1271 : i32
          scf.yield %add3A_1272 : i32
        } else {
          scf.yield %cond3A_1102 : i32
        }
        %add3A_1124 = arith.constant 32 : i32
        %add3A_1125 = vector.broadcast %add3A_1124 : i32 to vector<16xi32>
        %add3A_1126 = arith.addi %iota3A, %add3A_1125 : vector<16xi32>
        %broadcast_in_dim3A_1127 = vector.broadcast %while3A_1080 : i32 to vector<16xi32>
        %gather3A_1128 = tpu.vector_load_idx %arg16[%broadcast_in_dim3A_1127, %add3A_1126] : memref<128x128xf32, #tpu.memory_space<vmem>>[vector<16xi32>, vector<16xi32>], vector<16xf32>,
        %ge3A_1129 = arith.cmpf oge, %gather3A_1128, %bitcast_convert_type3A : vector<16xf32>
        %reduce_or3A_1130 = arith.constant 1.000000e+00 : f32
        %reduce_or3A_1131 = arith.constant 0.000000e+00 : f32
        %reduce_or3A_1132 = vector.broadcast %reduce_or3A_1130 : f32 to vector<16xf32>
        %reduce_or3A_1133 = vector.broadcast %reduce_or3A_1131 : f32 to vector<16xf32>
        %reduce_or3A_1134 = arith.select %ge3A_1129, %reduce_or3A_1132, %reduce_or3A_1133 : vector<16xi1>, vector<16xf32>
        %reduce_or3A_1135 = arith.constant true
        %reduce_or3A_1136 = vector.broadcast %reduce_or3A_1135 : i1 to vector<16xi1>
        %reduce_or3A_1137 = tpu.scan <max>, %reduce_or3A_1134 masked %reduce_or3A_1136 : vector<16xf32>, vector<16xi1> -> vector<16xf32>
        %reduce_or3A_1138 = vector.extract %reduce_or3A_1137[15] : f32 from vector<16xf32>
        %reduce_or3A_1139 = arith.constant 0.000000e+00 : f32
        %reduce_or3A_1140 = arith.cmpf ogt, %reduce_or3A_1138, %reduce_or3A_1139 : f32
        %convert_element_type3A_1141 = arith.extui %reduce_or3A_1140 : i1 to i32
        %cond3A_1142 = arith.constant 0 : i32
        %cond3A_1143 = arith.cmpi ne, %convert_element_type3A_1141, %cond3A_1142 : i32
        %cond3A_1144 = scf.if %cond3A_1143 -> (i32) {
          %convert_element_type3A_1250 = arith.extui %ge3A_1129 : vector<16xi1> to vector<16xi32>
          %broadcast_in_dim3A_1251 = arith.constant true
          %broadcast_in_dim3A_1252 = vector.broadcast %broadcast_in_dim3A_1251 : i1 to vector<16xi1>
          %masked_cumsum3A = tpu.scan <sum>, %convert_element_type3A_1250 masked %broadcast_in_dim3A_1252 : vector<16xi32>, vector<16xi1> -> vector<16xi32>
          %add3A_1253 = vector.broadcast %cond3A_1123 : i32 to vector<16xi32>
          %add3A_1254 = arith.addi %add3A_1253, %masked_cumsum3A : vector<16xi32>
          %sub3A_1255 = arith.constant 1 : i32
          %sub3A_1256 = vector.broadcast %sub3A_1255 : i32 to vector<16xi32>
          %sub3A_1257 = arith.subi %add3A_1254, %sub3A_1256 : vector<16xi32>
          %min3A_1258 = arith.constant 2047 : i32
          %min3A_1259 = vector.broadcast %min3A_1258 : i32 to vector<16xi32>
          %min3A_1260 = arith.minsi %sub3A_1257, %min3A_1259 : vector<16xi32>
          %mul3A_1261 = arith.constant 128 : i32
          %mul3A_1262 = vector.broadcast %mul3A_1261 : i32 to vector<16xi32>
          %mul3A_1263 = arith.muli %gather3A_1082, %mul3A_1262 : vector<16xi32>
          %add3A_1264 = arith.addi %mul3A_1263, %add3A_1126 : vector<16xi32>
          %mul3A_1265 = arith.constant 1310720 : i32
          %mul3A_1266 = arith.muli %add3A, %mul3A_1265 : i32
          %sub3A_1267 = vector.broadcast %mul3A_1266 : i32 to vector<16xi32>
          %sub3A_1268 = arith.subi %add3A_1264, %sub3A_1267 : vector<16xi32>
          tpu.vector_store_idx %arg17[%min3A_1260], %gather3A_1128 masked %ge3A_1129 : memref<2048xf32, #tpu.memory_space<vmem>>[vector<16xi32>], vector<16xf32>, vector<16xi1>
          tpu.vector_store_idx %arg18[%min3A_1260], %sub3A_1268 masked %ge3A_1129 : memref<2048xi32, #tpu.memory_space<vmem>>[vector<16xi32>], vector<16xi32>, vector<16xi1>
          %reduce_sum3A = arith.constant true
          %reduce_sum3A_1269 = vector.broadcast %reduce_sum3A : i1 to vector<16xi1>
          %reduce_sum3A_1270 = tpu.scan <sum>, %convert_element_type3A_1250 masked %reduce_sum3A_1269 : vector<16xi32>, vector<16xi1> -> vector<16xi32>
          %reduce_sum3A_1271 = vector.extract %reduce_sum3A_1270[15] : i32 from vector<16xi32>
          %add3A_1272 = arith.addi %cond3A_1123, %reduce_sum3A_1271 : i32
          scf.yield %add3A_1272 : i32
        } else {
          scf.yield %cond3A_1123 : i32
        }
        %add3A_1145 = arith.constant 48 : i32
        %add3A_1146 = vector.broadcast %add3A_1145 : i32 to vector<16xi32>
        %add3A_1147 = arith.addi %iota3A, %add3A_1146 : vector<16xi32>
        %broadcast_in_dim3A_1148 = vector.broadcast %while3A_1080 : i32 to vector<16xi32>
        %gather3A_1149 = tpu.vector_load_idx %arg16[%broadcast_in_dim3A_1148, %add3A_1147] : memref<128x128xf32, #tpu.memory_space<vmem>>[vector<16xi32>, vector<16xi32>], vector<16xf32>,
        %ge3A_1150 = arith.cmpf oge, %gather3A_1149, %bitcast_convert_type3A : vector<16xf32>
        %reduce_or3A_1151 = arith.constant 1.000000e+00 : f32
        %reduce_or3A_1152 = arith.constant 0.000000e+00 : f32
        %reduce_or3A_1153 = vector.broadcast %reduce_or3A_1151 : f32 to vector<16xf32>
        %reduce_or3A_1154 = vector.broadcast %reduce_or3A_1152 : f32 to vector<16xf32>
        %reduce_or3A_1155 = arith.select %ge3A_1150, %reduce_or3A_1153, %reduce_or3A_1154 : vector<16xi1>, vector<16xf32>
        %reduce_or3A_1156 = arith.constant true
        %reduce_or3A_1157 = vector.broadcast %reduce_or3A_1156 : i1 to vector<16xi1>
        %reduce_or3A_1158 = tpu.scan <max>, %reduce_or3A_1155 masked %reduce_or3A_1157 : vector<16xf32>, vector<16xi1> -> vector<16xf32>
        %reduce_or3A_1159 = vector.extract %reduce_or3A_1158[15] : f32 from vector<16xf32>
        %reduce_or3A_1160 = arith.constant 0.000000e+00 : f32
        %reduce_or3A_1161 = arith.cmpf ogt, %reduce_or3A_1159, %reduce_or3A_1160 : f32
        %convert_element_type3A_1162 = arith.extui %reduce_or3A_1161 : i1 to i32
        %cond3A_1163 = arith.constant 0 : i32
        %cond3A_1164 = arith.cmpi ne, %convert_element_type3A_1162, %cond3A_1163 : i32
        %cond3A_1165 = scf.if %cond3A_1164 -> (i32) {
          %convert_element_type3A_1250 = arith.extui %ge3A_1150 : vector<16xi1> to vector<16xi32>
          %broadcast_in_dim3A_1251 = arith.constant true
          %broadcast_in_dim3A_1252 = vector.broadcast %broadcast_in_dim3A_1251 : i1 to vector<16xi1>
          %masked_cumsum3A = tpu.scan <sum>, %convert_element_type3A_1250 masked %broadcast_in_dim3A_1252 : vector<16xi32>, vector<16xi1> -> vector<16xi32>
          %add3A_1253 = vector.broadcast %cond3A_1144 : i32 to vector<16xi32>
          %add3A_1254 = arith.addi %add3A_1253, %masked_cumsum3A : vector<16xi32>
          %sub3A_1255 = arith.constant 1 : i32
          %sub3A_1256 = vector.broadcast %sub3A_1255 : i32 to vector<16xi32>
          %sub3A_1257 = arith.subi %add3A_1254, %sub3A_1256 : vector<16xi32>
          %min3A_1258 = arith.constant 2047 : i32
          %min3A_1259 = vector.broadcast %min3A_1258 : i32 to vector<16xi32>
          %min3A_1260 = arith.minsi %sub3A_1257, %min3A_1259 : vector<16xi32>
          %mul3A_1261 = arith.constant 128 : i32
          %mul3A_1262 = vector.broadcast %mul3A_1261 : i32 to vector<16xi32>
          %mul3A_1263 = arith.muli %gather3A_1082, %mul3A_1262 : vector<16xi32>
          %add3A_1264 = arith.addi %mul3A_1263, %add3A_1147 : vector<16xi32>
          %mul3A_1265 = arith.constant 1310720 : i32
          %mul3A_1266 = arith.muli %add3A, %mul3A_1265 : i32
          %sub3A_1267 = vector.broadcast %mul3A_1266 : i32 to vector<16xi32>
          %sub3A_1268 = arith.subi %add3A_1264, %sub3A_1267 : vector<16xi32>
          tpu.vector_store_idx %arg17[%min3A_1260], %gather3A_1149 masked %ge3A_1150 : memref<2048xf32, #tpu.memory_space<vmem>>[vector<16xi32>], vector<16xf32>, vector<16xi1>
          tpu.vector_store_idx %arg18[%min3A_1260], %sub3A_1268 masked %ge3A_1150 : memref<2048xi32, #tpu.memory_space<vmem>>[vector<16xi32>], vector<16xi32>, vector<16xi1>
          %reduce_sum3A = arith.constant true
          %reduce_sum3A_1269 = vector.broadcast %reduce_sum3A : i1 to vector<16xi1>
          %reduce_sum3A_1270 = tpu.scan <sum>, %convert_element_type3A_1250 masked %reduce_sum3A_1269 : vector<16xi32>, vector<16xi1> -> vector<16xi32>
          %reduce_sum3A_1271 = vector.extract %reduce_sum3A_1270[15] : i32 from vector<16xi32>
          %add3A_1272 = arith.addi %cond3A_1144, %reduce_sum3A_1271 : i32
          scf.yield %add3A_1272 : i32
        } else {
          scf.yield %cond3A_1144 : i32
        }
        %add3A_1166 = arith.constant 64 : i32
        %add3A_1167 = vector.broadcast %add3A_1166 : i32 to vector<16xi32>
        %add3A_1168 = arith.addi %iota3A, %add3A_1167 : vector<16xi32>
        %broadcast_in_dim3A_1169 = vector.broadcast %while3A_1080 : i32 to vector<16xi32>
        %gather3A_1170 = tpu.vector_load_idx %arg16[%broadcast_in_dim3A_1169, %add3A_1168] : memref<128x128xf32, #tpu.memory_space<vmem>>[vector<16xi32>, vector<16xi32>], vector<16xf32>,
        %ge3A_1171 = arith.cmpf oge, %gather3A_1170, %bitcast_convert_type3A : vector<16xf32>
        %reduce_or3A_1172 = arith.constant 1.000000e+00 : f32
        %reduce_or3A_1173 = arith.constant 0.000000e+00 : f32
        %reduce_or3A_1174 = vector.broadcast %reduce_or3A_1172 : f32 to vector<16xf32>
        %reduce_or3A_1175 = vector.broadcast %reduce_or3A_1173 : f32 to vector<16xf32>
        %reduce_or3A_1176 = arith.select %ge3A_1171, %reduce_or3A_1174, %reduce_or3A_1175 : vector<16xi1>, vector<16xf32>
        %reduce_or3A_1177 = arith.constant true
        %reduce_or3A_1178 = vector.broadcast %reduce_or3A_1177 : i1 to vector<16xi1>
        %reduce_or3A_1179 = tpu.scan <max>, %reduce_or3A_1176 masked %reduce_or3A_1178 : vector<16xf32>, vector<16xi1> -> vector<16xf32>
        %reduce_or3A_1180 = vector.extract %reduce_or3A_1179[15] : f32 from vector<16xf32>
        %reduce_or3A_1181 = arith.constant 0.000000e+00 : f32
        %reduce_or3A_1182 = arith.cmpf ogt, %reduce_or3A_1180, %reduce_or3A_1181 : f32
        %convert_element_type3A_1183 = arith.extui %reduce_or3A_1182 : i1 to i32
        %cond3A_1184 = arith.constant 0 : i32
        %cond3A_1185 = arith.cmpi ne, %convert_element_type3A_1183, %cond3A_1184 : i32
        %cond3A_1186 = scf.if %cond3A_1185 -> (i32) {
          %convert_element_type3A_1250 = arith.extui %ge3A_1171 : vector<16xi1> to vector<16xi32>
          %broadcast_in_dim3A_1251 = arith.constant true
          %broadcast_in_dim3A_1252 = vector.broadcast %broadcast_in_dim3A_1251 : i1 to vector<16xi1>
          %masked_cumsum3A = tpu.scan <sum>, %convert_element_type3A_1250 masked %broadcast_in_dim3A_1252 : vector<16xi32>, vector<16xi1> -> vector<16xi32>
          %add3A_1253 = vector.broadcast %cond3A_1165 : i32 to vector<16xi32>
          %add3A_1254 = arith.addi %add3A_1253, %masked_cumsum3A : vector<16xi32>
          %sub3A_1255 = arith.constant 1 : i32
          %sub3A_1256 = vector.broadcast %sub3A_1255 : i32 to vector<16xi32>
          %sub3A_1257 = arith.subi %add3A_1254, %sub3A_1256 : vector<16xi32>
          %min3A_1258 = arith.constant 2047 : i32
          %min3A_1259 = vector.broadcast %min3A_1258 : i32 to vector<16xi32>
          %min3A_1260 = arith.minsi %sub3A_1257, %min3A_1259 : vector<16xi32>
          %mul3A_1261 = arith.constant 128 : i32
          %mul3A_1262 = vector.broadcast %mul3A_1261 : i32 to vector<16xi32>
          %mul3A_1263 = arith.muli %gather3A_1082, %mul3A_1262 : vector<16xi32>
          %add3A_1264 = arith.addi %mul3A_1263, %add3A_1168 : vector<16xi32>
          %mul3A_1265 = arith.constant 1310720 : i32
          %mul3A_1266 = arith.muli %add3A, %mul3A_1265 : i32
          %sub3A_1267 = vector.broadcast %mul3A_1266 : i32 to vector<16xi32>
          %sub3A_1268 = arith.subi %add3A_1264, %sub3A_1267 : vector<16xi32>
          tpu.vector_store_idx %arg17[%min3A_1260], %gather3A_1170 masked %ge3A_1171 : memref<2048xf32, #tpu.memory_space<vmem>>[vector<16xi32>], vector<16xf32>, vector<16xi1>
          tpu.vector_store_idx %arg18[%min3A_1260], %sub3A_1268 masked %ge3A_1171 : memref<2048xi32, #tpu.memory_space<vmem>>[vector<16xi32>], vector<16xi32>, vector<16xi1>
          %reduce_sum3A = arith.constant true
          %reduce_sum3A_1269 = vector.broadcast %reduce_sum3A : i1 to vector<16xi1>
          %reduce_sum3A_1270 = tpu.scan <sum>, %convert_element_type3A_1250 masked %reduce_sum3A_1269 : vector<16xi32>, vector<16xi1> -> vector<16xi32>
          %reduce_sum3A_1271 = vector.extract %reduce_sum3A_1270[15] : i32 from vector<16xi32>
          %add3A_1272 = arith.addi %cond3A_1165, %reduce_sum3A_1271 : i32
          scf.yield %add3A_1272 : i32
        } else {
          scf.yield %cond3A_1165 : i32
        }
        %add3A_1187 = arith.constant 80 : i32
        %add3A_1188 = vector.broadcast %add3A_1187 : i32 to vector<16xi32>
        %add3A_1189 = arith.addi %iota3A, %add3A_1188 : vector<16xi32>
        %broadcast_in_dim3A_1190 = vector.broadcast %while3A_1080 : i32 to vector<16xi32>
        %gather3A_1191 = tpu.vector_load_idx %arg16[%broadcast_in_dim3A_1190, %add3A_1189] : memref<128x128xf32, #tpu.memory_space<vmem>>[vector<16xi32>, vector<16xi32>], vector<16xf32>,
        %ge3A_1192 = arith.cmpf oge, %gather3A_1191, %bitcast_convert_type3A : vector<16xf32>
        %reduce_or3A_1193 = arith.constant 1.000000e+00 : f32
        %reduce_or3A_1194 = arith.constant 0.000000e+00 : f32
        %reduce_or3A_1195 = vector.broadcast %reduce_or3A_1193 : f32 to vector<16xf32>
        %reduce_or3A_1196 = vector.broadcast %reduce_or3A_1194 : f32 to vector<16xf32>
        %reduce_or3A_1197 = arith.select %ge3A_1192, %reduce_or3A_1195, %reduce_or3A_1196 : vector<16xi1>, vector<16xf32>
        %reduce_or3A_1198 = arith.constant true
        %reduce_or3A_1199 = vector.broadcast %reduce_or3A_1198 : i1 to vector<16xi1>
        %reduce_or3A_1200 = tpu.scan <max>, %reduce_or3A_1197 masked %reduce_or3A_1199 : vector<16xf32>, vector<16xi1> -> vector<16xf32>
        %reduce_or3A_1201 = vector.extract %reduce_or3A_1200[15] : f32 from vector<16xf32>
        %reduce_or3A_1202 = arith.constant 0.000000e+00 : f32
        %reduce_or3A_1203 = arith.cmpf ogt, %reduce_or3A_1201, %reduce_or3A_1202 : f32
        %convert_element_type3A_1204 = arith.extui %reduce_or3A_1203 : i1 to i32
        %cond3A_1205 = arith.constant 0 : i32
        %cond3A_1206 = arith.cmpi ne, %convert_element_type3A_1204, %cond3A_1205 : i32
        %cond3A_1207 = scf.if %cond3A_1206 -> (i32) {
          %convert_element_type3A_1250 = arith.extui %ge3A_1192 : vector<16xi1> to vector<16xi32>
          %broadcast_in_dim3A_1251 = arith.constant true
          %broadcast_in_dim3A_1252 = vector.broadcast %broadcast_in_dim3A_1251 : i1 to vector<16xi1>
          %masked_cumsum3A = tpu.scan <sum>, %convert_element_type3A_1250 masked %broadcast_in_dim3A_1252 : vector<16xi32>, vector<16xi1> -> vector<16xi32>
          %add3A_1253 = vector.broadcast %cond3A_1186 : i32 to vector<16xi32>
          %add3A_1254 = arith.addi %add3A_1253, %masked_cumsum3A : vector<16xi32>
          %sub3A_1255 = arith.constant 1 : i32
          %sub3A_1256 = vector.broadcast %sub3A_1255 : i32 to vector<16xi32>
          %sub3A_1257 = arith.subi %add3A_1254, %sub3A_1256 : vector<16xi32>
          %min3A_1258 = arith.constant 2047 : i32
          %min3A_1259 = vector.broadcast %min3A_1258 : i32 to vector<16xi32>
          %min3A_1260 = arith.minsi %sub3A_1257, %min3A_1259 : vector<16xi32>
          %mul3A_1261 = arith.constant 128 : i32
          %mul3A_1262 = vector.broadcast %mul3A_1261 : i32 to vector<16xi32>
          %mul3A_1263 = arith.muli %gather3A_1082, %mul3A_1262 : vector<16xi32>
          %add3A_1264 = arith.addi %mul3A_1263, %add3A_1189 : vector<16xi32>
          %mul3A_1265 = arith.constant 1310720 : i32
          %mul3A_1266 = arith.muli %add3A, %mul3A_1265 : i32
          %sub3A_1267 = vector.broadcast %mul3A_1266 : i32 to vector<16xi32>
          %sub3A_1268 = arith.subi %add3A_1264, %sub3A_1267 : vector<16xi32>
          tpu.vector_store_idx %arg17[%min3A_1260], %gather3A_1191 masked %ge3A_1192 : memref<2048xf32, #tpu.memory_space<vmem>>[vector<16xi32>], vector<16xf32>, vector<16xi1>
          tpu.vector_store_idx %arg18[%min3A_1260], %sub3A_1268 masked %ge3A_1192 : memref<2048xi32, #tpu.memory_space<vmem>>[vector<16xi32>], vector<16xi32>, vector<16xi1>
          %reduce_sum3A = arith.constant true
          %reduce_sum3A_1269 = vector.broadcast %reduce_sum3A : i1 to vector<16xi1>
          %reduce_sum3A_1270 = tpu.scan <sum>, %convert_element_type3A_1250 masked %reduce_sum3A_1269 : vector<16xi32>, vector<16xi1> -> vector<16xi32>
          %reduce_sum3A_1271 = vector.extract %reduce_sum3A_1270[15] : i32 from vector<16xi32>
          %add3A_1272 = arith.addi %cond3A_1186, %reduce_sum3A_1271 : i32
          scf.yield %add3A_1272 : i32
        } else {
          scf.yield %cond3A_1186 : i32
        }
        %add3A_1208 = arith.constant 96 : i32
        %add3A_1209 = vector.broadcast %add3A_1208 : i32 to vector<16xi32>
        %add3A_1210 = arith.addi %iota3A, %add3A_1209 : vector<16xi32>
        %broadcast_in_dim3A_1211 = vector.broadcast %while3A_1080 : i32 to vector<16xi32>
        %gather3A_1212 = tpu.vector_load_idx %arg16[%broadcast_in_dim3A_1211, %add3A_1210] : memref<128x128xf32, #tpu.memory_space<vmem>>[vector<16xi32>, vector<16xi32>], vector<16xf32>,
        %ge3A_1213 = arith.cmpf oge, %gather3A_1212, %bitcast_convert_type3A : vector<16xf32>
        %reduce_or3A_1214 = arith.constant 1.000000e+00 : f32
        %reduce_or3A_1215 = arith.constant 0.000000e+00 : f32
        %reduce_or3A_1216 = vector.broadcast %reduce_or3A_1214 : f32 to vector<16xf32>
        %reduce_or3A_1217 = vector.broadcast %reduce_or3A_1215 : f32 to vector<16xf32>
        %reduce_or3A_1218 = arith.select %ge3A_1213, %reduce_or3A_1216, %reduce_or3A_1217 : vector<16xi1>, vector<16xf32>
        %reduce_or3A_1219 = arith.constant true
        %reduce_or3A_1220 = vector.broadcast %reduce_or3A_1219 : i1 to vector<16xi1>
        %reduce_or3A_1221 = tpu.scan <max>, %reduce_or3A_1218 masked %reduce_or3A_1220 : vector<16xf32>, vector<16xi1> -> vector<16xf32>
        %reduce_or3A_1222 = vector.extract %reduce_or3A_1221[15] : f32 from vector<16xf32>
        %reduce_or3A_1223 = arith.constant 0.000000e+00 : f32
        %reduce_or3A_1224 = arith.cmpf ogt, %reduce_or3A_1222, %reduce_or3A_1223 : f32
        %convert_element_type3A_1225 = arith.extui %reduce_or3A_1224 : i1 to i32
        %cond3A_1226 = arith.constant 0 : i32
        %cond3A_1227 = arith.cmpi ne, %convert_element_type3A_1225, %cond3A_1226 : i32
        %cond3A_1228 = scf.if %cond3A_1227 -> (i32) {
          %convert_element_type3A_1250 = arith.extui %ge3A_1213 : vector<16xi1> to vector<16xi32>
          %broadcast_in_dim3A_1251 = arith.constant true
          %broadcast_in_dim3A_1252 = vector.broadcast %broadcast_in_dim3A_1251 : i1 to vector<16xi1>
          %masked_cumsum3A = tpu.scan <sum>, %convert_element_type3A_1250 masked %broadcast_in_dim3A_1252 : vector<16xi32>, vector<16xi1> -> vector<16xi32>
          %add3A_1253 = vector.broadcast %cond3A_1207 : i32 to vector<16xi32>
          %add3A_1254 = arith.addi %add3A_1253, %masked_cumsum3A : vector<16xi32>
          %sub3A_1255 = arith.constant 1 : i32
          %sub3A_1256 = vector.broadcast %sub3A_1255 : i32 to vector<16xi32>
          %sub3A_1257 = arith.subi %add3A_1254, %sub3A_1256 : vector<16xi32>
          %min3A_1258 = arith.constant 2047 : i32
          %min3A_1259 = vector.broadcast %min3A_1258 : i32 to vector<16xi32>
          %min3A_1260 = arith.minsi %sub3A_1257, %min3A_1259 : vector<16xi32>
          %mul3A_1261 = arith.constant 128 : i32
          %mul3A_1262 = vector.broadcast %mul3A_1261 : i32 to vector<16xi32>
          %mul3A_1263 = arith.muli %gather3A_1082, %mul3A_1262 : vector<16xi32>
          %add3A_1264 = arith.addi %mul3A_1263, %add3A_1210 : vector<16xi32>
          %mul3A_1265 = arith.constant 1310720 : i32
          %mul3A_1266 = arith.muli %add3A, %mul3A_1265 : i32
          %sub3A_1267 = vector.broadcast %mul3A_1266 : i32 to vector<16xi32>
          %sub3A_1268 = arith.subi %add3A_1264, %sub3A_1267 : vector<16xi32>
          tpu.vector_store_idx %arg17[%min3A_1260], %gather3A_1212 masked %ge3A_1213 : memref<2048xf32, #tpu.memory_space<vmem>>[vector<16xi32>], vector<16xf32>, vector<16xi1>
          tpu.vector_store_idx %arg18[%min3A_1260], %sub3A_1268 masked %ge3A_1213 : memref<2048xi32, #tpu.memory_space<vmem>>[vector<16xi32>], vector<16xi32>, vector<16xi1>
          %reduce_sum3A = arith.constant true
          %reduce_sum3A_1269 = vector.broadcast %reduce_sum3A : i1 to vector<16xi1>
          %reduce_sum3A_1270 = tpu.scan <sum>, %convert_element_type3A_1250 masked %reduce_sum3A_1269 : vector<16xi32>, vector<16xi1> -> vector<16xi32>
          %reduce_sum3A_1271 = vector.extract %reduce_sum3A_1270[15] : i32 from vector<16xi32>
          %add3A_1272 = arith.addi %cond3A_1207, %reduce_sum3A_1271 : i32
          scf.yield %add3A_1272 : i32
        } else {
          scf.yield %cond3A_1207 : i32
        }
        %add3A_1229 = arith.constant 112 : i32
        %add3A_1230 = vector.broadcast %add3A_1229 : i32 to vector<16xi32>
        %add3A_1231 = arith.addi %iota3A, %add3A_1230 : vector<16xi32>
        %broadcast_in_dim3A_1232 = vector.broadcast %while3A_1080 : i32 to vector<16xi32>
        %gather3A_1233 = tpu.vector_load_idx %arg16[%broadcast_in_dim3A_1232, %add3A_1231] : memref<128x128xf32, #tpu.memory_space<vmem>>[vector<16xi32>, vector<16xi32>], vector<16xf32>,
        %ge3A_1234 = arith.cmpf oge, %gather3A_1233, %bitcast_convert_type3A : vector<16xf32>
        %reduce_or3A_1235 = arith.constant 1.000000e+00 : f32
        %reduce_or3A_1236 = arith.constant 0.000000e+00 : f32
        %reduce_or3A_1237 = vector.broadcast %reduce_or3A_1235 : f32 to vector<16xf32>
        %reduce_or3A_1238 = vector.broadcast %reduce_or3A_1236 : f32 to vector<16xf32>
        %reduce_or3A_1239 = arith.select %ge3A_1234, %reduce_or3A_1237, %reduce_or3A_1238 : vector<16xi1>, vector<16xf32>
        %reduce_or3A_1240 = arith.constant true
        %reduce_or3A_1241 = vector.broadcast %reduce_or3A_1240 : i1 to vector<16xi1>
        %reduce_or3A_1242 = tpu.scan <max>, %reduce_or3A_1239 masked %reduce_or3A_1241 : vector<16xf32>, vector<16xi1> -> vector<16xf32>
        %reduce_or3A_1243 = vector.extract %reduce_or3A_1242[15] : f32 from vector<16xf32>
        %reduce_or3A_1244 = arith.constant 0.000000e+00 : f32
        %reduce_or3A_1245 = arith.cmpf ogt, %reduce_or3A_1243, %reduce_or3A_1244 : f32
        %convert_element_type3A_1246 = arith.extui %reduce_or3A_1245 : i1 to i32
        %cond3A_1247 = arith.constant 0 : i32
        %cond3A_1248 = arith.cmpi ne, %convert_element_type3A_1246, %cond3A_1247 : i32
        %cond3A_1249 = scf.if %cond3A_1248 -> (i32) {
          %convert_element_type3A_1250 = arith.extui %ge3A_1234 : vector<16xi1> to vector<16xi32>
          %broadcast_in_dim3A_1251 = arith.constant true
          %broadcast_in_dim3A_1252 = vector.broadcast %broadcast_in_dim3A_1251 : i1 to vector<16xi1>
          %masked_cumsum3A = tpu.scan <sum>, %convert_element_type3A_1250 masked %broadcast_in_dim3A_1252 : vector<16xi32>, vector<16xi1> -> vector<16xi32>
          %add3A_1253 = vector.broadcast %cond3A_1228 : i32 to vector<16xi32>
          %add3A_1254 = arith.addi %add3A_1253, %masked_cumsum3A : vector<16xi32>
          %sub3A_1255 = arith.constant 1 : i32
          %sub3A_1256 = vector.broadcast %sub3A_1255 : i32 to vector<16xi32>
          %sub3A_1257 = arith.subi %add3A_1254, %sub3A_1256 : vector<16xi32>
          %min3A_1258 = arith.constant 2047 : i32
          %min3A_1259 = vector.broadcast %min3A_1258 : i32 to vector<16xi32>
          %min3A_1260 = arith.minsi %sub3A_1257, %min3A_1259 : vector<16xi32>
          %mul3A_1261 = arith.constant 128 : i32
          %mul3A_1262 = vector.broadcast %mul3A_1261 : i32 to vector<16xi32>
          %mul3A_1263 = arith.muli %gather3A_1082, %mul3A_1262 : vector<16xi32>
          %add3A_1264 = arith.addi %mul3A_1263, %add3A_1231 : vector<16xi32>
          %mul3A_1265 = arith.constant 1310720 : i32
          %mul3A_1266 = arith.muli %add3A, %mul3A_1265 : i32
          %sub3A_1267 = vector.broadcast %mul3A_1266 : i32 to vector<16xi32>
          %sub3A_1268 = arith.subi %add3A_1264, %sub3A_1267 : vector<16xi32>
          tpu.vector_store_idx %arg17[%min3A_1260], %gather3A_1233 masked %ge3A_1234 : memref<2048xf32, #tpu.memory_space<vmem>>[vector<16xi32>], vector<16xf32>, vector<16xi1>
          tpu.vector_store_idx %arg18[%min3A_1260], %sub3A_1268 masked %ge3A_1234 : memref<2048xi32, #tpu.memory_space<vmem>>[vector<16xi32>], vector<16xi32>, vector<16xi1>
          %reduce_sum3A = arith.constant true
          %reduce_sum3A_1269 = vector.broadcast %reduce_sum3A : i1 to vector<16xi1>
          %reduce_sum3A_1270 = tpu.scan <sum>, %convert_element_type3A_1250 masked %reduce_sum3A_1269 : vector<16xi32>, vector<16xi1> -> vector<16xi32>
          %reduce_sum3A_1271 = vector.extract %reduce_sum3A_1270[15] : i32 from vector<16xi32>
          %add3A_1272 = arith.addi %cond3A_1228, %reduce_sum3A_1271 : i32
          scf.yield %add3A_1272 : i32
        } else {
          scf.yield %cond3A_1228 : i32
        }
        scf.yield %cond3A_1249 : i32
      }
      %min3A_41 = arith.constant 2048 : i32
      %min3A_42 = arith.minsi %while3A_40, %min3A_41 : i32
      %add3A_43 = arith.constant 15 : i32
      %add3A_44 = arith.addi %min3A_42, %add3A_43 : i32
      %jit3A = arith.constant 16 : i32
      %div3A = arith.divsi %add3A_44, %jit3A : i32
      %sign3A = arith.constant 0 : i32
      %sign3A_45 = arith.cmpi sgt, %add3A_44, %sign3A : i32
      %sign3A_46 = arith.extui %sign3A_45 : i1 to i32
      %sign3A_47 = arith.constant 0 : i32
      %sign3A_48 = arith.cmpi slt, %add3A_44, %sign3A_47 : i32
      %sign3A_49 = arith.extui %sign3A_48 : i1 to i32
      %sign3A_50 = arith.subi %sign3A_46, %sign3A_49 : i32
      %sign3A_51 = arith.constant 0 : i32
      %sign3A_52 = arith.cmpi sgt, %jit3A, %sign3A_51 : i32
      %sign3A_53 = arith.extui %sign3A_52 : i1 to i32
      %sign3A_54 = arith.constant 0 : i32
      %sign3A_55 = arith.cmpi slt, %jit3A, %sign3A_54 : i32
      %sign3A_56 = arith.extui %sign3A_55 : i1 to i32
      %sign3A_57 = arith.subi %sign3A_53, %sign3A_56 : i32
      %ne3A = arith.cmpi ne, %sign3A_50, %sign3A_57 : i32
      %rem3A = arith.remsi %add3A_44, %jit3A : i32
      %ne3A_58 = arith.constant 0 : i32
      %ne3A_59 = arith.cmpi ne, %rem3A, %ne3A_58 : i32
      %and3A = arith.andi %ne3A, %ne3A_59 : i1
      %sub3A = arith.constant 1 : i32
      %sub3A_60 = arith.subi %div3A, %sub3A : i32
      %select_n3A_61 = arith.select %and3A, %sub3A_60, %div3A : i32
      %while3A_62 = arith.constant 0 : i32
      %while3A_63 = arith.constant 0 : i32
      %while3A_64 = arith.subi %select_n3A_61, %while3A_62 : i32
      %while3A_65 = arith.addi %while3A_62, %while3A_64 : i32
      %while3A_66 = arith.constant 1 : i32
      %while3A_67 = arith.divsi %while3A_64, %while3A_66 : i32
      %while3A_68 = arith.muli %while3A_67, %while3A_66 : i32
      %while3A_69 = arith.addi %while3A_62, %while3A_68 : i32
      %while3A_70 = arith.constant 1 : i32
      %while3A_71 = scf.for %while3A_1080 = %while3A_62 to %while3A_69 step %while3A_70 iter_args(%while3A_1081 = %while3A_63) -> (i32)  : i32 {
        %mul3A_1082 = arith.constant 16 : i32
        %mul3A_1083 = arith.muli %while3A_1080, %mul3A_1082 : i32
        %get3A_1084 = arith.index_cast %mul3A_1083 : i32 to index
        %get3A_1085 = tpu.vector_load %arg17[%get3A_1084] {strides = array<i32>} : memref<2048xf32, #tpu.memory_space<vmem>>, vector<16xf32>,
        %get3A_1086 = arith.index_cast %mul3A_1083 : i32 to index
        %get3A_1087 = tpu.vector_load %arg18[%get3A_1086] {strides = array<i32>} : memref<2048xi32, #tpu.memory_space<vmem>>, vector<16xi32>,
        %broadcast_in_dim3A = arith.constant 0 : i32
        %broadcast_in_dim3A_1088 = vector.broadcast %broadcast_in_dim3A : i32 to vector<16xi32>
        %while3A_1089 = arith.constant 0 : i32
        %while3A_1090 = arith.subi %min3A_42, %while3A_1089 : i32
        %while3A_1091 = arith.addi %while3A_1089, %while3A_1090 : i32
        %while3A_1092 = arith.constant 1 : i32
        %while3A_1093 = arith.divsi %while3A_1090, %while3A_1092 : i32
        %while3A_1094 = arith.muli %while3A_1093, %while3A_1092 : i32
        %while3A_1095 = arith.addi %while3A_1089, %while3A_1094 : i32
        %while3A_1096 = arith.constant 1 : i32
        %while3A_1097 = scf.for %while3A_1107 = %while3A_1089 to %while3A_1095 step %while3A_1096 iter_args(%while3A_1108 = %broadcast_in_dim3A_1088) -> (vector<16xi32>)  : i32 {
          %broadcast_in_dim3A_1109 = vector.broadcast %while3A_1107 : i32 to vector<16xi32>
          %gather3A_1110 = tpu.vector_load_idx %arg17[%broadcast_in_dim3A_1109] : memref<2048xf32, #tpu.memory_space<vmem>>[vector<16xi32>], vector<16xf32>,
          %broadcast_in_dim3A_1111 = vector.broadcast %while3A_1107 : i32 to vector<16xi32>
          %gather3A_1112 = tpu.vector_load_idx %arg18[%broadcast_in_dim3A_1111] : memref<2048xi32, #tpu.memory_space<vmem>>[vector<16xi32>], vector<16xi32>,
          %gt3A = arith.cmpf ogt, %gather3A_1110, %get3A_1085 : vector<16xf32>
          %eq3A = arith.cmpf oeq, %gather3A_1110, %get3A_1085 : vector<16xf32>
          %lt3A_1113 = arith.cmpi slt, %gather3A_1112, %get3A_1087 : vector<16xi32>
          %and3A_1114 = arith.andi %eq3A, %lt3A_1113 : vector<16xi1>
          %or3A = arith.ori %gt3A, %and3A_1114 : vector<16xi1>
          %convert_element_type3A_1115 = arith.extui %or3A : vector<16xi1> to vector<16xi32>
          %add3A_1116 = arith.addi %while3A_1108, %convert_element_type3A_1115 : vector<16xi32>
          scf.yield %add3A_1116 : vector<16xi32>
        }
        %while3A_1098 = arith.constant 1 : i32
        %while3A_1099 = scf.for %while3A_1107 = %while3A_1095 to %while3A_1091 step %while3A_1098 iter_args(%while3A_1108 = %while3A_1097) -> (vector<16xi32>)  : i32 {
          %broadcast_in_dim3A_1109 = vector.broadcast %while3A_1107 : i32 to vector<16xi32>
          %gather3A_1110 = tpu.vector_load_idx %arg17[%broadcast_in_dim3A_1109] : memref<2048xf32, #tpu.memory_space<vmem>>[vector<16xi32>], vector<16xf32>,
          %broadcast_in_dim3A_1111 = vector.broadcast %while3A_1107 : i32 to vector<16xi32>
          %gather3A_1112 = tpu.vector_load_idx %arg18[%broadcast_in_dim3A_1111] : memref<2048xi32, #tpu.memory_space<vmem>>[vector<16xi32>], vector<16xi32>,
          %gt3A = arith.cmpf ogt, %gather3A_1110, %get3A_1085 : vector<16xf32>
          %eq3A = arith.cmpf oeq, %gather3A_1110, %get3A_1085 : vector<16xf32>
          %lt3A_1113 = arith.cmpi slt, %gather3A_1112, %get3A_1087 : vector<16xi32>
          %and3A_1114 = arith.andi %eq3A, %lt3A_1113 : vector<16xi1>
          %or3A = arith.ori %gt3A, %and3A_1114 : vector<16xi1>
          %convert_element_type3A_1115 = arith.extui %or3A : vector<16xi1> to vector<16xi32>
          %add3A_1116 = arith.addi %while3A_1108, %convert_element_type3A_1115 : vector<16xi32>
          scf.yield %add3A_1116 : vector<16xi32>
        }
        %lt3A_1100 = arith.constant 100 : i32
        %lt3A_1101 = vector.broadcast %lt3A_1100 : i32 to vector<16xi32>
        %lt3A_1102 = arith.cmpi slt, %while3A_1099, %lt3A_1101 : vector<16xi32>
        %min3A_1103 = arith.constant 111 : i32
        %min3A_1104 = vector.broadcast %min3A_1103 : i32 to vector<16xi32>
        %min3A_1105 = arith.minsi %while3A_1099, %min3A_1104 : vector<16xi32>
        tpu.vector_store_idx %arg19[%min3A_1105], %get3A_1085 masked %lt3A_1102 : memref<112xf32, #tpu.memory_space<vmem>>[vector<16xi32>], vector<16xf32>, vector<16xi1>
        tpu.vector_store_idx %arg20[%min3A_1105], %get3A_1087 masked %lt3A_1102 : memref<112xi32, #tpu.memory_space<vmem>>[vector<16xi32>], vector<16xi32>, vector<16xi1>
        %while3A_1106 = arith.constant 0 : i32
        scf.yield %while3A_1106 : i32
      }
      %while3A_72 = arith.constant 1 : i32
      %while3A_73 = scf.for %while3A_1080 = %while3A_69 to %while3A_65 step %while3A_72 iter_args(%while3A_1081 = %while3A_71) -> (i32)  : i32 {
        %mul3A_1082 = arith.constant 16 : i32
        %mul3A_1083 = arith.muli %while3A_1080, %mul3A_1082 : i32
        %get3A_1084 = arith.index_cast %mul3A_1083 : i32 to index
        %get3A_1085 = tpu.vector_load %arg17[%get3A_1084] {strides = array<i32>} : memref<2048xf32, #tpu.memory_space<vmem>>, vector<16xf32>,
        %get3A_1086 = arith.index_cast %mul3A_1083 : i32 to index
        %get3A_1087 = tpu.vector_load %arg18[%get3A_1086] {strides = array<i32>} : memref<2048xi32, #tpu.memory_space<vmem>>, vector<16xi32>,
        %broadcast_in_dim3A = arith.constant 0 : i32
        %broadcast_in_dim3A_1088 = vector.broadcast %broadcast_in_dim3A : i32 to vector<16xi32>
        %while3A_1089 = arith.constant 0 : i32
        %while3A_1090 = arith.subi %min3A_42, %while3A_1089 : i32
        %while3A_1091 = arith.addi %while3A_1089, %while3A_1090 : i32
        %while3A_1092 = arith.constant 1 : i32
        %while3A_1093 = arith.divsi %while3A_1090, %while3A_1092 : i32
        %while3A_1094 = arith.muli %while3A_1093, %while3A_1092 : i32
        %while3A_1095 = arith.addi %while3A_1089, %while3A_1094 : i32
        %while3A_1096 = arith.constant 1 : i32
        %while3A_1097 = scf.for %while3A_1107 = %while3A_1089 to %while3A_1095 step %while3A_1096 iter_args(%while3A_1108 = %broadcast_in_dim3A_1088) -> (vector<16xi32>)  : i32 {
          %broadcast_in_dim3A_1109 = vector.broadcast %while3A_1107 : i32 to vector<16xi32>
          %gather3A_1110 = tpu.vector_load_idx %arg17[%broadcast_in_dim3A_1109] : memref<2048xf32, #tpu.memory_space<vmem>>[vector<16xi32>], vector<16xf32>,
          %broadcast_in_dim3A_1111 = vector.broadcast %while3A_1107 : i32 to vector<16xi32>
          %gather3A_1112 = tpu.vector_load_idx %arg18[%broadcast_in_dim3A_1111] : memref<2048xi32, #tpu.memory_space<vmem>>[vector<16xi32>], vector<16xi32>,
          %gt3A = arith.cmpf ogt, %gather3A_1110, %get3A_1085 : vector<16xf32>
          %eq3A = arith.cmpf oeq, %gather3A_1110, %get3A_1085 : vector<16xf32>
          %lt3A_1113 = arith.cmpi slt, %gather3A_1112, %get3A_1087 : vector<16xi32>
          %and3A_1114 = arith.andi %eq3A, %lt3A_1113 : vector<16xi1>
          %or3A = arith.ori %gt3A, %and3A_1114 : vector<16xi1>
          %convert_element_type3A_1115 = arith.extui %or3A : vector<16xi1> to vector<16xi32>
          %add3A_1116 = arith.addi %while3A_1108, %convert_element_type3A_1115 : vector<16xi32>
          scf.yield %add3A_1116 : vector<16xi32>
        }
        %while3A_1098 = arith.constant 1 : i32
        %while3A_1099 = scf.for %while3A_1107 = %while3A_1095 to %while3A_1091 step %while3A_1098 iter_args(%while3A_1108 = %while3A_1097) -> (vector<16xi32>)  : i32 {
          %broadcast_in_dim3A_1109 = vector.broadcast %while3A_1107 : i32 to vector<16xi32>
          %gather3A_1110 = tpu.vector_load_idx %arg17[%broadcast_in_dim3A_1109] : memref<2048xf32, #tpu.memory_space<vmem>>[vector<16xi32>], vector<16xf32>,
          %broadcast_in_dim3A_1111 = vector.broadcast %while3A_1107 : i32 to vector<16xi32>
          %gather3A_1112 = tpu.vector_load_idx %arg18[%broadcast_in_dim3A_1111] : memref<2048xi32, #tpu.memory_space<vmem>>[vector<16xi32>], vector<16xi32>,
          %gt3A = arith.cmpf ogt, %gather3A_1110, %get3A_1085 : vector<16xf32>
          %eq3A = arith.cmpf oeq, %gather3A_1110, %get3A_1085 : vector<16xf32>
          %lt3A_1113 = arith.cmpi slt, %gather3A_1112, %get3A_1087 : vector<16xi32>
          %and3A_1114 = arith.andi %eq3A, %lt3A_1113 : vector<16xi1>
          %or3A = arith.ori %gt3A, %and3A_1114 : vector<16xi1>
          %convert_element_type3A_1115 = arith.extui %or3A : vector<16xi1> to vector<16xi32>
          %add3A_1116 = arith.addi %while3A_1108, %convert_element_type3A_1115 : vector<16xi32>
          scf.yield %add3A_1116 : vector<16xi32>
        }
        %lt3A_1100 = arith.constant 100 : i32
        %lt3A_1101 = vector.broadcast %lt3A_1100 : i32 to vector<16xi32>
        %lt3A_1102 = arith.cmpi slt, %while3A_1099, %lt3A_1101 : vector<16xi32>
        %min3A_1103 = arith.constant 111 : i32
        %min3A_1104 = vector.broadcast %min3A_1103 : i32 to vector<16xi32>
        %min3A_1105 = arith.minsi %while3A_1099, %min3A_1104 : vector<16xi32>
        tpu.vector_store_idx %arg19[%min3A_1105], %get3A_1085 masked %lt3A_1102 : memref<112xf32, #tpu.memory_space<vmem>>[vector<16xi32>], vector<16xf32>, vector<16xi1>
        tpu.vector_store_idx %arg20[%min3A_1105], %get3A_1087 masked %lt3A_1102 : memref<112xi32, #tpu.memory_space<vmem>>[vector<16xi32>], vector<16xi32>, vector<16xi1>
        %while3A_1106 = arith.constant 0 : i32
        scf.yield %while3A_1106 : i32
      }
      %get3A_74 = arith.constant 0 : index
      %get3A_75 = tpu.vector_load %arg20[%get3A_74] {strides = array<i32>} : memref<112xi32, #tpu.memory_space<vmem>>, vector<16xi32>,
      %and3A_76 = arith.constant 16383 : i32
      %and3A_77 = vector.broadcast %and3A_76 : i32 to vector<16xi32>
      %and3A_78 = arith.andi %get3A_75, %and3A_77 : vector<16xi32>
      %shift_right_arithmetic3A = arith.constant 7 : i32
      %shift_right_arithmetic3A_79 = vector.broadcast %shift_right_arithmetic3A : i32 to vector<16xi32>
      %shift_right_arithmetic3A_80 = arith.shrsi %and3A_78, %shift_right_arithmetic3A_79 : vector<16xi32>
      %mul3A_81 = arith.constant 256 : i32
      %mul3A_82 = arith.muli %add3A, %mul3A_81 : i32
      %add3A_83 = vector.broadcast %mul3A_82 : i32 to vector<16xi32>
      %add3A_84 = arith.addi %add3A_83, %shift_right_arithmetic3A_80 : vector<16xi32>
      %swap3A = arith.constant 0 : index
      %swap3A_85 = tpu.vector_load %arg21[%swap3A] {strides = array<i32>} : memref<112xi32, #tpu.memory_space<vmem>>, vector<16xi32>,
      tpu.vector_store %arg21[%swap3A], %add3A_84 {strides = array<i32>} : memref<112xi32, #tpu.memory_space<vmem>>, vector<16xi32>,
      %mul3A_86 = arith.constant 256 : i32
      %mul3A_87 = arith.muli %add3A, %mul3A_86 : i32
      %add3A_88 = arith.constant 128 : i32
      %add3A_89 = arith.addi %mul3A_87, %add3A_88 : i32
      %add3A_90 = vector.broadcast %add3A_89 : i32 to vector<16xi32>
      %add3A_91 = arith.addi %add3A_90, %shift_right_arithmetic3A_80 : vector<16xi32>
      %swap3A_92 = arith.constant 0 : index
      %swap3A_93 = tpu.vector_load %arg22[%swap3A_92] {strides = array<i32>} : memref<112xi32, #tpu.memory_space<vmem>>, vector<16xi32>,
      tpu.vector_store %arg22[%swap3A_92], %add3A_91 {strides = array<i32>} : memref<112xi32, #tpu.memory_space<vmem>>, vector<16xi32>,
      %get3A_94 = arith.constant 16 : index
      %get3A_95 = tpu.vector_load %arg20[%get3A_94] {strides = array<i32>} : memref<112xi32, #tpu.memory_space<vmem>>, vector<16xi32>,
      %and3A_96 = arith.constant 16383 : i32
      %and3A_97 = vector.broadcast %and3A_96 : i32 to vector<16xi32>
      %and3A_98 = arith.andi %get3A_95, %and3A_97 : vector<16xi32>
      %shift_right_arithmetic3A_99 = arith.constant 7 : i32
      %shift_right_arithmetic3A_100 = vector.broadcast %shift_right_arithmetic3A_99 : i32 to vector<16xi32>
      %shift_right_arithmetic3A_101 = arith.shrsi %and3A_98, %shift_right_arithmetic3A_100 : vector<16xi32>
      %mul3A_102 = arith.constant 256 : i32
      %mul3A_103 = arith.muli %add3A, %mul3A_102 : i32
      %add3A_104 = vector.broadcast %mul3A_103 : i32 to vector<16xi32>
      %add3A_105 = arith.addi %add3A_104, %shift_right_arithmetic3A_101 : vector<16xi32>
      %swap3A_106 = arith.constant 16 : index
      %swap3A_107 = tpu.vector_load %arg21[%swap3A_106] {strides = array<i32>} : memref<112xi32, #tpu.memory_space<vmem>>, vector<16xi32>,
      tpu.vector_store %arg21[%swap3A_106], %add3A_105 {strides = array<i32>} : memref<112xi32, #tpu.memory_space<vmem>>, vector<16xi32>,
      %mul3A_108 = arith.constant 256 : i32
      %mul3A_109 = arith.muli %add3A, %mul3A_108 : i32
      %add3A_110 = arith.constant 128 : i32
      %add3A_111 = arith.addi %mul3A_109, %add3A_110 : i32
      %add3A_112 = vector.broadcast %add3A_111 : i32 to vector<16xi32>
      %add3A_113 = arith.addi %add3A_112, %shift_right_arithmetic3A_101 : vector<16xi32>
      %swap3A_114 = arith.constant 16 : index
      %swap3A_115 = tpu.vector_load %arg22[%swap3A_114] {strides = array<i32>} : memref<112xi32, #tpu.memory_space<vmem>>, vector<16xi32>,
      tpu.vector_store %arg22[%swap3A_114], %add3A_113 {strides = array<i32>} : memref<112xi32, #tpu.memory_space<vmem>>, vector<16xi32>,
      %get3A_116 = arith.constant 32 : index
      %get3A_117 = tpu.vector_load %arg20[%get3A_116] {strides = array<i32>} : memref<112xi32, #tpu.memory_space<vmem>>, vector<16xi32>,
      %and3A_118 = arith.constant 16383 : i32
      %and3A_119 = vector.broadcast %and3A_118 : i32 to vector<16xi32>
      %and3A_120 = arith.andi %get3A_117, %and3A_119 : vector<16xi32>
      %shift_right_arithmetic3A_121 = arith.constant 7 : i32
      %shift_right_arithmetic3A_122 = vector.broadcast %shift_right_arithmetic3A_121 : i32 to vector<16xi32>
      %shift_right_arithmetic3A_123 = arith.shrsi %and3A_120, %shift_right_arithmetic3A_122 : vector<16xi32>
      %mul3A_124 = arith.constant 256 : i32
      %mul3A_125 = arith.muli %add3A, %mul3A_124 : i32
      %add3A_126 = vector.broadcast %mul3A_125 : i32 to vector<16xi32>
      %add3A_127 = arith.addi %add3A_126, %shift_right_arithmetic3A_123 : vector<16xi32>
      %swap3A_128 = arith.constant 32 : index
      %swap3A_129 = tpu.vector_load %arg21[%swap3A_128] {strides = array<i32>} : memref<112xi32, #tpu.memory_space<vmem>>, vector<16xi32>,
      tpu.vector_store %arg21[%swap3A_128], %add3A_127 {strides = array<i32>} : memref<112xi32, #tpu.memory_space<vmem>>, vector<16xi32>,
      %mul3A_130 = arith.constant 256 : i32
      %mul3A_131 = arith.muli %add3A, %mul3A_130 : i32
      %add3A_132 = arith.constant 128 : i32
      %add3A_133 = arith.addi %mul3A_131, %add3A_132 : i32
      %add3A_134 = vector.broadcast %add3A_133 : i32 to vector<16xi32>
      %add3A_135 = arith.addi %add3A_134, %shift_right_arithmetic3A_123 : vector<16xi32>
      %swap3A_136 = arith.constant 32 : index
      %swap3A_137 = tpu.vector_load %arg22[%swap3A_136] {strides = array<i32>} : memref<112xi32, #tpu.memory_space<vmem>>, vector<16xi32>,
      tpu.vector_store %arg22[%swap3A_136], %add3A_135 {strides = array<i32>} : memref<112xi32, #tpu.memory_space<vmem>>, vector<16xi32>,
      %get3A_138 = arith.constant 48 : index
      %get3A_139 = tpu.vector_load %arg20[%get3A_138] {strides = array<i32>} : memref<112xi32, #tpu.memory_space<vmem>>, vector<16xi32>,
      %and3A_140 = arith.constant 16383 : i32
      %and3A_141 = vector.broadcast %and3A_140 : i32 to vector<16xi32>
      %and3A_142 = arith.andi %get3A_139, %and3A_141 : vector<16xi32>
      %shift_right_arithmetic3A_143 = arith.constant 7 : i32
      %shift_right_arithmetic3A_144 = vector.broadcast %shift_right_arithmetic3A_143 : i32 to vector<16xi32>
      %shift_right_arithmetic3A_145 = arith.shrsi %and3A_142, %shift_right_arithmetic3A_144 : vector<16xi32>
      %mul3A_146 = arith.constant 256 : i32
      %mul3A_147 = arith.muli %add3A, %mul3A_146 : i32
      %add3A_148 = vector.broadcast %mul3A_147 : i32 to vector<16xi32>
      %add3A_149 = arith.addi %add3A_148, %shift_right_arithmetic3A_145 : vector<16xi32>
      %swap3A_150 = arith.constant 48 : index
      %swap3A_151 = tpu.vector_load %arg21[%swap3A_150] {strides = array<i32>} : memref<112xi32, #tpu.memory_space<vmem>>, vector<16xi32>,
      tpu.vector_store %arg21[%swap3A_150], %add3A_149 {strides = array<i32>} : memref<112xi32, #tpu.memory_space<vmem>>, vector<16xi32>,
      %mul3A_152 = arith.constant 256 : i32
      %mul3A_153 = arith.muli %add3A, %mul3A_152 : i32
      %add3A_154 = arith.constant 128 : i32
      %add3A_155 = arith.addi %mul3A_153, %add3A_154 : i32
      %add3A_156 = vector.broadcast %add3A_155 : i32 to vector<16xi32>
      %add3A_157 = arith.addi %add3A_156, %shift_right_arithmetic3A_145 : vector<16xi32>
      %swap3A_158 = arith.constant 48 : index
      %swap3A_159 = tpu.vector_load %arg22[%swap3A_158] {strides = array<i32>} : memref<112xi32, #tpu.memory_space<vmem>>, vector<16xi32>,
      tpu.vector_store %arg22[%swap3A_158], %add3A_157 {strides = array<i32>} : memref<112xi32, #tpu.memory_space<vmem>>, vector<16xi32>,
      %get3A_160 = arith.constant 64 : index
      %get3A_161 = tpu.vector_load %arg20[%get3A_160] {strides = array<i32>} : memref<112xi32, #tpu.memory_space<vmem>>, vector<16xi32>,
      %and3A_162 = arith.constant 16383 : i32
      %and3A_163 = vector.broadcast %and3A_162 : i32 to vector<16xi32>
      %and3A_164 = arith.andi %get3A_161, %and3A_163 : vector<16xi32>
      %shift_right_arithmetic3A_165 = arith.constant 7 : i32
      %shift_right_arithmetic3A_166 = vector.broadcast %shift_right_arithmetic3A_165 : i32 to vector<16xi32>
      %shift_right_arithmetic3A_167 = arith.shrsi %and3A_164, %shift_right_arithmetic3A_166 : vector<16xi32>
      %mul3A_168 = arith.constant 256 : i32
      %mul3A_169 = arith.muli %add3A, %mul3A_168 : i32
      %add3A_170 = vector.broadcast %mul3A_169 : i32 to vector<16xi32>
      %add3A_171 = arith.addi %add3A_170, %shift_right_arithmetic3A_167 : vector<16xi32>
      %swap3A_172 = arith.constant 64 : index
      %swap3A_173 = tpu.vector_load %arg21[%swap3A_172] {strides = array<i32>} : memref<112xi32, #tpu.memory_space<vmem>>, vector<16xi32>,
      tpu.vector_store %arg21[%swap3A_172], %add3A_171 {strides = array<i32>} : memref<112xi32, #tpu.memory_space<vmem>>, vector<16xi32>,
      %mul3A_174 = arith.constant 256 : i32
      %mul3A_175 = arith.muli %add3A, %mul3A_174 : i32
      %add3A_176 = arith.constant 128 : i32
      %add3A_177 = arith.addi %mul3A_175, %add3A_176 : i32
      %add3A_178 = vector.broadcast %add3A_177 : i32 to vector<16xi32>
      %add3A_179 = arith.addi %add3A_178, %shift_right_arithmetic3A_167 : vector<16xi32>
      %swap3A_180 = arith.constant 64 : index
      %swap3A_181 = tpu.vector_load %arg22[%swap3A_180] {strides = array<i32>} : memref<112xi32, #tpu.memory_space<vmem>>, vector<16xi32>,
      tpu.vector_store %arg22[%swap3A_180], %add3A_179 {strides = array<i32>} : memref<112xi32, #tpu.memory_space<vmem>>, vector<16xi32>,
      %get3A_182 = arith.constant 80 : index
      %get3A_183 = tpu.vector_load %arg20[%get3A_182] {strides = array<i32>} : memref<112xi32, #tpu.memory_space<vmem>>, vector<16xi32>,
      %and3A_184 = arith.constant 16383 : i32
      %and3A_185 = vector.broadcast %and3A_184 : i32 to vector<16xi32>
      %and3A_186 = arith.andi %get3A_183, %and3A_185 : vector<16xi32>
      %shift_right_arithmetic3A_187 = arith.constant 7 : i32
      %shift_right_arithmetic3A_188 = vector.broadcast %shift_right_arithmetic3A_187 : i32 to vector<16xi32>
      %shift_right_arithmetic3A_189 = arith.shrsi %and3A_186, %shift_right_arithmetic3A_188 : vector<16xi32>
      %mul3A_190 = arith.constant 256 : i32
      %mul3A_191 = arith.muli %add3A, %mul3A_190 : i32
      %add3A_192 = vector.broadcast %mul3A_191 : i32 to vector<16xi32>
      %add3A_193 = arith.addi %add3A_192, %shift_right_arithmetic3A_189 : vector<16xi32>
      %swap3A_194 = arith.constant 80 : index
      %swap3A_195 = tpu.vector_load %arg21[%swap3A_194] {strides = array<i32>} : memref<112xi32, #tpu.memory_space<vmem>>, vector<16xi32>,
      tpu.vector_store %arg21[%swap3A_194], %add3A_193 {strides = array<i32>} : memref<112xi32, #tpu.memory_space<vmem>>, vector<16xi32>,
      %mul3A_196 = arith.constant 256 : i32
      %mul3A_197 = arith.muli %add3A, %mul3A_196 : i32
      %add3A_198 = arith.constant 128 : i32
      %add3A_199 = arith.addi %mul3A_197, %add3A_198 : i32
      %add3A_200 = vector.broadcast %add3A_199 : i32 to vector<16xi32>
      %add3A_201 = arith.addi %add3A_200, %shift_right_arithmetic3A_189 : vector<16xi32>
      %swap3A_202 = arith.constant 80 : index
      %swap3A_203 = tpu.vector_load %arg22[%swap3A_202] {strides = array<i32>} : memref<112xi32, #tpu.memory_space<vmem>>, vector<16xi32>,
      tpu.vector_store %arg22[%swap3A_202], %add3A_201 {strides = array<i32>} : memref<112xi32, #tpu.memory_space<vmem>>, vector<16xi32>,
      %get3A_204 = arith.constant 96 : index
      %get3A_205 = tpu.vector_load %arg20[%get3A_204] {strides = array<i32>} : memref<112xi32, #tpu.memory_space<vmem>>, vector<16xi32>,
      %and3A_206 = arith.constant 16383 : i32
      %and3A_207 = vector.broadcast %and3A_206 : i32 to vector<16xi32>
      %and3A_208 = arith.andi %get3A_205, %and3A_207 : vector<16xi32>
      %shift_right_arithmetic3A_209 = arith.constant 7 : i32
      %shift_right_arithmetic3A_210 = vector.broadcast %shift_right_arithmetic3A_209 : i32 to vector<16xi32>
      %shift_right_arithmetic3A_211 = arith.shrsi %and3A_208, %shift_right_arithmetic3A_210 : vector<16xi32>
      %mul3A_212 = arith.constant 256 : i32
      %mul3A_213 = arith.muli %add3A, %mul3A_212 : i32
      %add3A_214 = vector.broadcast %mul3A_213 : i32 to vector<16xi32>
      %add3A_215 = arith.addi %add3A_214, %shift_right_arithmetic3A_211 : vector<16xi32>
      %swap3A_216 = arith.constant 96 : index
      %swap3A_217 = tpu.vector_load %arg21[%swap3A_216] {strides = array<i32>} : memref<112xi32, #tpu.memory_space<vmem>>, vector<16xi32>,
      tpu.vector_store %arg21[%swap3A_216], %add3A_215 {strides = array<i32>} : memref<112xi32, #tpu.memory_space<vmem>>, vector<16xi32>,
      %mul3A_218 = arith.constant 256 : i32
      %mul3A_219 = arith.muli %add3A, %mul3A_218 : i32
      %add3A_220 = arith.constant 128 : i32
      %add3A_221 = arith.addi %mul3A_219, %add3A_220 : i32
      %add3A_222 = vector.broadcast %add3A_221 : i32 to vector<16xi32>
      %add3A_223 = arith.addi %add3A_222, %shift_right_arithmetic3A_211 : vector<16xi32>
      %swap3A_224 = arith.constant 96 : index
      %swap3A_225 = tpu.vector_load %arg22[%swap3A_224] {strides = array<i32>} : memref<112xi32, #tpu.memory_space<vmem>>, vector<16xi32>,
      tpu.vector_store %arg22[%swap3A_224], %add3A_223 {strides = array<i32>} : memref<112xi32, #tpu.memory_space<vmem>>, vector<16xi32>,
      %dma_start3A = arith.constant 0 : i32
      %dma_start3A_226 = arith.constant 0 : i32
      %dma_start3A_227 = tpu.memref_slice %arg5[%dma_start3A, %dma_start3A_226] : memref<4096x128xf32, #tpu.memory_space<hbm>> -> memref<4096x128xf32, #tpu.memory_space<hbm>>
      tpu.enqueue_indirect_dma source(%dma_start3A_227 : memref<4096x128xf32, #tpu.memory_space<hbm>>) target(%arg23 : memref<112x128xf32, #tpu.memory_space<vmem>>) offsets(%arg21 : memref<112xi32, #tpu.memory_space<vmem>>) semaphore(%arg27 : memref<!tpu.dma_semaphore, #tpu.memory_space<semaphore_mem>>)
      %dma_start3A_228 = arith.constant 0 : i32
      %dma_start3A_229 = arith.constant 0 : i32
      %dma_start3A_230 = tpu.memref_slice %arg5[%dma_start3A_228, %dma_start3A_229] : memref<4096x128xf32, #tpu.memory_space<hbm>> -> memref<4096x128xf32, #tpu.memory_space<hbm>>
      tpu.enqueue_indirect_dma source(%dma_start3A_230 : memref<4096x128xf32, #tpu.memory_space<hbm>>) target(%arg24 : memref<112x128xf32, #tpu.memory_space<vmem>>) offsets(%arg22 : memref<112xi32, #tpu.memory_space<vmem>>) semaphore(%arg28 : memref<!tpu.dma_semaphore, #tpu.memory_space<semaphore_mem>>)
      %dma_start3A_231 = arith.constant 0 : i32
      %dma_start3A_232 = arith.constant 0 : i32
      %dma_start3A_233 = tpu.memref_slice %arg6[%dma_start3A_231, %dma_start3A_232] : memref<4096x128xf32, #tpu.memory_space<hbm>> -> memref<4096x128xf32, #tpu.memory_space<hbm>>
      tpu.enqueue_indirect_dma source(%dma_start3A_233 : memref<4096x128xf32, #tpu.memory_space<hbm>>) target(%arg25 : memref<112x128xf32, #tpu.memory_space<vmem>>) offsets(%arg21 : memref<112xi32, #tpu.memory_space<vmem>>) semaphore(%arg29 : memref<!tpu.dma_semaphore, #tpu.memory_space<semaphore_mem>>)
      %dma_start3A_234 = arith.constant 0 : i32
      %dma_start3A_235 = arith.constant 0 : i32
      %dma_start3A_236 = tpu.memref_slice %arg6[%dma_start3A_234, %dma_start3A_235] : memref<4096x128xf32, #tpu.memory_space<hbm>> -> memref<4096x128xf32, #tpu.memory_space<hbm>>
      tpu.enqueue_indirect_dma source(%dma_start3A_236 : memref<4096x128xf32, #tpu.memory_space<hbm>>) target(%arg26 : memref<112x128xf32, #tpu.memory_space<vmem>>) offsets(%arg22 : memref<112xi32, #tpu.memory_space<vmem>>) semaphore(%arg30 : memref<!tpu.dma_semaphore, #tpu.memory_space<semaphore_mem>>)
      %dma_wait3A = arith.constant 0 : i32
      %dma_wait3A_237 = arith.constant 0 : i32
      %dma_wait3A_238 = tpu.memref_slice %arg5[%dma_wait3A, %dma_wait3A_237] : memref<4096x128xf32, #tpu.memory_space<hbm>> -> memref<4096x128xf32, #tpu.memory_space<hbm>>
      tpu.wait_indirect_dma semaphore(%arg27 : memref<!tpu.dma_semaphore, #tpu.memory_space<semaphore_mem>>) src(%dma_wait3A_238 : memref<4096x128xf32, #tpu.memory_space<hbm>>) dst(%arg23 : memref<112x128xf32, #tpu.memory_space<vmem>>)
      %dma_wait3A_239 = arith.constant 0 : i32
      %dma_wait3A_240 = arith.constant 0 : i32
      %dma_wait3A_241 = tpu.memref_slice %arg5[%dma_wait3A_239, %dma_wait3A_240] : memref<4096x128xf32, #tpu.memory_space<hbm>> -> memref<4096x128xf32, #tpu.memory_space<hbm>>
      tpu.wait_indirect_dma semaphore(%arg28 : memref<!tpu.dma_semaphore, #tpu.memory_space<semaphore_mem>>) src(%dma_wait3A_241 : memref<4096x128xf32, #tpu.memory_space<hbm>>) dst(%arg24 : memref<112x128xf32, #tpu.memory_space<vmem>>)
      %dma_wait3A_242 = arith.constant 0 : i32
      %dma_wait3A_243 = arith.constant 0 : i32
      %dma_wait3A_244 = tpu.memref_slice %arg6[%dma_wait3A_242, %dma_wait3A_243] : memref<4096x128xf32, #tpu.memory_space<hbm>> -> memref<4096x128xf32, #tpu.memory_space<hbm>>
      tpu.wait_indirect_dma semaphore(%arg29 : memref<!tpu.dma_semaphore, #tpu.memory_space<semaphore_mem>>) src(%dma_wait3A_244 : memref<4096x128xf32, #tpu.memory_space<hbm>>) dst(%arg25 : memref<112x128xf32, #tpu.memory_space<vmem>>)
      %dma_wait3A_245 = arith.constant 0 : i32
      %dma_wait3A_246 = arith.constant 0 : i32
      %dma_wait3A_247 = tpu.memref_slice %arg6[%dma_wait3A_245, %dma_wait3A_246] : memref<4096x128xf32, #tpu.memory_space<hbm>> -> memref<4096x128xf32, #tpu.memory_space<hbm>>
      tpu.wait_indirect_dma semaphore(%arg30 : memref<!tpu.dma_semaphore, #tpu.memory_space<semaphore_mem>>) src(%dma_wait3A_247 : memref<4096x128xf32, #tpu.memory_space<hbm>>) dst(%arg26 : memref<112x128xf32, #tpu.memory_space<vmem>>)
      %get3A_248 = arith.constant 0 : index
      %get3A_249 = tpu.vector_load %arg20[%get3A_248] {strides = array<i32>} : memref<112xi32, #tpu.memory_space<vmem>>, vector<16xi32>,
      %and3A_250 = arith.constant 16383 : i32
      %and3A_251 = vector.broadcast %and3A_250 : i32 to vector<16xi32>
      %and3A_252 = arith.andi %get3A_249, %and3A_251 : vector<16xi32>
      %and3A_253 = arith.constant 127 : i32
      %and3A_254 = vector.broadcast %and3A_253 : i32 to vector<16xi32>
      %and3A_255 = arith.andi %and3A_252, %and3A_254 : vector<16xi32>
      %add3A_256 = arith.constant 0 : i32
      %add3A_257 = vector.broadcast %add3A_256 : i32 to vector<16xi32>
      %add3A_258 = arith.addi %iota3A, %add3A_257 : vector<16xi32>
      %gather3A = tpu.vector_load_idx %arg23[%add3A_258, %and3A_255] : memref<112x128xf32, #tpu.memory_space<vmem>>[vector<16xi32>, vector<16xi32>], vector<16xf32>,
      %swap3A_259 = arith.constant 0 : index
      %swap3A_260 = tpu.vector_load %arg31[%swap3A_259] {strides = array<i32>} : memref<112xf32, #tpu.memory_space<vmem>>, vector<16xf32>,
      tpu.vector_store %arg31[%swap3A_259], %gather3A {strides = array<i32>} : memref<112xf32, #tpu.memory_space<vmem>>, vector<16xf32>,
      %get3A_261 = arith.constant 16 : index
      %get3A_262 = tpu.vector_load %arg20[%get3A_261] {strides = array<i32>} : memref<112xi32, #tpu.memory_space<vmem>>, vector<16xi32>,
      %and3A_263 = arith.constant 16383 : i32
      %and3A_264 = vector.broadcast %and3A_263 : i32 to vector<16xi32>
      %and3A_265 = arith.andi %get3A_262, %and3A_264 : vector<16xi32>
      %and3A_266 = arith.constant 127 : i32
      %and3A_267 = vector.broadcast %and3A_266 : i32 to vector<16xi32>
      %and3A_268 = arith.andi %and3A_265, %and3A_267 : vector<16xi32>
      %add3A_269 = arith.constant 16 : i32
      %add3A_270 = vector.broadcast %add3A_269 : i32 to vector<16xi32>
      %add3A_271 = arith.addi %iota3A, %add3A_270 : vector<16xi32>
      %gather3A_272 = tpu.vector_load_idx %arg23[%add3A_271, %and3A_268] : memref<112x128xf32, #tpu.memory_space<vmem>>[vector<16xi32>, vector<16xi32>], vector<16xf32>,
      %swap3A_273 = arith.constant 16 : index
      %swap3A_274 = tpu.vector_load %arg31[%swap3A_273] {strides = array<i32>} : memref<112xf32, #tpu.memory_space<vmem>>, vector<16xf32>,
      tpu.vector_store %arg31[%swap3A_273], %gather3A_272 {strides = array<i32>} : memref<112xf32, #tpu.memory_space<vmem>>, vector<16xf32>,
      %get3A_275 = arith.constant 32 : index
      %get3A_276 = tpu.vector_load %arg20[%get3A_275] {strides = array<i32>} : memref<112xi32, #tpu.memory_space<vmem>>, vector<16xi32>,
      %and3A_277 = arith.constant 16383 : i32
      %and3A_278 = vector.broadcast %and3A_277 : i32 to vector<16xi32>
      %and3A_279 = arith.andi %get3A_276, %and3A_278 : vector<16xi32>
      %and3A_280 = arith.constant 127 : i32
      %and3A_281 = vector.broadcast %and3A_280 : i32 to vector<16xi32>
      %and3A_282 = arith.andi %and3A_279, %and3A_281 : vector<16xi32>
      %add3A_283 = arith.constant 32 : i32
      %add3A_284 = vector.broadcast %add3A_283 : i32 to vector<16xi32>
      %add3A_285 = arith.addi %iota3A, %add3A_284 : vector<16xi32>
      %gather3A_286 = tpu.vector_load_idx %arg23[%add3A_285, %and3A_282] : memref<112x128xf32, #tpu.memory_space<vmem>>[vector<16xi32>, vector<16xi32>], vector<16xf32>,
      %swap3A_287 = arith.constant 32 : index
      %swap3A_288 = tpu.vector_load %arg31[%swap3A_287] {strides = array<i32>} : memref<112xf32, #tpu.memory_space<vmem>>, vector<16xf32>,
      tpu.vector_store %arg31[%swap3A_287], %gather3A_286 {strides = array<i32>} : memref<112xf32, #tpu.memory_space<vmem>>, vector<16xf32>,
      %get3A_289 = arith.constant 48 : index
      %get3A_290 = tpu.vector_load %arg20[%get3A_289] {strides = array<i32>} : memref<112xi32, #tpu.memory_space<vmem>>, vector<16xi32>,
      %and3A_291 = arith.constant 16383 : i32
      %and3A_292 = vector.broadcast %and3A_291 : i32 to vector<16xi32>
      %and3A_293 = arith.andi %get3A_290, %and3A_292 : vector<16xi32>
      %and3A_294 = arith.constant 127 : i32
      %and3A_295 = vector.broadcast %and3A_294 : i32 to vector<16xi32>
      %and3A_296 = arith.andi %and3A_293, %and3A_295 : vector<16xi32>
      %add3A_297 = arith.constant 48 : i32
      %add3A_298 = vector.broadcast %add3A_297 : i32 to vector<16xi32>
      %add3A_299 = arith.addi %iota3A, %add3A_298 : vector<16xi32>
      %gather3A_300 = tpu.vector_load_idx %arg23[%add3A_299, %and3A_296] : memref<112x128xf32, #tpu.memory_space<vmem>>[vector<16xi32>, vector<16xi32>], vector<16xf32>,
      %swap3A_301 = arith.constant 48 : index
      %swap3A_302 = tpu.vector_load %arg31[%swap3A_301] {strides = array<i32>} : memref<112xf32, #tpu.memory_space<vmem>>, vector<16xf32>,
      tpu.vector_store %arg31[%swap3A_301], %gather3A_300 {strides = array<i32>} : memref<112xf32, #tpu.memory_space<vmem>>, vector<16xf32>,
      %get3A_303 = arith.constant 64 : index
      %get3A_304 = tpu.vector_load %arg20[%get3A_303] {strides = array<i32>} : memref<112xi32, #tpu.memory_space<vmem>>, vector<16xi32>,
      %and3A_305 = arith.constant 16383 : i32
      %and3A_306 = vector.broadcast %and3A_305 : i32 to vector<16xi32>
      %and3A_307 = arith.andi %get3A_304, %and3A_306 : vector<16xi32>
      %and3A_308 = arith.constant 127 : i32
      %and3A_309 = vector.broadcast %and3A_308 : i32 to vector<16xi32>
      %and3A_310 = arith.andi %and3A_307, %and3A_309 : vector<16xi32>
      %add3A_311 = arith.constant 64 : i32
      %add3A_312 = vector.broadcast %add3A_311 : i32 to vector<16xi32>
      %add3A_313 = arith.addi %iota3A, %add3A_312 : vector<16xi32>
      %gather3A_314 = tpu.vector_load_idx %arg23[%add3A_313, %and3A_310] : memref<112x128xf32, #tpu.memory_space<vmem>>[vector<16xi32>, vector<16xi32>], vector<16xf32>,
      %swap3A_315 = arith.constant 64 : index
      %swap3A_316 = tpu.vector_load %arg31[%swap3A_315] {strides = array<i32>} : memref<112xf32, #tpu.memory_space<vmem>>, vector<16xf32>,
      tpu.vector_store %arg31[%swap3A_315], %gather3A_314 {strides = array<i32>} : memref<112xf32, #tpu.memory_space<vmem>>, vector<16xf32>,
      %get3A_317 = arith.constant 80 : index
      %get3A_318 = tpu.vector_load %arg20[%get3A_317] {strides = array<i32>} : memref<112xi32, #tpu.memory_space<vmem>>, vector<16xi32>,
      %and3A_319 = arith.constant 16383 : i32
      %and3A_320 = vector.broadcast %and3A_319 : i32 to vector<16xi32>
      %and3A_321 = arith.andi %get3A_318, %and3A_320 : vector<16xi32>
      %and3A_322 = arith.constant 127 : i32
      %and3A_323 = vector.broadcast %and3A_322 : i32 to vector<16xi32>
      %and3A_324 = arith.andi %and3A_321, %and3A_323 : vector<16xi32>
      %add3A_325 = arith.constant 80 : i32
      %add3A_326 = vector.broadcast %add3A_325 : i32 to vector<16xi32>
      %add3A_327 = arith.addi %iota3A, %add3A_326 : vector<16xi32>
      %gather3A_328 = tpu.vector_load_idx %arg23[%add3A_327, %and3A_324] : memref<112x128xf32, #tpu.memory_space<vmem>>[vector<16xi32>, vector<16xi32>], vector<16xf32>,
      %swap3A_329 = arith.constant 80 : index
      %swap3A_330 = tpu.vector_load %arg31[%swap3A_329] {strides = array<i32>} : memref<112xf32, #tpu.memory_space<vmem>>, vector<16xf32>,
      tpu.vector_store %arg31[%swap3A_329], %gather3A_328 {strides = array<i32>} : memref<112xf32, #tpu.memory_space<vmem>>, vector<16xf32>,
      %get3A_331 = arith.constant 96 : index
      %get3A_332 = tpu.vector_load %arg20[%get3A_331] {strides = array<i32>} : memref<112xi32, #tpu.memory_space<vmem>>, vector<16xi32>,
      %and3A_333 = arith.constant 16383 : i32
      %and3A_334 = vector.broadcast %and3A_333 : i32 to vector<16xi32>
      %and3A_335 = arith.andi %get3A_332, %and3A_334 : vector<16xi32>
      %and3A_336 = arith.constant 127 : i32
      %and3A_337 = vector.broadcast %and3A_336 : i32 to vector<16xi32>
      %and3A_338 = arith.andi %and3A_335, %and3A_337 : vector<16xi32>
      %add3A_339 = arith.constant 96 : i32
      %add3A_340 = vector.broadcast %add3A_339 : i32 to vector<16xi32>
      %add3A_341 = arith.addi %iota3A, %add3A_340 : vector<16xi32>
      %gather3A_342 = tpu.vector_load_idx %arg23[%add3A_341, %and3A_338] : memref<112x128xf32, #tpu.memory_space<vmem>>[vector<16xi32>, vector<16xi32>], vector<16xf32>,
      %swap3A_343 = arith.constant 96 : index
      %swap3A_344 = tpu.vector_load %arg31[%swap3A_343] {strides = array<i32>} : memref<112xf32, #tpu.memory_space<vmem>>, vector<16xf32>,
      tpu.vector_store %arg31[%swap3A_343], %gather3A_342 {strides = array<i32>} : memref<112xf32, #tpu.memory_space<vmem>>, vector<16xf32>,
      %get3A_345 = arith.constant 0 : index
      %get3A_346 = tpu.vector_load %arg20[%get3A_345] {strides = array<i32>} : memref<112xi32, #tpu.memory_space<vmem>>, vector<16xi32>,
      %and3A_347 = arith.constant 16383 : i32
      %and3A_348 = vector.broadcast %and3A_347 : i32 to vector<16xi32>
      %and3A_349 = arith.andi %get3A_346, %and3A_348 : vector<16xi32>
      %and3A_350 = arith.constant 127 : i32
      %and3A_351 = vector.broadcast %and3A_350 : i32 to vector<16xi32>
      %and3A_352 = arith.andi %and3A_349, %and3A_351 : vector<16xi32>
      %add3A_353 = arith.constant 0 : i32
      %add3A_354 = vector.broadcast %add3A_353 : i32 to vector<16xi32>
      %add3A_355 = arith.addi %iota3A, %add3A_354 : vector<16xi32>
      %gather3A_356 = tpu.vector_load_idx %arg24[%add3A_355, %and3A_352] : memref<112x128xf32, #tpu.memory_space<vmem>>[vector<16xi32>, vector<16xi32>], vector<16xf32>,
      %swap3A_357 = arith.constant 0 : index
      %swap3A_358 = tpu.vector_load %arg32[%swap3A_357] {strides = array<i32>} : memref<112xf32, #tpu.memory_space<vmem>>, vector<16xf32>,
      tpu.vector_store %arg32[%swap3A_357], %gather3A_356 {strides = array<i32>} : memref<112xf32, #tpu.memory_space<vmem>>, vector<16xf32>,
      %get3A_359 = arith.constant 16 : index
      %get3A_360 = tpu.vector_load %arg20[%get3A_359] {strides = array<i32>} : memref<112xi32, #tpu.memory_space<vmem>>, vector<16xi32>,
      %and3A_361 = arith.constant 16383 : i32
      %and3A_362 = vector.broadcast %and3A_361 : i32 to vector<16xi32>
      %and3A_363 = arith.andi %get3A_360, %and3A_362 : vector<16xi32>
      %and3A_364 = arith.constant 127 : i32
      %and3A_365 = vector.broadcast %and3A_364 : i32 to vector<16xi32>
      %and3A_366 = arith.andi %and3A_363, %and3A_365 : vector<16xi32>
      %add3A_367 = arith.constant 16 : i32
      %add3A_368 = vector.broadcast %add3A_367 : i32 to vector<16xi32>
      %add3A_369 = arith.addi %iota3A, %add3A_368 : vector<16xi32>
      %gather3A_370 = tpu.vector_load_idx %arg24[%add3A_369, %and3A_366] : memref<112x128xf32, #tpu.memory_space<vmem>>[vector<16xi32>, vector<16xi32>], vector<16xf32>,
      %swap3A_371 = arith.constant 16 : index
      %swap3A_372 = tpu.vector_load %arg32[%swap3A_371] {strides = array<i32>} : memref<112xf32, #tpu.memory_space<vmem>>, vector<16xf32>,
      tpu.vector_store %arg32[%swap3A_371], %gather3A_370 {strides = array<i32>} : memref<112xf32, #tpu.memory_space<vmem>>, vector<16xf32>,
      %get3A_373 = arith.constant 32 : index
      %get3A_374 = tpu.vector_load %arg20[%get3A_373] {strides = array<i32>} : memref<112xi32, #tpu.memory_space<vmem>>, vector<16xi32>,
      %and3A_375 = arith.constant 16383 : i32
      %and3A_376 = vector.broadcast %and3A_375 : i32 to vector<16xi32>
      %and3A_377 = arith.andi %get3A_374, %and3A_376 : vector<16xi32>
      %and3A_378 = arith.constant 127 : i32
      %and3A_379 = vector.broadcast %and3A_378 : i32 to vector<16xi32>
      %and3A_380 = arith.andi %and3A_377, %and3A_379 : vector<16xi32>
      %add3A_381 = arith.constant 32 : i32
      %add3A_382 = vector.broadcast %add3A_381 : i32 to vector<16xi32>
      %add3A_383 = arith.addi %iota3A, %add3A_382 : vector<16xi32>
      %gather3A_384 = tpu.vector_load_idx %arg24[%add3A_383, %and3A_380] : memref<112x128xf32, #tpu.memory_space<vmem>>[vector<16xi32>, vector<16xi32>], vector<16xf32>,
      %swap3A_385 = arith.constant 32 : index
      %swap3A_386 = tpu.vector_load %arg32[%swap3A_385] {strides = array<i32>} : memref<112xf32, #tpu.memory_space<vmem>>, vector<16xf32>,
      tpu.vector_store %arg32[%swap3A_385], %gather3A_384 {strides = array<i32>} : memref<112xf32, #tpu.memory_space<vmem>>, vector<16xf32>,
      %get3A_387 = arith.constant 48 : index
      %get3A_388 = tpu.vector_load %arg20[%get3A_387] {strides = array<i32>} : memref<112xi32, #tpu.memory_space<vmem>>, vector<16xi32>,
      %and3A_389 = arith.constant 16383 : i32
      %and3A_390 = vector.broadcast %and3A_389 : i32 to vector<16xi32>
      %and3A_391 = arith.andi %get3A_388, %and3A_390 : vector<16xi32>
      %and3A_392 = arith.constant 127 : i32
      %and3A_393 = vector.broadcast %and3A_392 : i32 to vector<16xi32>
      %and3A_394 = arith.andi %and3A_391, %and3A_393 : vector<16xi32>
      %add3A_395 = arith.constant 48 : i32
      %add3A_396 = vector.broadcast %add3A_395 : i32 to vector<16xi32>
      %add3A_397 = arith.addi %iota3A, %add3A_396 : vector<16xi32>
      %gather3A_398 = tpu.vector_load_idx %arg24[%add3A_397, %and3A_394] : memref<112x128xf32, #tpu.memory_space<vmem>>[vector<16xi32>, vector<16xi32>], vector<16xf32>,
      %swap3A_399 = arith.constant 48 : index
      %swap3A_400 = tpu.vector_load %arg32[%swap3A_399] {strides = array<i32>} : memref<112xf32, #tpu.memory_space<vmem>>, vector<16xf32>,
      tpu.vector_store %arg32[%swap3A_399], %gather3A_398 {strides = array<i32>} : memref<112xf32, #tpu.memory_space<vmem>>, vector<16xf32>,
      %get3A_401 = arith.constant 64 : index
      %get3A_402 = tpu.vector_load %arg20[%get3A_401] {strides = array<i32>} : memref<112xi32, #tpu.memory_space<vmem>>, vector<16xi32>,
      %and3A_403 = arith.constant 16383 : i32
      %and3A_404 = vector.broadcast %and3A_403 : i32 to vector<16xi32>
      %and3A_405 = arith.andi %get3A_402, %and3A_404 : vector<16xi32>
      %and3A_406 = arith.constant 127 : i32
      %and3A_407 = vector.broadcast %and3A_406 : i32 to vector<16xi32>
      %and3A_408 = arith.andi %and3A_405, %and3A_407 : vector<16xi32>
      %add3A_409 = arith.constant 64 : i32
      %add3A_410 = vector.broadcast %add3A_409 : i32 to vector<16xi32>
      %add3A_411 = arith.addi %iota3A, %add3A_410 : vector<16xi32>
      %gather3A_412 = tpu.vector_load_idx %arg24[%add3A_411, %and3A_408] : memref<112x128xf32, #tpu.memory_space<vmem>>[vector<16xi32>, vector<16xi32>], vector<16xf32>,
      %swap3A_413 = arith.constant 64 : index
      %swap3A_414 = tpu.vector_load %arg32[%swap3A_413] {strides = array<i32>} : memref<112xf32, #tpu.memory_space<vmem>>, vector<16xf32>,
      tpu.vector_store %arg32[%swap3A_413], %gather3A_412 {strides = array<i32>} : memref<112xf32, #tpu.memory_space<vmem>>, vector<16xf32>,
      %get3A_415 = arith.constant 80 : index
      %get3A_416 = tpu.vector_load %arg20[%get3A_415] {strides = array<i32>} : memref<112xi32, #tpu.memory_space<vmem>>, vector<16xi32>,
      %and3A_417 = arith.constant 16383 : i32
      %and3A_418 = vector.broadcast %and3A_417 : i32 to vector<16xi32>
      %and3A_419 = arith.andi %get3A_416, %and3A_418 : vector<16xi32>
      %and3A_420 = arith.constant 127 : i32
      %and3A_421 = vector.broadcast %and3A_420 : i32 to vector<16xi32>
      %and3A_422 = arith.andi %and3A_419, %and3A_421 : vector<16xi32>
      %add3A_423 = arith.constant 80 : i32
      %add3A_424 = vector.broadcast %add3A_423 : i32 to vector<16xi32>
      %add3A_425 = arith.addi %iota3A, %add3A_424 : vector<16xi32>
      %gather3A_426 = tpu.vector_load_idx %arg24[%add3A_425, %and3A_422] : memref<112x128xf32, #tpu.memory_space<vmem>>[vector<16xi32>, vector<16xi32>], vector<16xf32>,
      %swap3A_427 = arith.constant 80 : index
      %swap3A_428 = tpu.vector_load %arg32[%swap3A_427] {strides = array<i32>} : memref<112xf32, #tpu.memory_space<vmem>>, vector<16xf32>,
      tpu.vector_store %arg32[%swap3A_427], %gather3A_426 {strides = array<i32>} : memref<112xf32, #tpu.memory_space<vmem>>, vector<16xf32>,
      %get3A_429 = arith.constant 96 : index
      %get3A_430 = tpu.vector_load %arg20[%get3A_429] {strides = array<i32>} : memref<112xi32, #tpu.memory_space<vmem>>, vector<16xi32>,
      %and3A_431 = arith.constant 16383 : i32
      %and3A_432 = vector.broadcast %and3A_431 : i32 to vector<16xi32>
      %and3A_433 = arith.andi %get3A_430, %and3A_432 : vector<16xi32>
      %and3A_434 = arith.constant 127 : i32
      %and3A_435 = vector.broadcast %and3A_434 : i32 to vector<16xi32>
      %and3A_436 = arith.andi %and3A_433, %and3A_435 : vector<16xi32>
      %add3A_437 = arith.constant 96 : i32
      %add3A_438 = vector.broadcast %add3A_437 : i32 to vector<16xi32>
      %add3A_439 = arith.addi %iota3A, %add3A_438 : vector<16xi32>
      %gather3A_440 = tpu.vector_load_idx %arg24[%add3A_439, %and3A_436] : memref<112x128xf32, #tpu.memory_space<vmem>>[vector<16xi32>, vector<16xi32>], vector<16xf32>,
      %swap3A_441 = arith.constant 96 : index
      %swap3A_442 = tpu.vector_load %arg32[%swap3A_441] {strides = array<i32>} : memref<112xf32, #tpu.memory_space<vmem>>, vector<16xf32>,
      tpu.vector_store %arg32[%swap3A_441], %gather3A_440 {strides = array<i32>} : memref<112xf32, #tpu.memory_space<vmem>>, vector<16xf32>,
      %get3A_443 = arith.constant 0 : index
      %get3A_444 = tpu.vector_load %arg20[%get3A_443] {strides = array<i32>} : memref<112xi32, #tpu.memory_space<vmem>>, vector<16xi32>,
      %and3A_445 = arith.constant 16383 : i32
      %and3A_446 = vector.broadcast %and3A_445 : i32 to vector<16xi32>
      %and3A_447 = arith.andi %get3A_444, %and3A_446 : vector<16xi32>
      %and3A_448 = arith.constant 127 : i32
      %and3A_449 = vector.broadcast %and3A_448 : i32 to vector<16xi32>
      %and3A_450 = arith.andi %and3A_447, %and3A_449 : vector<16xi32>
      %add3A_451 = arith.constant 0 : i32
      %add3A_452 = vector.broadcast %add3A_451 : i32 to vector<16xi32>
      %add3A_453 = arith.addi %iota3A, %add3A_452 : vector<16xi32>
      %gather3A_454 = tpu.vector_load_idx %arg25[%add3A_453, %and3A_450] : memref<112x128xf32, #tpu.memory_space<vmem>>[vector<16xi32>, vector<16xi32>], vector<16xf32>,
      %swap3A_455 = arith.constant 0 : index
      %swap3A_456 = tpu.vector_load %arg33[%swap3A_455] {strides = array<i32>} : memref<112xf32, #tpu.memory_space<vmem>>, vector<16xf32>,
      tpu.vector_store %arg33[%swap3A_455], %gather3A_454 {strides = array<i32>} : memref<112xf32, #tpu.memory_space<vmem>>, vector<16xf32>,
      %get3A_457 = arith.constant 16 : index
      %get3A_458 = tpu.vector_load %arg20[%get3A_457] {strides = array<i32>} : memref<112xi32, #tpu.memory_space<vmem>>, vector<16xi32>,
      %and3A_459 = arith.constant 16383 : i32
      %and3A_460 = vector.broadcast %and3A_459 : i32 to vector<16xi32>
      %and3A_461 = arith.andi %get3A_458, %and3A_460 : vector<16xi32>
      %and3A_462 = arith.constant 127 : i32
      %and3A_463 = vector.broadcast %and3A_462 : i32 to vector<16xi32>
      %and3A_464 = arith.andi %and3A_461, %and3A_463 : vector<16xi32>
      %add3A_465 = arith.constant 16 : i32
      %add3A_466 = vector.broadcast %add3A_465 : i32 to vector<16xi32>
      %add3A_467 = arith.addi %iota3A, %add3A_466 : vector<16xi32>
      %gather3A_468 = tpu.vector_load_idx %arg25[%add3A_467, %and3A_464] : memref<112x128xf32, #tpu.memory_space<vmem>>[vector<16xi32>, vector<16xi32>], vector<16xf32>,
      %swap3A_469 = arith.constant 16 : index
      %swap3A_470 = tpu.vector_load %arg33[%swap3A_469] {strides = array<i32>} : memref<112xf32, #tpu.memory_space<vmem>>, vector<16xf32>,
      tpu.vector_store %arg33[%swap3A_469], %gather3A_468 {strides = array<i32>} : memref<112xf32, #tpu.memory_space<vmem>>, vector<16xf32>,
      %get3A_471 = arith.constant 32 : index
      %get3A_472 = tpu.vector_load %arg20[%get3A_471] {strides = array<i32>} : memref<112xi32, #tpu.memory_space<vmem>>, vector<16xi32>,
      %and3A_473 = arith.constant 16383 : i32
      %and3A_474 = vector.broadcast %and3A_473 : i32 to vector<16xi32>
      %and3A_475 = arith.andi %get3A_472, %and3A_474 : vector<16xi32>
      %and3A_476 = arith.constant 127 : i32
      %and3A_477 = vector.broadcast %and3A_476 : i32 to vector<16xi32>
      %and3A_478 = arith.andi %and3A_475, %and3A_477 : vector<16xi32>
      %add3A_479 = arith.constant 32 : i32
      %add3A_480 = vector.broadcast %add3A_479 : i32 to vector<16xi32>
      %add3A_481 = arith.addi %iota3A, %add3A_480 : vector<16xi32>
      %gather3A_482 = tpu.vector_load_idx %arg25[%add3A_481, %and3A_478] : memref<112x128xf32, #tpu.memory_space<vmem>>[vector<16xi32>, vector<16xi32>], vector<16xf32>,
      %swap3A_483 = arith.constant 32 : index
      %swap3A_484 = tpu.vector_load %arg33[%swap3A_483] {strides = array<i32>} : memref<112xf32, #tpu.memory_space<vmem>>, vector<16xf32>,
      tpu.vector_store %arg33[%swap3A_483], %gather3A_482 {strides = array<i32>} : memref<112xf32, #tpu.memory_space<vmem>>, vector<16xf32>,
      %get3A_485 = arith.constant 48 : index
      %get3A_486 = tpu.vector_load %arg20[%get3A_485] {strides = array<i32>} : memref<112xi32, #tpu.memory_space<vmem>>, vector<16xi32>,
      %and3A_487 = arith.constant 16383 : i32
      %and3A_488 = vector.broadcast %and3A_487 : i32 to vector<16xi32>
      %and3A_489 = arith.andi %get3A_486, %and3A_488 : vector<16xi32>
      %and3A_490 = arith.constant 127 : i32
      %and3A_491 = vector.broadcast %and3A_490 : i32 to vector<16xi32>
      %and3A_492 = arith.andi %and3A_489, %and3A_491 : vector<16xi32>
      %add3A_493 = arith.constant 48 : i32
      %add3A_494 = vector.broadcast %add3A_493 : i32 to vector<16xi32>
      %add3A_495 = arith.addi %iota3A, %add3A_494 : vector<16xi32>
      %gather3A_496 = tpu.vector_load_idx %arg25[%add3A_495, %and3A_492] : memref<112x128xf32, #tpu.memory_space<vmem>>[vector<16xi32>, vector<16xi32>], vector<16xf32>,
      %swap3A_497 = arith.constant 48 : index
      %swap3A_498 = tpu.vector_load %arg33[%swap3A_497] {strides = array<i32>} : memref<112xf32, #tpu.memory_space<vmem>>, vector<16xf32>,
      tpu.vector_store %arg33[%swap3A_497], %gather3A_496 {strides = array<i32>} : memref<112xf32, #tpu.memory_space<vmem>>, vector<16xf32>,
      %get3A_499 = arith.constant 64 : index
      %get3A_500 = tpu.vector_load %arg20[%get3A_499] {strides = array<i32>} : memref<112xi32, #tpu.memory_space<vmem>>, vector<16xi32>,
      %and3A_501 = arith.constant 16383 : i32
      %and3A_502 = vector.broadcast %and3A_501 : i32 to vector<16xi32>
      %and3A_503 = arith.andi %get3A_500, %and3A_502 : vector<16xi32>
      %and3A_504 = arith.constant 127 : i32
      %and3A_505 = vector.broadcast %and3A_504 : i32 to vector<16xi32>
      %and3A_506 = arith.andi %and3A_503, %and3A_505 : vector<16xi32>
      %add3A_507 = arith.constant 64 : i32
      %add3A_508 = vector.broadcast %add3A_507 : i32 to vector<16xi32>
      %add3A_509 = arith.addi %iota3A, %add3A_508 : vector<16xi32>
      %gather3A_510 = tpu.vector_load_idx %arg25[%add3A_509, %and3A_506] : memref<112x128xf32, #tpu.memory_space<vmem>>[vector<16xi32>, vector<16xi32>], vector<16xf32>,
      %swap3A_511 = arith.constant 64 : index
      %swap3A_512 = tpu.vector_load %arg33[%swap3A_511] {strides = array<i32>} : memref<112xf32, #tpu.memory_space<vmem>>, vector<16xf32>,
      tpu.vector_store %arg33[%swap3A_511], %gather3A_510 {strides = array<i32>} : memref<112xf32, #tpu.memory_space<vmem>>, vector<16xf32>,
      %get3A_513 = arith.constant 80 : index
      %get3A_514 = tpu.vector_load %arg20[%get3A_513] {strides = array<i32>} : memref<112xi32, #tpu.memory_space<vmem>>, vector<16xi32>,
      %and3A_515 = arith.constant 16383 : i32
      %and3A_516 = vector.broadcast %and3A_515 : i32 to vector<16xi32>
      %and3A_517 = arith.andi %get3A_514, %and3A_516 : vector<16xi32>
      %and3A_518 = arith.constant 127 : i32
      %and3A_519 = vector.broadcast %and3A_518 : i32 to vector<16xi32>
      %and3A_520 = arith.andi %and3A_517, %and3A_519 : vector<16xi32>
      %add3A_521 = arith.constant 80 : i32
      %add3A_522 = vector.broadcast %add3A_521 : i32 to vector<16xi32>
      %add3A_523 = arith.addi %iota3A, %add3A_522 : vector<16xi32>
      %gather3A_524 = tpu.vector_load_idx %arg25[%add3A_523, %and3A_520] : memref<112x128xf32, #tpu.memory_space<vmem>>[vector<16xi32>, vector<16xi32>], vector<16xf32>,
      %swap3A_525 = arith.constant 80 : index
      %swap3A_526 = tpu.vector_load %arg33[%swap3A_525] {strides = array<i32>} : memref<112xf32, #tpu.memory_space<vmem>>, vector<16xf32>,
      tpu.vector_store %arg33[%swap3A_525], %gather3A_524 {strides = array<i32>} : memref<112xf32, #tpu.memory_space<vmem>>, vector<16xf32>,
      %get3A_527 = arith.constant 96 : index
      %get3A_528 = tpu.vector_load %arg20[%get3A_527] {strides = array<i32>} : memref<112xi32, #tpu.memory_space<vmem>>, vector<16xi32>,
      %and3A_529 = arith.constant 16383 : i32
      %and3A_530 = vector.broadcast %and3A_529 : i32 to vector<16xi32>
      %and3A_531 = arith.andi %get3A_528, %and3A_530 : vector<16xi32>
      %and3A_532 = arith.constant 127 : i32
      %and3A_533 = vector.broadcast %and3A_532 : i32 to vector<16xi32>
      %and3A_534 = arith.andi %and3A_531, %and3A_533 : vector<16xi32>
      %add3A_535 = arith.constant 96 : i32
      %add3A_536 = vector.broadcast %add3A_535 : i32 to vector<16xi32>
      %add3A_537 = arith.addi %iota3A, %add3A_536 : vector<16xi32>
      %gather3A_538 = tpu.vector_load_idx %arg25[%add3A_537, %and3A_534] : memref<112x128xf32, #tpu.memory_space<vmem>>[vector<16xi32>, vector<16xi32>], vector<16xf32>,
      %swap3A_539 = arith.constant 96 : index
      %swap3A_540 = tpu.vector_load %arg33[%swap3A_539] {strides = array<i32>} : memref<112xf32, #tpu.memory_space<vmem>>, vector<16xf32>,
      tpu.vector_store %arg33[%swap3A_539], %gather3A_538 {strides = array<i32>} : memref<112xf32, #tpu.memory_space<vmem>>, vector<16xf32>,
      %get3A_541 = arith.constant 0 : index
      %get3A_542 = tpu.vector_load %arg20[%get3A_541] {strides = array<i32>} : memref<112xi32, #tpu.memory_space<vmem>>, vector<16xi32>,
      %and3A_543 = arith.constant 16383 : i32
      %and3A_544 = vector.broadcast %and3A_543 : i32 to vector<16xi32>
      %and3A_545 = arith.andi %get3A_542, %and3A_544 : vector<16xi32>
      %and3A_546 = arith.constant 127 : i32
      %and3A_547 = vector.broadcast %and3A_546 : i32 to vector<16xi32>
      %and3A_548 = arith.andi %and3A_545, %and3A_547 : vector<16xi32>
      %add3A_549 = arith.constant 0 : i32
      %add3A_550 = vector.broadcast %add3A_549 : i32 to vector<16xi32>
      %add3A_551 = arith.addi %iota3A, %add3A_550 : vector<16xi32>
      %gather3A_552 = tpu.vector_load_idx %arg26[%add3A_551, %and3A_548] : memref<112x128xf32, #tpu.memory_space<vmem>>[vector<16xi32>, vector<16xi32>], vector<16xf32>,
      %swap3A_553 = arith.constant 0 : index
      %swap3A_554 = tpu.vector_load %arg34[%swap3A_553] {strides = array<i32>} : memref<112xf32, #tpu.memory_space<vmem>>, vector<16xf32>,
      tpu.vector_store %arg34[%swap3A_553], %gather3A_552 {strides = array<i32>} : memref<112xf32, #tpu.memory_space<vmem>>, vector<16xf32>,
      %get3A_555 = arith.constant 16 : index
      %get3A_556 = tpu.vector_load %arg20[%get3A_555] {strides = array<i32>} : memref<112xi32, #tpu.memory_space<vmem>>, vector<16xi32>,
      %and3A_557 = arith.constant 16383 : i32
      %and3A_558 = vector.broadcast %and3A_557 : i32 to vector<16xi32>
      %and3A_559 = arith.andi %get3A_556, %and3A_558 : vector<16xi32>
      %and3A_560 = arith.constant 127 : i32
      %and3A_561 = vector.broadcast %and3A_560 : i32 to vector<16xi32>
      %and3A_562 = arith.andi %and3A_559, %and3A_561 : vector<16xi32>
      %add3A_563 = arith.constant 16 : i32
      %add3A_564 = vector.broadcast %add3A_563 : i32 to vector<16xi32>
      %add3A_565 = arith.addi %iota3A, %add3A_564 : vector<16xi32>
      %gather3A_566 = tpu.vector_load_idx %arg26[%add3A_565, %and3A_562] : memref<112x128xf32, #tpu.memory_space<vmem>>[vector<16xi32>, vector<16xi32>], vector<16xf32>,
      %swap3A_567 = arith.constant 16 : index
      %swap3A_568 = tpu.vector_load %arg34[%swap3A_567] {strides = array<i32>} : memref<112xf32, #tpu.memory_space<vmem>>, vector<16xf32>,
      tpu.vector_store %arg34[%swap3A_567], %gather3A_566 {strides = array<i32>} : memref<112xf32, #tpu.memory_space<vmem>>, vector<16xf32>,
      %get3A_569 = arith.constant 32 : index
      %get3A_570 = tpu.vector_load %arg20[%get3A_569] {strides = array<i32>} : memref<112xi32, #tpu.memory_space<vmem>>, vector<16xi32>,
      %and3A_571 = arith.constant 16383 : i32
      %and3A_572 = vector.broadcast %and3A_571 : i32 to vector<16xi32>
      %and3A_573 = arith.andi %get3A_570, %and3A_572 : vector<16xi32>
      %and3A_574 = arith.constant 127 : i32
      %and3A_575 = vector.broadcast %and3A_574 : i32 to vector<16xi32>
      %and3A_576 = arith.andi %and3A_573, %and3A_575 : vector<16xi32>
      %add3A_577 = arith.constant 32 : i32
      %add3A_578 = vector.broadcast %add3A_577 : i32 to vector<16xi32>
      %add3A_579 = arith.addi %iota3A, %add3A_578 : vector<16xi32>
      %gather3A_580 = tpu.vector_load_idx %arg26[%add3A_579, %and3A_576] : memref<112x128xf32, #tpu.memory_space<vmem>>[vector<16xi32>, vector<16xi32>], vector<16xf32>,
      %swap3A_581 = arith.constant 32 : index
      %swap3A_582 = tpu.vector_load %arg34[%swap3A_581] {strides = array<i32>} : memref<112xf32, #tpu.memory_space<vmem>>, vector<16xf32>,
      tpu.vector_store %arg34[%swap3A_581], %gather3A_580 {strides = array<i32>} : memref<112xf32, #tpu.memory_space<vmem>>, vector<16xf32>,
      %get3A_583 = arith.constant 48 : index
      %get3A_584 = tpu.vector_load %arg20[%get3A_583] {strides = array<i32>} : memref<112xi32, #tpu.memory_space<vmem>>, vector<16xi32>,
      %and3A_585 = arith.constant 16383 : i32
      %and3A_586 = vector.broadcast %and3A_585 : i32 to vector<16xi32>
      %and3A_587 = arith.andi %get3A_584, %and3A_586 : vector<16xi32>
      %and3A_588 = arith.constant 127 : i32
      %and3A_589 = vector.broadcast %and3A_588 : i32 to vector<16xi32>
      %and3A_590 = arith.andi %and3A_587, %and3A_589 : vector<16xi32>
      %add3A_591 = arith.constant 48 : i32
      %add3A_592 = vector.broadcast %add3A_591 : i32 to vector<16xi32>
      %add3A_593 = arith.addi %iota3A, %add3A_592 : vector<16xi32>
      %gather3A_594 = tpu.vector_load_idx %arg26[%add3A_593, %and3A_590] : memref<112x128xf32, #tpu.memory_space<vmem>>[vector<16xi32>, vector<16xi32>], vector<16xf32>,
      %swap3A_595 = arith.constant 48 : index
      %swap3A_596 = tpu.vector_load %arg34[%swap3A_595] {strides = array<i32>} : memref<112xf32, #tpu.memory_space<vmem>>, vector<16xf32>,
      tpu.vector_store %arg34[%swap3A_595], %gather3A_594 {strides = array<i32>} : memref<112xf32, #tpu.memory_space<vmem>>, vector<16xf32>,
      %get3A_597 = arith.constant 64 : index
      %get3A_598 = tpu.vector_load %arg20[%get3A_597] {strides = array<i32>} : memref<112xi32, #tpu.memory_space<vmem>>, vector<16xi32>,
      %and3A_599 = arith.constant 16383 : i32
      %and3A_600 = vector.broadcast %and3A_599 : i32 to vector<16xi32>
      %and3A_601 = arith.andi %get3A_598, %and3A_600 : vector<16xi32>
      %and3A_602 = arith.constant 127 : i32
      %and3A_603 = vector.broadcast %and3A_602 : i32 to vector<16xi32>
      %and3A_604 = arith.andi %and3A_601, %and3A_603 : vector<16xi32>
      %add3A_605 = arith.constant 64 : i32
      %add3A_606 = vector.broadcast %add3A_605 : i32 to vector<16xi32>
      %add3A_607 = arith.addi %iota3A, %add3A_606 : vector<16xi32>
      %gather3A_608 = tpu.vector_load_idx %arg26[%add3A_607, %and3A_604] : memref<112x128xf32, #tpu.memory_space<vmem>>[vector<16xi32>, vector<16xi32>], vector<16xf32>,
      %swap3A_609 = arith.constant 64 : index
      %swap3A_610 = tpu.vector_load %arg34[%swap3A_609] {strides = array<i32>} : memref<112xf32, #tpu.memory_space<vmem>>, vector<16xf32>,
      tpu.vector_store %arg34[%swap3A_609], %gather3A_608 {strides = array<i32>} : memref<112xf32, #tpu.memory_space<vmem>>, vector<16xf32>,
      %get3A_611 = arith.constant 80 : index
      %get3A_612 = tpu.vector_load %arg20[%get3A_611] {strides = array<i32>} : memref<112xi32, #tpu.memory_space<vmem>>, vector<16xi32>,
      %and3A_613 = arith.constant 16383 : i32
      %and3A_614 = vector.broadcast %and3A_613 : i32 to vector<16xi32>
      %and3A_615 = arith.andi %get3A_612, %and3A_614 : vector<16xi32>
      %and3A_616 = arith.constant 127 : i32
      %and3A_617 = vector.broadcast %and3A_616 : i32 to vector<16xi32>
      %and3A_618 = arith.andi %and3A_615, %and3A_617 : vector<16xi32>
      %add3A_619 = arith.constant 80 : i32
      %add3A_620 = vector.broadcast %add3A_619 : i32 to vector<16xi32>
      %add3A_621 = arith.addi %iota3A, %add3A_620 : vector<16xi32>
      %gather3A_622 = tpu.vector_load_idx %arg26[%add3A_621, %and3A_618] : memref<112x128xf32, #tpu.memory_space<vmem>>[vector<16xi32>, vector<16xi32>], vector<16xf32>,
      %swap3A_623 = arith.constant 80 : index
      %swap3A_624 = tpu.vector_load %arg34[%swap3A_623] {strides = array<i32>} : memref<112xf32, #tpu.memory_space<vmem>>, vector<16xf32>,
      tpu.vector_store %arg34[%swap3A_623], %gather3A_622 {strides = array<i32>} : memref<112xf32, #tpu.memory_space<vmem>>, vector<16xf32>,
      %get3A_625 = arith.constant 96 : index
      %get3A_626 = tpu.vector_load %arg20[%get3A_625] {strides = array<i32>} : memref<112xi32, #tpu.memory_space<vmem>>, vector<16xi32>,
      %and3A_627 = arith.constant 16383 : i32
      %and3A_628 = vector.broadcast %and3A_627 : i32 to vector<16xi32>
      %and3A_629 = arith.andi %get3A_626, %and3A_628 : vector<16xi32>
      %and3A_630 = arith.constant 127 : i32
      %and3A_631 = vector.broadcast %and3A_630 : i32 to vector<16xi32>
      %and3A_632 = arith.andi %and3A_629, %and3A_631 : vector<16xi32>
      %add3A_633 = arith.constant 96 : i32
      %add3A_634 = vector.broadcast %add3A_633 : i32 to vector<16xi32>
      %add3A_635 = arith.addi %iota3A, %add3A_634 : vector<16xi32>
      %gather3A_636 = tpu.vector_load_idx %arg26[%add3A_635, %and3A_632] : memref<112x128xf32, #tpu.memory_space<vmem>>[vector<16xi32>, vector<16xi32>], vector<16xf32>,
      %swap3A_637 = arith.constant 96 : index
      %swap3A_638 = tpu.vector_load %arg34[%swap3A_637] {strides = array<i32>} : memref<112xf32, #tpu.memory_space<vmem>>, vector<16xf32>,
      tpu.vector_store %arg34[%swap3A_637], %gather3A_636 {strides = array<i32>} : memref<112xf32, #tpu.memory_space<vmem>>, vector<16xf32>,
      %get3A_639 = arith.constant 0 : index
      %get3A_640 = tpu.vector_load %arg20[%get3A_639] {strides = array<i32>} : memref<112xi32, #tpu.memory_space<vmem>>, vector<16xi32>,
      %get3A_641 = arith.constant 0 : index
      %get3A_642 = tpu.vector_load %arg19[%get3A_641] {strides = array<i32>} : memref<112xf32, #tpu.memory_space<vmem>>, vector<16xf32>,
      %convert_element_type3A_643 = arith.sitofp %get3A_640 : vector<16xi32> to vector<16xf32>
      %mul3A_644 = arith.constant 6.10351563E-5 : f32
      %mul3A_645 = vector.broadcast %mul3A_644 : f32 to vector<16xf32>
      %mul3A_646 = arith.mulf %convert_element_type3A_643, %mul3A_645 : vector<16xf32>
      %swap3A_647 = arith.constant 0 : index
      %swap3A_648 = tpu.vector_load %arg35[%swap3A_647] {strides = array<i32>} : memref<112xf32, #tpu.memory_space<vmem>>, vector<16xf32>,
      tpu.vector_store %arg35[%swap3A_647], %mul3A_646 {strides = array<i32>} : memref<112xf32, #tpu.memory_space<vmem>>, vector<16xf32>,
      %swap3A_649 = arith.constant 0 : index
      %swap3A_650 = tpu.vector_load %arg36[%swap3A_649] {strides = array<i32>} : memref<112xf32, #tpu.memory_space<vmem>>, vector<16xf32>,
      tpu.vector_store %arg36[%swap3A_649], %get3A_642 {strides = array<i32>} : memref<112xf32, #tpu.memory_space<vmem>>, vector<16xf32>,
      %and3A_651 = arith.constant 16383 : i32
      %and3A_652 = vector.broadcast %and3A_651 : i32 to vector<16xi32>
      %and3A_653 = arith.andi %get3A_640, %and3A_652 : vector<16xi32>
      %convert_element_type3A_654 = arith.sitofp %and3A_653 : vector<16xi32> to vector<16xf32>
      %mul3A_655 = arith.constant 7.812500e-03 : f32
      %mul3A_656 = vector.broadcast %mul3A_655 : f32 to vector<16xf32>
      %mul3A_657 = arith.mulf %convert_element_type3A_654, %mul3A_656 : vector<16xf32>
      %and3A_658 = arith.constant 127 : i32
      %and3A_659 = vector.broadcast %and3A_658 : i32 to vector<16xi32>
      %and3A_660 = arith.andi %and3A_653, %and3A_659 : vector<16xi32>
      %convert_element_type3A_661 = arith.sitofp %and3A_660 : vector<16xi32> to vector<16xf32>
      %get3A_662 = arith.constant 0 : index
      %get3A_663 = tpu.vector_load %arg31[%get3A_662] {strides = array<i32>} : memref<112xf32, #tpu.memory_space<vmem>>, vector<16xf32>,
      %add3A_664 = arith.addf %convert_element_type3A_661, %get3A_663 : vector<16xf32>
      %get3A_665 = arith.constant 0 : index
      %get3A_666 = tpu.vector_load %arg32[%get3A_665] {strides = array<i32>} : memref<112xf32, #tpu.memory_space<vmem>>, vector<16xf32>,
      %add3A_667 = arith.addf %mul3A_657, %get3A_666 : vector<16xf32>
      %get3A_668 = arith.constant 0 : index
      %get3A_669 = tpu.vector_load %arg33[%get3A_668] {strides = array<i32>} : memref<112xf32, #tpu.memory_space<vmem>>, vector<16xf32>,
      %mul3A_670 = arith.constant 5.000000e-01 : f32
      %mul3A_671 = vector.broadcast %mul3A_670 : f32 to vector<16xf32>
      %mul3A_672 = arith.mulf %get3A_669, %mul3A_671 : vector<16xf32>
      %get3A_673 = arith.constant 0 : index
      %get3A_674 = tpu.vector_load %arg34[%get3A_673] {strides = array<i32>} : memref<112xf32, #tpu.memory_space<vmem>>, vector<16xf32>,
      %mul3A_675 = arith.constant 5.000000e-01 : f32
      %mul3A_676 = vector.broadcast %mul3A_675 : f32 to vector<16xf32>
      %mul3A_677 = arith.mulf %get3A_674, %mul3A_676 : vector<16xf32>
      %sub3A_678 = arith.subf %add3A_664, %mul3A_672 : vector<16xf32>
      %mul3A_679 = arith.constant 4.000000e+00 : f32
      %mul3A_680 = vector.broadcast %mul3A_679 : f32 to vector<16xf32>
      %mul3A_681 = arith.mulf %sub3A_678, %mul3A_680 : vector<16xf32>
      %swap3A_682 = arith.constant 0 : index
      %swap3A_683 = tpu.vector_load %arg37[%swap3A_682] {strides = array<i32>} : memref<112xf32, #tpu.memory_space<vmem>>, vector<16xf32>,
      tpu.vector_store %arg37[%swap3A_682], %mul3A_681 {strides = array<i32>} : memref<112xf32, #tpu.memory_space<vmem>>, vector<16xf32>,
      %sub3A_684 = arith.subf %add3A_667, %mul3A_677 : vector<16xf32>
      %mul3A_685 = arith.constant 4.000000e+00 : f32
      %mul3A_686 = vector.broadcast %mul3A_685 : f32 to vector<16xf32>
      %mul3A_687 = arith.mulf %sub3A_684, %mul3A_686 : vector<16xf32>
      %swap3A_688 = arith.constant 0 : index
      %swap3A_689 = tpu.vector_load %arg38[%swap3A_688] {strides = array<i32>} : memref<112xf32, #tpu.memory_space<vmem>>, vector<16xf32>,
      tpu.vector_store %arg38[%swap3A_688], %mul3A_687 {strides = array<i32>} : memref<112xf32, #tpu.memory_space<vmem>>, vector<16xf32>,
      %add3A_690 = arith.addf %add3A_664, %mul3A_672 : vector<16xf32>
      %mul3A_691 = arith.constant 4.000000e+00 : f32
      %mul3A_692 = vector.broadcast %mul3A_691 : f32 to vector<16xf32>
      %mul3A_693 = arith.mulf %add3A_690, %mul3A_692 : vector<16xf32>
      %swap3A_694 = arith.constant 0 : index
      %swap3A_695 = tpu.vector_load %arg39[%swap3A_694] {strides = array<i32>} : memref<112xf32, #tpu.memory_space<vmem>>, vector<16xf32>,
      tpu.vector_store %arg39[%swap3A_694], %mul3A_693 {strides = array<i32>} : memref<112xf32, #tpu.memory_space<vmem>>, vector<16xf32>,
      %add3A_696 = arith.addf %add3A_667, %mul3A_677 : vector<16xf32>
      %mul3A_697 = arith.constant 4.000000e+00 : f32
      %mul3A_698 = vector.broadcast %mul3A_697 : f32 to vector<16xf32>
      %mul3A_699 = arith.mulf %add3A_696, %mul3A_698 : vector<16xf32>
      %swap3A_700 = arith.constant 0 : index
      %swap3A_701 = tpu.vector_load %arg40[%swap3A_700] {strides = array<i32>} : memref<112xf32, #tpu.memory_space<vmem>>, vector<16xf32>,
      tpu.vector_store %arg40[%swap3A_700], %mul3A_699 {strides = array<i32>} : memref<112xf32, #tpu.memory_space<vmem>>, vector<16xf32>,
      %get3A_702 = arith.constant 16 : index
      %get3A_703 = tpu.vector_load %arg20[%get3A_702] {strides = array<i32>} : memref<112xi32, #tpu.memory_space<vmem>>, vector<16xi32>,
      %get3A_704 = arith.constant 16 : index
      %get3A_705 = tpu.vector_load %arg19[%get3A_704] {strides = array<i32>} : memref<112xf32, #tpu.memory_space<vmem>>, vector<16xf32>,
      %convert_element_type3A_706 = arith.sitofp %get3A_703 : vector<16xi32> to vector<16xf32>
      %mul3A_707 = arith.constant 6.10351563E-5 : f32
      %mul3A_708 = vector.broadcast %mul3A_707 : f32 to vector<16xf32>
      %mul3A_709 = arith.mulf %convert_element_type3A_706, %mul3A_708 : vector<16xf32>
      %swap3A_710 = arith.constant 16 : index
      %swap3A_711 = tpu.vector_load %arg35[%swap3A_710] {strides = array<i32>} : memref<112xf32, #tpu.memory_space<vmem>>, vector<16xf32>,
      tpu.vector_store %arg35[%swap3A_710], %mul3A_709 {strides = array<i32>} : memref<112xf32, #tpu.memory_space<vmem>>, vector<16xf32>,
      %swap3A_712 = arith.constant 16 : index
      %swap3A_713 = tpu.vector_load %arg36[%swap3A_712] {strides = array<i32>} : memref<112xf32, #tpu.memory_space<vmem>>, vector<16xf32>,
      tpu.vector_store %arg36[%swap3A_712], %get3A_705 {strides = array<i32>} : memref<112xf32, #tpu.memory_space<vmem>>, vector<16xf32>,
      %and3A_714 = arith.constant 16383 : i32
      %and3A_715 = vector.broadcast %and3A_714 : i32 to vector<16xi32>
      %and3A_716 = arith.andi %get3A_703, %and3A_715 : vector<16xi32>
      %convert_element_type3A_717 = arith.sitofp %and3A_716 : vector<16xi32> to vector<16xf32>
      %mul3A_718 = arith.constant 7.812500e-03 : f32
      %mul3A_719 = vector.broadcast %mul3A_718 : f32 to vector<16xf32>
      %mul3A_720 = arith.mulf %convert_element_type3A_717, %mul3A_719 : vector<16xf32>
      %and3A_721 = arith.constant 127 : i32
      %and3A_722 = vector.broadcast %and3A_721 : i32 to vector<16xi32>
      %and3A_723 = arith.andi %and3A_716, %and3A_722 : vector<16xi32>
      %convert_element_type3A_724 = arith.sitofp %and3A_723 : vector<16xi32> to vector<16xf32>
      %get3A_725 = arith.constant 16 : index
      %get3A_726 = tpu.vector_load %arg31[%get3A_725] {strides = array<i32>} : memref<112xf32, #tpu.memory_space<vmem>>, vector<16xf32>,
      %add3A_727 = arith.addf %convert_element_type3A_724, %get3A_726 : vector<16xf32>
      %get3A_728 = arith.constant 16 : index
      %get3A_729 = tpu.vector_load %arg32[%get3A_728] {strides = array<i32>} : memref<112xf32, #tpu.memory_space<vmem>>, vector<16xf32>,
      %add3A_730 = arith.addf %mul3A_720, %get3A_729 : vector<16xf32>
      %get3A_731 = arith.constant 16 : index
      %get3A_732 = tpu.vector_load %arg33[%get3A_731] {strides = array<i32>} : memref<112xf32, #tpu.memory_space<vmem>>, vector<16xf32>,
      %mul3A_733 = arith.constant 5.000000e-01 : f32
      %mul3A_734 = vector.broadcast %mul3A_733 : f32 to vector<16xf32>
      %mul3A_735 = arith.mulf %get3A_732, %mul3A_734 : vector<16xf32>
      %get3A_736 = arith.constant 16 : index
      %get3A_737 = tpu.vector_load %arg34[%get3A_736] {strides = array<i32>} : memref<112xf32, #tpu.memory_space<vmem>>, vector<16xf32>,
      %mul3A_738 = arith.constant 5.000000e-01 : f32
      %mul3A_739 = vector.broadcast %mul3A_738 : f32 to vector<16xf32>
      %mul3A_740 = arith.mulf %get3A_737, %mul3A_739 : vector<16xf32>
      %sub3A_741 = arith.subf %add3A_727, %mul3A_735 : vector<16xf32>
      %mul3A_742 = arith.constant 4.000000e+00 : f32
      %mul3A_743 = vector.broadcast %mul3A_742 : f32 to vector<16xf32>
      %mul3A_744 = arith.mulf %sub3A_741, %mul3A_743 : vector<16xf32>
      %swap3A_745 = arith.constant 16 : index
      %swap3A_746 = tpu.vector_load %arg37[%swap3A_745] {strides = array<i32>} : memref<112xf32, #tpu.memory_space<vmem>>, vector<16xf32>,
      tpu.vector_store %arg37[%swap3A_745], %mul3A_744 {strides = array<i32>} : memref<112xf32, #tpu.memory_space<vmem>>, vector<16xf32>,
      %sub3A_747 = arith.subf %add3A_730, %mul3A_740 : vector<16xf32>
      %mul3A_748 = arith.constant 4.000000e+00 : f32
      %mul3A_749 = vector.broadcast %mul3A_748 : f32 to vector<16xf32>
      %mul3A_750 = arith.mulf %sub3A_747, %mul3A_749 : vector<16xf32>
      %swap3A_751 = arith.constant 16 : index
      %swap3A_752 = tpu.vector_load %arg38[%swap3A_751] {strides = array<i32>} : memref<112xf32, #tpu.memory_space<vmem>>, vector<16xf32>,
      tpu.vector_store %arg38[%swap3A_751], %mul3A_750 {strides = array<i32>} : memref<112xf32, #tpu.memory_space<vmem>>, vector<16xf32>,
      %add3A_753 = arith.addf %add3A_727, %mul3A_735 : vector<16xf32>
      %mul3A_754 = arith.constant 4.000000e+00 : f32
      %mul3A_755 = vector.broadcast %mul3A_754 : f32 to vector<16xf32>
      %mul3A_756 = arith.mulf %add3A_753, %mul3A_755 : vector<16xf32>
      %swap3A_757 = arith.constant 16 : index
      %swap3A_758 = tpu.vector_load %arg39[%swap3A_757] {strides = array<i32>} : memref<112xf32, #tpu.memory_space<vmem>>, vector<16xf32>,
      tpu.vector_store %arg39[%swap3A_757], %mul3A_756 {strides = array<i32>} : memref<112xf32, #tpu.memory_space<vmem>>, vector<16xf32>,
      %add3A_759 = arith.addf %add3A_730, %mul3A_740 : vector<16xf32>
      %mul3A_760 = arith.constant 4.000000e+00 : f32
      %mul3A_761 = vector.broadcast %mul3A_760 : f32 to vector<16xf32>
      %mul3A_762 = arith.mulf %add3A_759, %mul3A_761 : vector<16xf32>
      %swap3A_763 = arith.constant 16 : index
      %swap3A_764 = tpu.vector_load %arg40[%swap3A_763] {strides = array<i32>} : memref<112xf32, #tpu.memory_space<vmem>>, vector<16xf32>,
      tpu.vector_store %arg40[%swap3A_763], %mul3A_762 {strides = array<i32>} : memref<112xf32, #tpu.memory_space<vmem>>, vector<16xf32>,
      %get3A_765 = arith.constant 32 : index
      %get3A_766 = tpu.vector_load %arg20[%get3A_765] {strides = array<i32>} : memref<112xi32, #tpu.memory_space<vmem>>, vector<16xi32>,
      %get3A_767 = arith.constant 32 : index
      %get3A_768 = tpu.vector_load %arg19[%get3A_767] {strides = array<i32>} : memref<112xf32, #tpu.memory_space<vmem>>, vector<16xf32>,
      %convert_element_type3A_769 = arith.sitofp %get3A_766 : vector<16xi32> to vector<16xf32>
      %mul3A_770 = arith.constant 6.10351563E-5 : f32
      %mul3A_771 = vector.broadcast %mul3A_770 : f32 to vector<16xf32>
      %mul3A_772 = arith.mulf %convert_element_type3A_769, %mul3A_771 : vector<16xf32>
      %swap3A_773 = arith.constant 32 : index
      %swap3A_774 = tpu.vector_load %arg35[%swap3A_773] {strides = array<i32>} : memref<112xf32, #tpu.memory_space<vmem>>, vector<16xf32>,
      tpu.vector_store %arg35[%swap3A_773], %mul3A_772 {strides = array<i32>} : memref<112xf32, #tpu.memory_space<vmem>>, vector<16xf32>,
      %swap3A_775 = arith.constant 32 : index
      %swap3A_776 = tpu.vector_load %arg36[%swap3A_775] {strides = array<i32>} : memref<112xf32, #tpu.memory_space<vmem>>, vector<16xf32>,
      tpu.vector_store %arg36[%swap3A_775], %get3A_768 {strides = array<i32>} : memref<112xf32, #tpu.memory_space<vmem>>, vector<16xf32>,
      %and3A_777 = arith.constant 16383 : i32
      %and3A_778 = vector.broadcast %and3A_777 : i32 to vector<16xi32>
      %and3A_779 = arith.andi %get3A_766, %and3A_778 : vector<16xi32>
      %convert_element_type3A_780 = arith.sitofp %and3A_779 : vector<16xi32> to vector<16xf32>
      %mul3A_781 = arith.constant 7.812500e-03 : f32
      %mul3A_782 = vector.broadcast %mul3A_781 : f32 to vector<16xf32>
      %mul3A_783 = arith.mulf %convert_element_type3A_780, %mul3A_782 : vector<16xf32>
      %and3A_784 = arith.constant 127 : i32
      %and3A_785 = vector.broadcast %and3A_784 : i32 to vector<16xi32>
      %and3A_786 = arith.andi %and3A_779, %and3A_785 : vector<16xi32>
      %convert_element_type3A_787 = arith.sitofp %and3A_786 : vector<16xi32> to vector<16xf32>
      %get3A_788 = arith.constant 32 : index
      %get3A_789 = tpu.vector_load %arg31[%get3A_788] {strides = array<i32>} : memref<112xf32, #tpu.memory_space<vmem>>, vector<16xf32>,
      %add3A_790 = arith.addf %convert_element_type3A_787, %get3A_789 : vector<16xf32>
      %get3A_791 = arith.constant 32 : index
      %get3A_792 = tpu.vector_load %arg32[%get3A_791] {strides = array<i32>} : memref<112xf32, #tpu.memory_space<vmem>>, vector<16xf32>,
      %add3A_793 = arith.addf %mul3A_783, %get3A_792 : vector<16xf32>
      %get3A_794 = arith.constant 32 : index
      %get3A_795 = tpu.vector_load %arg33[%get3A_794] {strides = array<i32>} : memref<112xf32, #tpu.memory_space<vmem>>, vector<16xf32>,
      %mul3A_796 = arith.constant 5.000000e-01 : f32
      %mul3A_797 = vector.broadcast %mul3A_796 : f32 to vector<16xf32>
      %mul3A_798 = arith.mulf %get3A_795, %mul3A_797 : vector<16xf32>
      %get3A_799 = arith.constant 32 : index
      %get3A_800 = tpu.vector_load %arg34[%get3A_799] {strides = array<i32>} : memref<112xf32, #tpu.memory_space<vmem>>, vector<16xf32>,
      %mul3A_801 = arith.constant 5.000000e-01 : f32
      %mul3A_802 = vector.broadcast %mul3A_801 : f32 to vector<16xf32>
      %mul3A_803 = arith.mulf %get3A_800, %mul3A_802 : vector<16xf32>
      %sub3A_804 = arith.subf %add3A_790, %mul3A_798 : vector<16xf32>
      %mul3A_805 = arith.constant 4.000000e+00 : f32
      %mul3A_806 = vector.broadcast %mul3A_805 : f32 to vector<16xf32>
      %mul3A_807 = arith.mulf %sub3A_804, %mul3A_806 : vector<16xf32>
      %swap3A_808 = arith.constant 32 : index
      %swap3A_809 = tpu.vector_load %arg37[%swap3A_808] {strides = array<i32>} : memref<112xf32, #tpu.memory_space<vmem>>, vector<16xf32>,
      tpu.vector_store %arg37[%swap3A_808], %mul3A_807 {strides = array<i32>} : memref<112xf32, #tpu.memory_space<vmem>>, vector<16xf32>,
      %sub3A_810 = arith.subf %add3A_793, %mul3A_803 : vector<16xf32>
      %mul3A_811 = arith.constant 4.000000e+00 : f32
      %mul3A_812 = vector.broadcast %mul3A_811 : f32 to vector<16xf32>
      %mul3A_813 = arith.mulf %sub3A_810, %mul3A_812 : vector<16xf32>
      %swap3A_814 = arith.constant 32 : index
      %swap3A_815 = tpu.vector_load %arg38[%swap3A_814] {strides = array<i32>} : memref<112xf32, #tpu.memory_space<vmem>>, vector<16xf32>,
      tpu.vector_store %arg38[%swap3A_814], %mul3A_813 {strides = array<i32>} : memref<112xf32, #tpu.memory_space<vmem>>, vector<16xf32>,
      %add3A_816 = arith.addf %add3A_790, %mul3A_798 : vector<16xf32>
      %mul3A_817 = arith.constant 4.000000e+00 : f32
      %mul3A_818 = vector.broadcast %mul3A_817 : f32 to vector<16xf32>
      %mul3A_819 = arith.mulf %add3A_816, %mul3A_818 : vector<16xf32>
      %swap3A_820 = arith.constant 32 : index
      %swap3A_821 = tpu.vector_load %arg39[%swap3A_820] {strides = array<i32>} : memref<112xf32, #tpu.memory_space<vmem>>, vector<16xf32>,
      tpu.vector_store %arg39[%swap3A_820], %mul3A_819 {strides = array<i32>} : memref<112xf32, #tpu.memory_space<vmem>>, vector<16xf32>,
      %add3A_822 = arith.addf %add3A_793, %mul3A_803 : vector<16xf32>
      %mul3A_823 = arith.constant 4.000000e+00 : f32
      %mul3A_824 = vector.broadcast %mul3A_823 : f32 to vector<16xf32>
      %mul3A_825 = arith.mulf %add3A_822, %mul3A_824 : vector<16xf32>
      %swap3A_826 = arith.constant 32 : index
      %swap3A_827 = tpu.vector_load %arg40[%swap3A_826] {strides = array<i32>} : memref<112xf32, #tpu.memory_space<vmem>>, vector<16xf32>,
      tpu.vector_store %arg40[%swap3A_826], %mul3A_825 {strides = array<i32>} : memref<112xf32, #tpu.memory_space<vmem>>, vector<16xf32>,
      %get3A_828 = arith.constant 48 : index
      %get3A_829 = tpu.vector_load %arg20[%get3A_828] {strides = array<i32>} : memref<112xi32, #tpu.memory_space<vmem>>, vector<16xi32>,
      %get3A_830 = arith.constant 48 : index
      %get3A_831 = tpu.vector_load %arg19[%get3A_830] {strides = array<i32>} : memref<112xf32, #tpu.memory_space<vmem>>, vector<16xf32>,
      %convert_element_type3A_832 = arith.sitofp %get3A_829 : vector<16xi32> to vector<16xf32>
      %mul3A_833 = arith.constant 6.10351563E-5 : f32
      %mul3A_834 = vector.broadcast %mul3A_833 : f32 to vector<16xf32>
      %mul3A_835 = arith.mulf %convert_element_type3A_832, %mul3A_834 : vector<16xf32>
      %swap3A_836 = arith.constant 48 : index
      %swap3A_837 = tpu.vector_load %arg35[%swap3A_836] {strides = array<i32>} : memref<112xf32, #tpu.memory_space<vmem>>, vector<16xf32>,
      tpu.vector_store %arg35[%swap3A_836], %mul3A_835 {strides = array<i32>} : memref<112xf32, #tpu.memory_space<vmem>>, vector<16xf32>,
      %swap3A_838 = arith.constant 48 : index
      %swap3A_839 = tpu.vector_load %arg36[%swap3A_838] {strides = array<i32>} : memref<112xf32, #tpu.memory_space<vmem>>, vector<16xf32>,
      tpu.vector_store %arg36[%swap3A_838], %get3A_831 {strides = array<i32>} : memref<112xf32, #tpu.memory_space<vmem>>, vector<16xf32>,
      %and3A_840 = arith.constant 16383 : i32
      %and3A_841 = vector.broadcast %and3A_840 : i32 to vector<16xi32>
      %and3A_842 = arith.andi %get3A_829, %and3A_841 : vector<16xi32>
      %convert_element_type3A_843 = arith.sitofp %and3A_842 : vector<16xi32> to vector<16xf32>
      %mul3A_844 = arith.constant 7.812500e-03 : f32
      %mul3A_845 = vector.broadcast %mul3A_844 : f32 to vector<16xf32>
      %mul3A_846 = arith.mulf %convert_element_type3A_843, %mul3A_845 : vector<16xf32>
      %and3A_847 = arith.constant 127 : i32
      %and3A_848 = vector.broadcast %and3A_847 : i32 to vector<16xi32>
      %and3A_849 = arith.andi %and3A_842, %and3A_848 : vector<16xi32>
      %convert_element_type3A_850 = arith.sitofp %and3A_849 : vector<16xi32> to vector<16xf32>
      %get3A_851 = arith.constant 48 : index
      %get3A_852 = tpu.vector_load %arg31[%get3A_851] {strides = array<i32>} : memref<112xf32, #tpu.memory_space<vmem>>, vector<16xf32>,
      %add3A_853 = arith.addf %convert_element_type3A_850, %get3A_852 : vector<16xf32>
      %get3A_854 = arith.constant 48 : index
      %get3A_855 = tpu.vector_load %arg32[%get3A_854] {strides = array<i32>} : memref<112xf32, #tpu.memory_space<vmem>>, vector<16xf32>,
      %add3A_856 = arith.addf %mul3A_846, %get3A_855 : vector<16xf32>
      %get3A_857 = arith.constant 48 : index
      %get3A_858 = tpu.vector_load %arg33[%get3A_857] {strides = array<i32>} : memref<112xf32, #tpu.memory_space<vmem>>, vector<16xf32>,
      %mul3A_859 = arith.constant 5.000000e-01 : f32
      %mul3A_860 = vector.broadcast %mul3A_859 : f32 to vector<16xf32>
      %mul3A_861 = arith.mulf %get3A_858, %mul3A_860 : vector<16xf32>
      %get3A_862 = arith.constant 48 : index
      %get3A_863 = tpu.vector_load %arg34[%get3A_862] {strides = array<i32>} : memref<112xf32, #tpu.memory_space<vmem>>, vector<16xf32>,
      %mul3A_864 = arith.constant 5.000000e-01 : f32
      %mul3A_865 = vector.broadcast %mul3A_864 : f32 to vector<16xf32>
      %mul3A_866 = arith.mulf %get3A_863, %mul3A_865 : vector<16xf32>
      %sub3A_867 = arith.subf %add3A_853, %mul3A_861 : vector<16xf32>
      %mul3A_868 = arith.constant 4.000000e+00 : f32
      %mul3A_869 = vector.broadcast %mul3A_868 : f32 to vector<16xf32>
      %mul3A_870 = arith.mulf %sub3A_867, %mul3A_869 : vector<16xf32>
      %swap3A_871 = arith.constant 48 : index
      %swap3A_872 = tpu.vector_load %arg37[%swap3A_871] {strides = array<i32>} : memref<112xf32, #tpu.memory_space<vmem>>, vector<16xf32>,
      tpu.vector_store %arg37[%swap3A_871], %mul3A_870 {strides = array<i32>} : memref<112xf32, #tpu.memory_space<vmem>>, vector<16xf32>,
      %sub3A_873 = arith.subf %add3A_856, %mul3A_866 : vector<16xf32>
      %mul3A_874 = arith.constant 4.000000e+00 : f32
      %mul3A_875 = vector.broadcast %mul3A_874 : f32 to vector<16xf32>
      %mul3A_876 = arith.mulf %sub3A_873, %mul3A_875 : vector<16xf32>
      %swap3A_877 = arith.constant 48 : index
      %swap3A_878 = tpu.vector_load %arg38[%swap3A_877] {strides = array<i32>} : memref<112xf32, #tpu.memory_space<vmem>>, vector<16xf32>,
      tpu.vector_store %arg38[%swap3A_877], %mul3A_876 {strides = array<i32>} : memref<112xf32, #tpu.memory_space<vmem>>, vector<16xf32>,
      %add3A_879 = arith.addf %add3A_853, %mul3A_861 : vector<16xf32>
      %mul3A_880 = arith.constant 4.000000e+00 : f32
      %mul3A_881 = vector.broadcast %mul3A_880 : f32 to vector<16xf32>
      %mul3A_882 = arith.mulf %add3A_879, %mul3A_881 : vector<16xf32>
      %swap3A_883 = arith.constant 48 : index
      %swap3A_884 = tpu.vector_load %arg39[%swap3A_883] {strides = array<i32>} : memref<112xf32, #tpu.memory_space<vmem>>, vector<16xf32>,
      tpu.vector_store %arg39[%swap3A_883], %mul3A_882 {strides = array<i32>} : memref<112xf32, #tpu.memory_space<vmem>>, vector<16xf32>,
      %add3A_885 = arith.addf %add3A_856, %mul3A_866 : vector<16xf32>
      %mul3A_886 = arith.constant 4.000000e+00 : f32
      %mul3A_887 = vector.broadcast %mul3A_886 : f32 to vector<16xf32>
      %mul3A_888 = arith.mulf %add3A_885, %mul3A_887 : vector<16xf32>
      %swap3A_889 = arith.constant 48 : index
      %swap3A_890 = tpu.vector_load %arg40[%swap3A_889] {strides = array<i32>} : memref<112xf32, #tpu.memory_space<vmem>>, vector<16xf32>,
      tpu.vector_store %arg40[%swap3A_889], %mul3A_888 {strides = array<i32>} : memref<112xf32, #tpu.memory_space<vmem>>, vector<16xf32>,
      %get3A_891 = arith.constant 64 : index
      %get3A_892 = tpu.vector_load %arg20[%get3A_891] {strides = array<i32>} : memref<112xi32, #tpu.memory_space<vmem>>, vector<16xi32>,
      %get3A_893 = arith.constant 64 : index
      %get3A_894 = tpu.vector_load %arg19[%get3A_893] {strides = array<i32>} : memref<112xf32, #tpu.memory_space<vmem>>, vector<16xf32>,
      %convert_element_type3A_895 = arith.sitofp %get3A_892 : vector<16xi32> to vector<16xf32>
      %mul3A_896 = arith.constant 6.10351563E-5 : f32
      %mul3A_897 = vector.broadcast %mul3A_896 : f32 to vector<16xf32>
      %mul3A_898 = arith.mulf %convert_element_type3A_895, %mul3A_897 : vector<16xf32>
      %swap3A_899 = arith.constant 64 : index
      %swap3A_900 = tpu.vector_load %arg35[%swap3A_899] {strides = array<i32>} : memref<112xf32, #tpu.memory_space<vmem>>, vector<16xf32>,
      tpu.vector_store %arg35[%swap3A_899], %mul3A_898 {strides = array<i32>} : memref<112xf32, #tpu.memory_space<vmem>>, vector<16xf32>,
      %swap3A_901 = arith.constant 64 : index
      %swap3A_902 = tpu.vector_load %arg36[%swap3A_901] {strides = array<i32>} : memref<112xf32, #tpu.memory_space<vmem>>, vector<16xf32>,
      tpu.vector_store %arg36[%swap3A_901], %get3A_894 {strides = array<i32>} : memref<112xf32, #tpu.memory_space<vmem>>, vector<16xf32>,
      %and3A_903 = arith.constant 16383 : i32
      %and3A_904 = vector.broadcast %and3A_903 : i32 to vector<16xi32>
      %and3A_905 = arith.andi %get3A_892, %and3A_904 : vector<16xi32>
      %convert_element_type3A_906 = arith.sitofp %and3A_905 : vector<16xi32> to vector<16xf32>
      %mul3A_907 = arith.constant 7.812500e-03 : f32
      %mul3A_908 = vector.broadcast %mul3A_907 : f32 to vector<16xf32>
      %mul3A_909 = arith.mulf %convert_element_type3A_906, %mul3A_908 : vector<16xf32>
      %and3A_910 = arith.constant 127 : i32
      %and3A_911 = vector.broadcast %and3A_910 : i32 to vector<16xi32>
      %and3A_912 = arith.andi %and3A_905, %and3A_911 : vector<16xi32>
      %convert_element_type3A_913 = arith.sitofp %and3A_912 : vector<16xi32> to vector<16xf32>
      %get3A_914 = arith.constant 64 : index
      %get3A_915 = tpu.vector_load %arg31[%get3A_914] {strides = array<i32>} : memref<112xf32, #tpu.memory_space<vmem>>, vector<16xf32>,
      %add3A_916 = arith.addf %convert_element_type3A_913, %get3A_915 : vector<16xf32>
      %get3A_917 = arith.constant 64 : index
      %get3A_918 = tpu.vector_load %arg32[%get3A_917] {strides = array<i32>} : memref<112xf32, #tpu.memory_space<vmem>>, vector<16xf32>,
      %add3A_919 = arith.addf %mul3A_909, %get3A_918 : vector<16xf32>
      %get3A_920 = arith.constant 64 : index
      %get3A_921 = tpu.vector_load %arg33[%get3A_920] {strides = array<i32>} : memref<112xf32, #tpu.memory_space<vmem>>, vector<16xf32>,
      %mul3A_922 = arith.constant 5.000000e-01 : f32
      %mul3A_923 = vector.broadcast %mul3A_922 : f32 to vector<16xf32>
      %mul3A_924 = arith.mulf %get3A_921, %mul3A_923 : vector<16xf32>
      %get3A_925 = arith.constant 64 : index
      %get3A_926 = tpu.vector_load %arg34[%get3A_925] {strides = array<i32>} : memref<112xf32, #tpu.memory_space<vmem>>, vector<16xf32>,
      %mul3A_927 = arith.constant 5.000000e-01 : f32
      %mul3A_928 = vector.broadcast %mul3A_927 : f32 to vector<16xf32>
      %mul3A_929 = arith.mulf %get3A_926, %mul3A_928 : vector<16xf32>
      %sub3A_930 = arith.subf %add3A_916, %mul3A_924 : vector<16xf32>
      %mul3A_931 = arith.constant 4.000000e+00 : f32
      %mul3A_932 = vector.broadcast %mul3A_931 : f32 to vector<16xf32>
      %mul3A_933 = arith.mulf %sub3A_930, %mul3A_932 : vector<16xf32>
      %swap3A_934 = arith.constant 64 : index
      %swap3A_935 = tpu.vector_load %arg37[%swap3A_934] {strides = array<i32>} : memref<112xf32, #tpu.memory_space<vmem>>, vector<16xf32>,
      tpu.vector_store %arg37[%swap3A_934], %mul3A_933 {strides = array<i32>} : memref<112xf32, #tpu.memory_space<vmem>>, vector<16xf32>,
      %sub3A_936 = arith.subf %add3A_919, %mul3A_929 : vector<16xf32>
      %mul3A_937 = arith.constant 4.000000e+00 : f32
      %mul3A_938 = vector.broadcast %mul3A_937 : f32 to vector<16xf32>
      %mul3A_939 = arith.mulf %sub3A_936, %mul3A_938 : vector<16xf32>
      %swap3A_940 = arith.constant 64 : index
      %swap3A_941 = tpu.vector_load %arg38[%swap3A_940] {strides = array<i32>} : memref<112xf32, #tpu.memory_space<vmem>>, vector<16xf32>,
      tpu.vector_store %arg38[%swap3A_940], %mul3A_939 {strides = array<i32>} : memref<112xf32, #tpu.memory_space<vmem>>, vector<16xf32>,
      %add3A_942 = arith.addf %add3A_916, %mul3A_924 : vector<16xf32>
      %mul3A_943 = arith.constant 4.000000e+00 : f32
      %mul3A_944 = vector.broadcast %mul3A_943 : f32 to vector<16xf32>
      %mul3A_945 = arith.mulf %add3A_942, %mul3A_944 : vector<16xf32>
      %swap3A_946 = arith.constant 64 : index
      %swap3A_947 = tpu.vector_load %arg39[%swap3A_946] {strides = array<i32>} : memref<112xf32, #tpu.memory_space<vmem>>, vector<16xf32>,
      tpu.vector_store %arg39[%swap3A_946], %mul3A_945 {strides = array<i32>} : memref<112xf32, #tpu.memory_space<vmem>>, vector<16xf32>,
      %add3A_948 = arith.addf %add3A_919, %mul3A_929 : vector<16xf32>
      %mul3A_949 = arith.constant 4.000000e+00 : f32
      %mul3A_950 = vector.broadcast %mul3A_949 : f32 to vector<16xf32>
      %mul3A_951 = arith.mulf %add3A_948, %mul3A_950 : vector<16xf32>
      %swap3A_952 = arith.constant 64 : index
      %swap3A_953 = tpu.vector_load %arg40[%swap3A_952] {strides = array<i32>} : memref<112xf32, #tpu.memory_space<vmem>>, vector<16xf32>,
      tpu.vector_store %arg40[%swap3A_952], %mul3A_951 {strides = array<i32>} : memref<112xf32, #tpu.memory_space<vmem>>, vector<16xf32>,
      %get3A_954 = arith.constant 80 : index
      %get3A_955 = tpu.vector_load %arg20[%get3A_954] {strides = array<i32>} : memref<112xi32, #tpu.memory_space<vmem>>, vector<16xi32>,
      %get3A_956 = arith.constant 80 : index
      %get3A_957 = tpu.vector_load %arg19[%get3A_956] {strides = array<i32>} : memref<112xf32, #tpu.memory_space<vmem>>, vector<16xf32>,
      %convert_element_type3A_958 = arith.sitofp %get3A_955 : vector<16xi32> to vector<16xf32>
      %mul3A_959 = arith.constant 6.10351563E-5 : f32
      %mul3A_960 = vector.broadcast %mul3A_959 : f32 to vector<16xf32>
      %mul3A_961 = arith.mulf %convert_element_type3A_958, %mul3A_960 : vector<16xf32>
      %swap3A_962 = arith.constant 80 : index
      %swap3A_963 = tpu.vector_load %arg35[%swap3A_962] {strides = array<i32>} : memref<112xf32, #tpu.memory_space<vmem>>, vector<16xf32>,
      tpu.vector_store %arg35[%swap3A_962], %mul3A_961 {strides = array<i32>} : memref<112xf32, #tpu.memory_space<vmem>>, vector<16xf32>,
      %swap3A_964 = arith.constant 80 : index
      %swap3A_965 = tpu.vector_load %arg36[%swap3A_964] {strides = array<i32>} : memref<112xf32, #tpu.memory_space<vmem>>, vector<16xf32>,
      tpu.vector_store %arg36[%swap3A_964], %get3A_957 {strides = array<i32>} : memref<112xf32, #tpu.memory_space<vmem>>, vector<16xf32>,
      %and3A_966 = arith.constant 16383 : i32
      %and3A_967 = vector.broadcast %and3A_966 : i32 to vector<16xi32>
      %and3A_968 = arith.andi %get3A_955, %and3A_967 : vector<16xi32>
      %convert_element_type3A_969 = arith.sitofp %and3A_968 : vector<16xi32> to vector<16xf32>
      %mul3A_970 = arith.constant 7.812500e-03 : f32
      %mul3A_971 = vector.broadcast %mul3A_970 : f32 to vector<16xf32>
      %mul3A_972 = arith.mulf %convert_element_type3A_969, %mul3A_971 : vector<16xf32>
      %and3A_973 = arith.constant 127 : i32
      %and3A_974 = vector.broadcast %and3A_973 : i32 to vector<16xi32>
      %and3A_975 = arith.andi %and3A_968, %and3A_974 : vector<16xi32>
      %convert_element_type3A_976 = arith.sitofp %and3A_975 : vector<16xi32> to vector<16xf32>
      %get3A_977 = arith.constant 80 : index
      %get3A_978 = tpu.vector_load %arg31[%get3A_977] {strides = array<i32>} : memref<112xf32, #tpu.memory_space<vmem>>, vector<16xf32>,
      %add3A_979 = arith.addf %convert_element_type3A_976, %get3A_978 : vector<16xf32>
      %get3A_980 = arith.constant 80 : index
      %get3A_981 = tpu.vector_load %arg32[%get3A_980] {strides = array<i32>} : memref<112xf32, #tpu.memory_space<vmem>>, vector<16xf32>,
      %add3A_982 = arith.addf %mul3A_972, %get3A_981 : vector<16xf32>
      %get3A_983 = arith.constant 80 : index
      %get3A_984 = tpu.vector_load %arg33[%get3A_983] {strides = array<i32>} : memref<112xf32, #tpu.memory_space<vmem>>, vector<16xf32>,
      %mul3A_985 = arith.constant 5.000000e-01 : f32
      %mul3A_986 = vector.broadcast %mul3A_985 : f32 to vector<16xf32>
      %mul3A_987 = arith.mulf %get3A_984, %mul3A_986 : vector<16xf32>
      %get3A_988 = arith.constant 80 : index
      %get3A_989 = tpu.vector_load %arg34[%get3A_988] {strides = array<i32>} : memref<112xf32, #tpu.memory_space<vmem>>, vector<16xf32>,
      %mul3A_990 = arith.constant 5.000000e-01 : f32
      %mul3A_991 = vector.broadcast %mul3A_990 : f32 to vector<16xf32>
      %mul3A_992 = arith.mulf %get3A_989, %mul3A_991 : vector<16xf32>
      %sub3A_993 = arith.subf %add3A_979, %mul3A_987 : vector<16xf32>
      %mul3A_994 = arith.constant 4.000000e+00 : f32
      %mul3A_995 = vector.broadcast %mul3A_994 : f32 to vector<16xf32>
      %mul3A_996 = arith.mulf %sub3A_993, %mul3A_995 : vector<16xf32>
      %swap3A_997 = arith.constant 80 : index
      %swap3A_998 = tpu.vector_load %arg37[%swap3A_997] {strides = array<i32>} : memref<112xf32, #tpu.memory_space<vmem>>, vector<16xf32>,
      tpu.vector_store %arg37[%swap3A_997], %mul3A_996 {strides = array<i32>} : memref<112xf32, #tpu.memory_space<vmem>>, vector<16xf32>,
      %sub3A_999 = arith.subf %add3A_982, %mul3A_992 : vector<16xf32>
      %mul3A_1000 = arith.constant 4.000000e+00 : f32
      %mul3A_1001 = vector.broadcast %mul3A_1000 : f32 to vector<16xf32>
      %mul3A_1002 = arith.mulf %sub3A_999, %mul3A_1001 : vector<16xf32>
      %swap3A_1003 = arith.constant 80 : index
      %swap3A_1004 = tpu.vector_load %arg38[%swap3A_1003] {strides = array<i32>} : memref<112xf32, #tpu.memory_space<vmem>>, vector<16xf32>,
      tpu.vector_store %arg38[%swap3A_1003], %mul3A_1002 {strides = array<i32>} : memref<112xf32, #tpu.memory_space<vmem>>, vector<16xf32>,
      %add3A_1005 = arith.addf %add3A_979, %mul3A_987 : vector<16xf32>
      %mul3A_1006 = arith.constant 4.000000e+00 : f32
      %mul3A_1007 = vector.broadcast %mul3A_1006 : f32 to vector<16xf32>
      %mul3A_1008 = arith.mulf %add3A_1005, %mul3A_1007 : vector<16xf32>
      %swap3A_1009 = arith.constant 80 : index
      %swap3A_1010 = tpu.vector_load %arg39[%swap3A_1009] {strides = array<i32>} : memref<112xf32, #tpu.memory_space<vmem>>, vector<16xf32>,
      tpu.vector_store %arg39[%swap3A_1009], %mul3A_1008 {strides = array<i32>} : memref<112xf32, #tpu.memory_space<vmem>>, vector<16xf32>,
      %add3A_1011 = arith.addf %add3A_982, %mul3A_992 : vector<16xf32>
      %mul3A_1012 = arith.constant 4.000000e+00 : f32
      %mul3A_1013 = vector.broadcast %mul3A_1012 : f32 to vector<16xf32>
      %mul3A_1014 = arith.mulf %add3A_1011, %mul3A_1013 : vector<16xf32>
      %swap3A_1015 = arith.constant 80 : index
      %swap3A_1016 = tpu.vector_load %arg40[%swap3A_1015] {strides = array<i32>} : memref<112xf32, #tpu.memory_space<vmem>>, vector<16xf32>,
      tpu.vector_store %arg40[%swap3A_1015], %mul3A_1014 {strides = array<i32>} : memref<112xf32, #tpu.memory_space<vmem>>, vector<16xf32>,
      %get3A_1017 = arith.constant 96 : index
      %get3A_1018 = tpu.vector_load %arg20[%get3A_1017] {strides = array<i32>} : memref<112xi32, #tpu.memory_space<vmem>>, vector<16xi32>,
      %get3A_1019 = arith.constant 96 : index
      %get3A_1020 = tpu.vector_load %arg19[%get3A_1019] {strides = array<i32>} : memref<112xf32, #tpu.memory_space<vmem>>, vector<16xf32>,
      %convert_element_type3A_1021 = arith.sitofp %get3A_1018 : vector<16xi32> to vector<16xf32>
      %mul3A_1022 = arith.constant 6.10351563E-5 : f32
      %mul3A_1023 = vector.broadcast %mul3A_1022 : f32 to vector<16xf32>
      %mul3A_1024 = arith.mulf %convert_element_type3A_1021, %mul3A_1023 : vector<16xf32>
      %swap3A_1025 = arith.constant 96 : index
      %swap3A_1026 = tpu.vector_load %arg35[%swap3A_1025] {strides = array<i32>} : memref<112xf32, #tpu.memory_space<vmem>>, vector<16xf32>,
      tpu.vector_store %arg35[%swap3A_1025], %mul3A_1024 {strides = array<i32>} : memref<112xf32, #tpu.memory_space<vmem>>, vector<16xf32>,
      %swap3A_1027 = arith.constant 96 : index
      %swap3A_1028 = tpu.vector_load %arg36[%swap3A_1027] {strides = array<i32>} : memref<112xf32, #tpu.memory_space<vmem>>, vector<16xf32>,
      tpu.vector_store %arg36[%swap3A_1027], %get3A_1020 {strides = array<i32>} : memref<112xf32, #tpu.memory_space<vmem>>, vector<16xf32>,
      %and3A_1029 = arith.constant 16383 : i32
      %and3A_1030 = vector.broadcast %and3A_1029 : i32 to vector<16xi32>
      %and3A_1031 = arith.andi %get3A_1018, %and3A_1030 : vector<16xi32>
      %convert_element_type3A_1032 = arith.sitofp %and3A_1031 : vector<16xi32> to vector<16xf32>
      %mul3A_1033 = arith.constant 7.812500e-03 : f32
      %mul3A_1034 = vector.broadcast %mul3A_1033 : f32 to vector<16xf32>
      %mul3A_1035 = arith.mulf %convert_element_type3A_1032, %mul3A_1034 : vector<16xf32>
      %and3A_1036 = arith.constant 127 : i32
      %and3A_1037 = vector.broadcast %and3A_1036 : i32 to vector<16xi32>
      %and3A_1038 = arith.andi %and3A_1031, %and3A_1037 : vector<16xi32>
      %convert_element_type3A_1039 = arith.sitofp %and3A_1038 : vector<16xi32> to vector<16xf32>
      %get3A_1040 = arith.constant 96 : index
      %get3A_1041 = tpu.vector_load %arg31[%get3A_1040] {strides = array<i32>} : memref<112xf32, #tpu.memory_space<vmem>>, vector<16xf32>,
      %add3A_1042 = arith.addf %convert_element_type3A_1039, %get3A_1041 : vector<16xf32>
      %get3A_1043 = arith.constant 96 : index
      %get3A_1044 = tpu.vector_load %arg32[%get3A_1043] {strides = array<i32>} : memref<112xf32, #tpu.memory_space<vmem>>, vector<16xf32>,
      %add3A_1045 = arith.addf %mul3A_1035, %get3A_1044 : vector<16xf32>
      %get3A_1046 = arith.constant 96 : index
      %get3A_1047 = tpu.vector_load %arg33[%get3A_1046] {strides = array<i32>} : memref<112xf32, #tpu.memory_space<vmem>>, vector<16xf32>,
      %mul3A_1048 = arith.constant 5.000000e-01 : f32
      %mul3A_1049 = vector.broadcast %mul3A_1048 : f32 to vector<16xf32>
      %mul3A_1050 = arith.mulf %get3A_1047, %mul3A_1049 : vector<16xf32>
      %get3A_1051 = arith.constant 96 : index
      %get3A_1052 = tpu.vector_load %arg34[%get3A_1051] {strides = array<i32>} : memref<112xf32, #tpu.memory_space<vmem>>, vector<16xf32>,
      %mul3A_1053 = arith.constant 5.000000e-01 : f32
      %mul3A_1054 = vector.broadcast %mul3A_1053 : f32 to vector<16xf32>
      %mul3A_1055 = arith.mulf %get3A_1052, %mul3A_1054 : vector<16xf32>
      %sub3A_1056 = arith.subf %add3A_1042, %mul3A_1050 : vector<16xf32>
      %mul3A_1057 = arith.constant 4.000000e+00 : f32
      %mul3A_1058 = vector.broadcast %mul3A_1057 : f32 to vector<16xf32>
      %mul3A_1059 = arith.mulf %sub3A_1056, %mul3A_1058 : vector<16xf32>
      %swap3A_1060 = arith.constant 96 : index
      %swap3A_1061 = tpu.vector_load %arg37[%swap3A_1060] {strides = array<i32>} : memref<112xf32, #tpu.memory_space<vmem>>, vector<16xf32>,
      tpu.vector_store %arg37[%swap3A_1060], %mul3A_1059 {strides = array<i32>} : memref<112xf32, #tpu.memory_space<vmem>>, vector<16xf32>,
      %sub3A_1062 = arith.subf %add3A_1045, %mul3A_1055 : vector<16xf32>
      %mul3A_1063 = arith.constant 4.000000e+00 : f32
      %mul3A_1064 = vector.broadcast %mul3A_1063 : f32 to vector<16xf32>
      %mul3A_1065 = arith.mulf %sub3A_1062, %mul3A_1064 : vector<16xf32>
      %swap3A_1066 = arith.constant 96 : index
      %swap3A_1067 = tpu.vector_load %arg38[%swap3A_1066] {strides = array<i32>} : memref<112xf32, #tpu.memory_space<vmem>>, vector<16xf32>,
      tpu.vector_store %arg38[%swap3A_1066], %mul3A_1065 {strides = array<i32>} : memref<112xf32, #tpu.memory_space<vmem>>, vector<16xf32>,
      %add3A_1068 = arith.addf %add3A_1042, %mul3A_1050 : vector<16xf32>
      %mul3A_1069 = arith.constant 4.000000e+00 : f32
      %mul3A_1070 = vector.broadcast %mul3A_1069 : f32 to vector<16xf32>
      %mul3A_1071 = arith.mulf %add3A_1068, %mul3A_1070 : vector<16xf32>
      %swap3A_1072 = arith.constant 96 : index
      %swap3A_1073 = tpu.vector_load %arg39[%swap3A_1072] {strides = array<i32>} : memref<112xf32, #tpu.memory_space<vmem>>, vector<16xf32>,
      tpu.vector_store %arg39[%swap3A_1072], %mul3A_1071 {strides = array<i32>} : memref<112xf32, #tpu.memory_space<vmem>>, vector<16xf32>,
      %add3A_1074 = arith.addf %add3A_1045, %mul3A_1055 : vector<16xf32>
      %mul3A_1075 = arith.constant 4.000000e+00 : f32
      %mul3A_1076 = vector.broadcast %mul3A_1075 : f32 to vector<16xf32>
      %mul3A_1077 = arith.mulf %add3A_1074, %mul3A_1076 : vector<16xf32>
      %swap3A_1078 = arith.constant 96 : index
      %swap3A_1079 = tpu.vector_load %arg40[%swap3A_1078] {strides = array<i32>} : memref<112xf32, #tpu.memory_space<vmem>>, vector<16xf32>,
      tpu.vector_store %arg40[%swap3A_1078], %mul3A_1077 {strides = array<i32>} : memref<112xf32, #tpu.memory_space<vmem>>, vector<16xf32>,
      "tpu.region"() ({
        %run_scoped3A = tpu.sem_alloc : memref<!tpu.dma_semaphore, #tpu.memory_space<semaphore_mem>>
        %dma_start3A_1080 = arith.constant 0 : i32
        %dma_start3A_1081 = tpu.memref_slice %arg7[%add3A, %dma_start3A_1080] : memref<16x112xf32, #tpu.memory_space<hbm>> -> memref<1x112xf32, #tpu.memory_space<hbm>>
        %dma_start3A_1082 = tpu.memref_squeeze %dma_start3A_1081 : memref<1x112xf32, #tpu.memory_space<hbm>> -> memref<112xf32, #tpu.memory_space<hbm>>
        %dma_start3A_1083 = arith.constant 0 : i32
        %dma_start3A_1084 = tpu.memref_slice %arg7[%add3A, %dma_start3A_1083] : memref<16x112xf32, #tpu.memory_space<hbm>> -> memref<1x112xf32, #tpu.memory_space<hbm>>
        %dma_start3A_1085 = tpu.memref_squeeze %dma_start3A_1084 : memref<1x112xf32, #tpu.memory_space<hbm>> -> memref<112xf32, #tpu.memory_space<hbm>>
        tpu.enqueue_dma source(%arg35 : memref<112xf32, #tpu.memory_space<vmem>>) target(%dma_start3A_1085 : memref<112xf32, #tpu.memory_space<hbm>>) target_semaphore(%run_scoped3A : memref<!tpu.dma_semaphore, #tpu.memory_space<semaphore_mem>>)
        %dma_wait3A_1086 = arith.constant 0 : i32
        %dma_wait3A_1087 = tpu.memref_slice %arg7[%add3A, %dma_wait3A_1086] : memref<16x112xf32, #tpu.memory_space<hbm>> -> memref<1x112xf32, #tpu.memory_space<hbm>>
        %dma_wait3A_1088 = tpu.memref_squeeze %dma_wait3A_1087 : memref<1x112xf32, #tpu.memory_space<hbm>> -> memref<112xf32, #tpu.memory_space<hbm>>
        %dma_wait3A_1089 = arith.constant 0 : i32
        %dma_wait3A_1090 = tpu.memref_slice %arg7[%add3A, %dma_wait3A_1089] : memref<16x112xf32, #tpu.memory_space<hbm>> -> memref<1x112xf32, #tpu.memory_space<hbm>>
        %dma_wait3A_1091 = tpu.memref_squeeze %dma_wait3A_1090 : memref<1x112xf32, #tpu.memory_space<hbm>> -> memref<112xf32, #tpu.memory_space<hbm>>
        tpu.wait_dma2 semaphore(%run_scoped3A : memref<!tpu.dma_semaphore, #tpu.memory_space<semaphore_mem>>) src(%arg35 : memref<112xf32, #tpu.memory_space<vmem>>) dst(%dma_wait3A_1091 : memref<112xf32, #tpu.memory_space<hbm>>)
        tpu.yield
      }) : () -> ()
      "tpu.region"() ({
        %run_scoped3A = tpu.sem_alloc : memref<!tpu.dma_semaphore, #tpu.memory_space<semaphore_mem>>
        %dma_start3A_1080 = arith.constant 0 : i32
        %dma_start3A_1081 = tpu.memref_slice %arg8[%add3A, %dma_start3A_1080] : memref<16x112xf32, #tpu.memory_space<hbm>> -> memref<1x112xf32, #tpu.memory_space<hbm>>
        %dma_start3A_1082 = tpu.memref_squeeze %dma_start3A_1081 : memref<1x112xf32, #tpu.memory_space<hbm>> -> memref<112xf32, #tpu.memory_space<hbm>>
        %dma_start3A_1083 = arith.constant 0 : i32
        %dma_start3A_1084 = tpu.memref_slice %arg8[%add3A, %dma_start3A_1083] : memref<16x112xf32, #tpu.memory_space<hbm>> -> memref<1x112xf32, #tpu.memory_space<hbm>>
        %dma_start3A_1085 = tpu.memref_squeeze %dma_start3A_1084 : memref<1x112xf32, #tpu.memory_space<hbm>> -> memref<112xf32, #tpu.memory_space<hbm>>
        tpu.enqueue_dma source(%arg36 : memref<112xf32, #tpu.memory_space<vmem>>) target(%dma_start3A_1085 : memref<112xf32, #tpu.memory_space<hbm>>) target_semaphore(%run_scoped3A : memref<!tpu.dma_semaphore, #tpu.memory_space<semaphore_mem>>)
        %dma_wait3A_1086 = arith.constant 0 : i32
        %dma_wait3A_1087 = tpu.memref_slice %arg8[%add3A, %dma_wait3A_1086] : memref<16x112xf32, #tpu.memory_space<hbm>> -> memref<1x112xf32, #tpu.memory_space<hbm>>
        %dma_wait3A_1088 = tpu.memref_squeeze %dma_wait3A_1087 : memref<1x112xf32, #tpu.memory_space<hbm>> -> memref<112xf32, #tpu.memory_space<hbm>>
        %dma_wait3A_1089 = arith.constant 0 : i32
        %dma_wait3A_1090 = tpu.memref_slice %arg8[%add3A, %dma_wait3A_1089] : memref<16x112xf32, #tpu.memory_space<hbm>> -> memref<1x112xf32, #tpu.memory_space<hbm>>
        %dma_wait3A_1091 = tpu.memref_squeeze %dma_wait3A_1090 : memref<1x112xf32, #tpu.memory_space<hbm>> -> memref<112xf32, #tpu.memory_space<hbm>>
        tpu.wait_dma2 semaphore(%run_scoped3A : memref<!tpu.dma_semaphore, #tpu.memory_space<semaphore_mem>>) src(%arg36 : memref<112xf32, #tpu.memory_space<vmem>>) dst(%dma_wait3A_1091 : memref<112xf32, #tpu.memory_space<hbm>>)
        tpu.yield
      }) : () -> ()
      "tpu.region"() ({
        %run_scoped3A = tpu.sem_alloc : memref<!tpu.dma_semaphore, #tpu.memory_space<semaphore_mem>>
        %dma_start3A_1080 = arith.constant 0 : i32
        %dma_start3A_1081 = tpu.memref_slice %arg9[%add3A, %dma_start3A_1080] : memref<16x112xf32, #tpu.memory_space<hbm>> -> memref<1x112xf32, #tpu.memory_space<hbm>>
        %dma_start3A_1082 = tpu.memref_squeeze %dma_start3A_1081 : memref<1x112xf32, #tpu.memory_space<hbm>> -> memref<112xf32, #tpu.memory_space<hbm>>
        %dma_start3A_1083 = arith.constant 0 : i32
        %dma_start3A_1084 = tpu.memref_slice %arg9[%add3A, %dma_start3A_1083] : memref<16x112xf32, #tpu.memory_space<hbm>> -> memref<1x112xf32, #tpu.memory_space<hbm>>
        %dma_start3A_1085 = tpu.memref_squeeze %dma_start3A_1084 : memref<1x112xf32, #tpu.memory_space<hbm>> -> memref<112xf32, #tpu.memory_space<hbm>>
        tpu.enqueue_dma source(%arg37 : memref<112xf32, #tpu.memory_space<vmem>>) target(%dma_start3A_1085 : memref<112xf32, #tpu.memory_space<hbm>>) target_semaphore(%run_scoped3A : memref<!tpu.dma_semaphore, #tpu.memory_space<semaphore_mem>>)
        %dma_wait3A_1086 = arith.constant 0 : i32
        %dma_wait3A_1087 = tpu.memref_slice %arg9[%add3A, %dma_wait3A_1086] : memref<16x112xf32, #tpu.memory_space<hbm>> -> memref<1x112xf32, #tpu.memory_space<hbm>>
        %dma_wait3A_1088 = tpu.memref_squeeze %dma_wait3A_1087 : memref<1x112xf32, #tpu.memory_space<hbm>> -> memref<112xf32, #tpu.memory_space<hbm>>
        %dma_wait3A_1089 = arith.constant 0 : i32
        %dma_wait3A_1090 = tpu.memref_slice %arg9[%add3A, %dma_wait3A_1089] : memref<16x112xf32, #tpu.memory_space<hbm>> -> memref<1x112xf32, #tpu.memory_space<hbm>>
        %dma_wait3A_1091 = tpu.memref_squeeze %dma_wait3A_1090 : memref<1x112xf32, #tpu.memory_space<hbm>> -> memref<112xf32, #tpu.memory_space<hbm>>
        tpu.wait_dma2 semaphore(%run_scoped3A : memref<!tpu.dma_semaphore, #tpu.memory_space<semaphore_mem>>) src(%arg37 : memref<112xf32, #tpu.memory_space<vmem>>) dst(%dma_wait3A_1091 : memref<112xf32, #tpu.memory_space<hbm>>)
        tpu.yield
      }) : () -> ()
      "tpu.region"() ({
        %run_scoped3A = tpu.sem_alloc : memref<!tpu.dma_semaphore, #tpu.memory_space<semaphore_mem>>
        %dma_start3A_1080 = arith.constant 0 : i32
        %dma_start3A_1081 = tpu.memref_slice %arg10[%add3A, %dma_start3A_1080] : memref<16x112xf32, #tpu.memory_space<hbm>> -> memref<1x112xf32, #tpu.memory_space<hbm>>
        %dma_start3A_1082 = tpu.memref_squeeze %dma_start3A_1081 : memref<1x112xf32, #tpu.memory_space<hbm>> -> memref<112xf32, #tpu.memory_space<hbm>>
        %dma_start3A_1083 = arith.constant 0 : i32
        %dma_start3A_1084 = tpu.memref_slice %arg10[%add3A, %dma_start3A_1083] : memref<16x112xf32, #tpu.memory_space<hbm>> -> memref<1x112xf32, #tpu.memory_space<hbm>>
        %dma_start3A_1085 = tpu.memref_squeeze %dma_start3A_1084 : memref<1x112xf32, #tpu.memory_space<hbm>> -> memref<112xf32, #tpu.memory_space<hbm>>
        tpu.enqueue_dma source(%arg38 : memref<112xf32, #tpu.memory_space<vmem>>) target(%dma_start3A_1085 : memref<112xf32, #tpu.memory_space<hbm>>) target_semaphore(%run_scoped3A : memref<!tpu.dma_semaphore, #tpu.memory_space<semaphore_mem>>)
        %dma_wait3A_1086 = arith.constant 0 : i32
        %dma_wait3A_1087 = tpu.memref_slice %arg10[%add3A, %dma_wait3A_1086] : memref<16x112xf32, #tpu.memory_space<hbm>> -> memref<1x112xf32, #tpu.memory_space<hbm>>
        %dma_wait3A_1088 = tpu.memref_squeeze %dma_wait3A_1087 : memref<1x112xf32, #tpu.memory_space<hbm>> -> memref<112xf32, #tpu.memory_space<hbm>>
        %dma_wait3A_1089 = arith.constant 0 : i32
        %dma_wait3A_1090 = tpu.memref_slice %arg10[%add3A, %dma_wait3A_1089] : memref<16x112xf32, #tpu.memory_space<hbm>> -> memref<1x112xf32, #tpu.memory_space<hbm>>
        %dma_wait3A_1091 = tpu.memref_squeeze %dma_wait3A_1090 : memref<1x112xf32, #tpu.memory_space<hbm>> -> memref<112xf32, #tpu.memory_space<hbm>>
        tpu.wait_dma2 semaphore(%run_scoped3A : memref<!tpu.dma_semaphore, #tpu.memory_space<semaphore_mem>>) src(%arg38 : memref<112xf32, #tpu.memory_space<vmem>>) dst(%dma_wait3A_1091 : memref<112xf32, #tpu.memory_space<hbm>>)
        tpu.yield
      }) : () -> ()
      "tpu.region"() ({
        %run_scoped3A = tpu.sem_alloc : memref<!tpu.dma_semaphore, #tpu.memory_space<semaphore_mem>>
        %dma_start3A_1080 = arith.constant 0 : i32
        %dma_start3A_1081 = tpu.memref_slice %arg11[%add3A, %dma_start3A_1080] : memref<16x112xf32, #tpu.memory_space<hbm>> -> memref<1x112xf32, #tpu.memory_space<hbm>>
        %dma_start3A_1082 = tpu.memref_squeeze %dma_start3A_1081 : memref<1x112xf32, #tpu.memory_space<hbm>> -> memref<112xf32, #tpu.memory_space<hbm>>
        %dma_start3A_1083 = arith.constant 0 : i32
        %dma_start3A_1084 = tpu.memref_slice %arg11[%add3A, %dma_start3A_1083] : memref<16x112xf32, #tpu.memory_space<hbm>> -> memref<1x112xf32, #tpu.memory_space<hbm>>
        %dma_start3A_1085 = tpu.memref_squeeze %dma_start3A_1084 : memref<1x112xf32, #tpu.memory_space<hbm>> -> memref<112xf32, #tpu.memory_space<hbm>>
        tpu.enqueue_dma source(%arg39 : memref<112xf32, #tpu.memory_space<vmem>>) target(%dma_start3A_1085 : memref<112xf32, #tpu.memory_space<hbm>>) target_semaphore(%run_scoped3A : memref<!tpu.dma_semaphore, #tpu.memory_space<semaphore_mem>>)
        %dma_wait3A_1086 = arith.constant 0 : i32
        %dma_wait3A_1087 = tpu.memref_slice %arg11[%add3A, %dma_wait3A_1086] : memref<16x112xf32, #tpu.memory_space<hbm>> -> memref<1x112xf32, #tpu.memory_space<hbm>>
        %dma_wait3A_1088 = tpu.memref_squeeze %dma_wait3A_1087 : memref<1x112xf32, #tpu.memory_space<hbm>> -> memref<112xf32, #tpu.memory_space<hbm>>
        %dma_wait3A_1089 = arith.constant 0 : i32
        %dma_wait3A_1090 = tpu.memref_slice %arg11[%add3A, %dma_wait3A_1089] : memref<16x112xf32, #tpu.memory_space<hbm>> -> memref<1x112xf32, #tpu.memory_space<hbm>>
        %dma_wait3A_1091 = tpu.memref_squeeze %dma_wait3A_1090 : memref<1x112xf32, #tpu.memory_space<hbm>> -> memref<112xf32, #tpu.memory_space<hbm>>
        tpu.wait_dma2 semaphore(%run_scoped3A : memref<!tpu.dma_semaphore, #tpu.memory_space<semaphore_mem>>) src(%arg39 : memref<112xf32, #tpu.memory_space<vmem>>) dst(%dma_wait3A_1091 : memref<112xf32, #tpu.memory_space<hbm>>)
        tpu.yield
      }) : () -> ()
      "tpu.region"() ({
        %run_scoped3A = tpu.sem_alloc : memref<!tpu.dma_semaphore, #tpu.memory_space<semaphore_mem>>
        %dma_start3A_1080 = arith.constant 0 : i32
        %dma_start3A_1081 = tpu.memref_slice %arg12[%add3A, %dma_start3A_1080] : memref<16x112xf32, #tpu.memory_space<hbm>> -> memref<1x112xf32, #tpu.memory_space<hbm>>
        %dma_start3A_1082 = tpu.memref_squeeze %dma_start3A_1081 : memref<1x112xf32, #tpu.memory_space<hbm>> -> memref<112xf32, #tpu.memory_space<hbm>>
        %dma_start3A_1083 = arith.constant 0 : i32
        %dma_start3A_1084 = tpu.memref_slice %arg12[%add3A, %dma_start3A_1083] : memref<16x112xf32, #tpu.memory_space<hbm>> -> memref<1x112xf32, #tpu.memory_space<hbm>>
        %dma_start3A_1085 = tpu.memref_squeeze %dma_start3A_1084 : memref<1x112xf32, #tpu.memory_space<hbm>> -> memref<112xf32, #tpu.memory_space<hbm>>
        tpu.enqueue_dma source(%arg40 : memref<112xf32, #tpu.memory_space<vmem>>) target(%dma_start3A_1085 : memref<112xf32, #tpu.memory_space<hbm>>) target_semaphore(%run_scoped3A : memref<!tpu.dma_semaphore, #tpu.memory_space<semaphore_mem>>)
        %dma_wait3A_1086 = arith.constant 0 : i32
        %dma_wait3A_1087 = tpu.memref_slice %arg12[%add3A, %dma_wait3A_1086] : memref<16x112xf32, #tpu.memory_space<hbm>> -> memref<1x112xf32, #tpu.memory_space<hbm>>
        %dma_wait3A_1088 = tpu.memref_squeeze %dma_wait3A_1087 : memref<1x112xf32, #tpu.memory_space<hbm>> -> memref<112xf32, #tpu.memory_space<hbm>>
        %dma_wait3A_1089 = arith.constant 0 : i32
        %dma_wait3A_1090 = tpu.memref_slice %arg12[%add3A, %dma_wait3A_1089] : memref<16x112xf32, #tpu.memory_space<hbm>> -> memref<1x112xf32, #tpu.memory_space<hbm>>
        %dma_wait3A_1091 = tpu.memref_squeeze %dma_wait3A_1090 : memref<1x112xf32, #tpu.memory_space<hbm>> -> memref<112xf32, #tpu.memory_space<hbm>>
        tpu.wait_dma2 semaphore(%run_scoped3A : memref<!tpu.dma_semaphore, #tpu.memory_space<semaphore_mem>>) src(%arg40 : memref<112xf32, #tpu.memory_space<vmem>>) dst(%dma_wait3A_1091 : memref<112xf32, #tpu.memory_space<hbm>>)
        tpu.yield
      }) : () -> ()
    } else {
    }
    return
  }
}

module attributes {stable_mosaic.version = 14 : i64} {
  func.func @_gm_kernel(%arg0: i32, %arg1: memref<1x80x128x128xf32, #tpu.memory_space<vmem>>, %arg2: memref<1x80x128xf32, #tpu.memory_space<vmem>>) attributes {dimension_semantics = [#tpu.dimension_semantics<parallel>], iteration_bounds = array<i64: 16>, scalar_prefetch = 0 : i64, scratch_operands = 0 : i64, tpu.core_type = #tpu.core_type<tc>, window_params = [{transform_indices = @transform_0, window_bounds = array<i64: 1, 80, 128, 128>}, {transform_indices = @transform_1, window_bounds = array<i64: 1, 80, 128>}]} {
    %get3A = arith.constant 0 : index
    %get3A_0 = arith.constant 0 : index
    %get3A_1 = arith.constant 0 : index
    %get3A_2 = arith.constant 0 : index
    %get3A_3 = vector.load %arg1[%get3A, %get3A_0, %get3A_1, %get3A_2] : memref<1x80x128x128xf32, #tpu.memory_space<vmem>>, vector<1x80x128x128xf32>
    %get3A_4 = vector.shape_cast %get3A_3 : vector<1x80x128x128xf32> to vector<80x128x128xf32>
    %reduce_max3A = arith.constant dense<0xFF800000> : vector<80x128xf32>
    %reduce_max3A_5 = vector.multi_reduction <maximumf>, %get3A_4, %reduce_max3A [2] : vector<80x128x128xf32> to vector<80x128xf32>
    %swap3A = arith.constant 0 : index
    %swap3A_6 = arith.constant 0 : index
    %swap3A_7 = arith.constant 0 : index
    %swap3A_8 = vector.load %arg2[%swap3A, %swap3A_6, %swap3A_7] : memref<1x80x128xf32, #tpu.memory_space<vmem>>, vector<1x80x128xf32>
    %swap3A_9 = vector.shape_cast %swap3A_8 : vector<1x80x128xf32> to vector<80x128xf32>
    %swap3A_10 = vector.shape_cast %reduce_max3A_5 : vector<80x128xf32> to vector<1x80x128xf32>
    tpu.vector_store %arg2[%swap3A, %swap3A_6, %swap3A_7], %swap3A_10 {strides = array<i32>} : memref<1x80x128xf32, #tpu.memory_space<vmem>>, vector<1x80x128xf32>,
    return
  }
  func.func @transform_0(%arg0: i32) -> (i32, i32, i32, i32) {
    %c0_i32 = arith.constant 0 : i32
    %c0_i32_0 = arith.constant 0 : i32
    %c0_i32_1 = arith.constant 0 : i32
    %c0_i32_2 = arith.constant 0 : i32
    return %arg0, %c0_i32, %c0_i32_0, %c0_i32_1 : i32, i32, i32, i32
  }
  func.func @transform_1(%arg0: i32) -> (i32, i32, i32) {
    %c0_i32 = arith.constant 0 : i32
    %c0_i32_0 = arith.constant 0 : i32
    %c0_i32_1 = arith.constant 0 : i32
    return %arg0, %c0_i32, %c0_i32_0 : i32, i32, i32
  }
}

module attributes {stable_mosaic.version = 14 : i64} {
  func.func @_thresh_kernel(%arg0: memref<16x80x128xf32, #tpu.memory_space<vmem>>, %arg1: memref<16x128xi32, #tpu.memory_space<vmem>>) attributes {dimension_semantics = [], scalar_prefetch = 0 : i64, scratch_operands = 0 : i64, tpu.core_type = #tpu.core_type<tc>} {
    %get3A = arith.constant 0 : index
    %get3A_0 = arith.constant 0 : index
    %get3A_1 = arith.constant 0 : index
    %get3A_2 = vector.load %arg0[%get3A, %get3A_0, %get3A_1] : memref<16x80x128xf32, #tpu.memory_space<vmem>>, vector<16x80x128xf32>
    %bitcast_convert_type3A = tpu.bitcast %get3A_2 : vector<16x80x128xf32> -> vector<16x80x128xi32>
    %ge3A = arith.constant 0 : i32
    %ge3A_3 = vector.broadcast %ge3A : i32 to vector<16x80x128xi32>
    %ge3A_4 = arith.cmpi sge, %bitcast_convert_type3A, %ge3A_3 : vector<16x80x128xi32>
    %xor3A = arith.constant 2147483647 : i32
    %xor3A_5 = vector.broadcast %xor3A : i32 to vector<16x80x128xi32>
    %xor3A_6 = arith.xori %bitcast_convert_type3A, %xor3A_5 : vector<16x80x128xi32>
    %select_n3A = arith.select %ge3A_4, %bitcast_convert_type3A, %xor3A_6 : vector<16x80x128xi1>, vector<16x80x128xi32>
    %broadcast_in_dim3A = arith.constant -2147483648 : i32
    %broadcast_in_dim3A_7 = vector.broadcast %broadcast_in_dim3A : i32 to vector<16x1x1xi32>
    %broadcast_in_dim3A_8 = arith.constant 2147483647 : i32
    %broadcast_in_dim3A_9 = vector.broadcast %broadcast_in_dim3A_8 : i32 to vector<16x1x1xi32>
    %scan3A = arith.constant 0 : i32
    %scan3A_10 = arith.constant 32 : i32
    %scan3A_11 = arith.addi %scan3A, %scan3A_10 : i32
    %scan3A_12 = arith.constant 1 : i32
    %scan3A_13:2 = scf.for %scan3A_18 = %scan3A to %scan3A_11 step %scan3A_12 iter_args(%scan3A_19 = %broadcast_in_dim3A_7, %scan3A_20 = %broadcast_in_dim3A_9) -> (vector<16x1x1xi32>, vector<16x1x1xi32>)  : i32 {
      %shift_right_arithmetic3A = arith.constant 1 : i32
      %shift_right_arithmetic3A_21 = vector.broadcast %shift_right_arithmetic3A : i32 to vector<16x1x1xi32>
      %shift_right_arithmetic3A_22 = arith.shrsi %scan3A_19, %shift_right_arithmetic3A_21 : vector<16x1x1xi32>
      %shift_right_arithmetic3A_23 = arith.constant 1 : i32
      %shift_right_arithmetic3A_24 = vector.broadcast %shift_right_arithmetic3A_23 : i32 to vector<16x1x1xi32>
      %shift_right_arithmetic3A_25 = arith.shrsi %scan3A_20, %shift_right_arithmetic3A_24 : vector<16x1x1xi32>
      %add3A = arith.addi %shift_right_arithmetic3A_22, %shift_right_arithmetic3A_25 : vector<16x1x1xi32>
      %and3A = arith.andi %scan3A_19, %scan3A_20 : vector<16x1x1xi32>
      %and3A_26 = arith.constant 1 : i32
      %and3A_27 = vector.broadcast %and3A_26 : i32 to vector<16x1x1xi32>
      %and3A_28 = arith.andi %and3A, %and3A_27 : vector<16x1x1xi32>
      %add3A_29 = arith.addi %add3A, %and3A_28 : vector<16x1x1xi32>
      %ge3A_30 = vector.broadcast %add3A_29 : vector<16x1x1xi32> to vector<16x80x128xi32>
      %ge3A_31 = arith.cmpi sge, %select_n3A, %ge3A_30 : vector<16x80x128xi32>
      %convert_element_type3A = arith.extui %ge3A_31 : vector<16x80x128xi1> to vector<16x80x128xi32>
      %reduce_sum3A = arith.constant dense<0> : vector<16xi32>
      %reduce_sum3A_32 = vector.multi_reduction <add>, %convert_element_type3A, %reduce_sum3A [1, 2] : vector<16x80x128xi32> to vector<16xi32>
      %broadcast_in_dim3A_33 = vector.shape_cast %reduce_sum3A_32 : vector<16xi32> to vector<16x1x1xi32>
      %ge3A_34 = arith.constant 100 : i32
      %ge3A_35 = vector.broadcast %ge3A_34 : i32 to vector<16x1x1xi32>
      %ge3A_36 = arith.cmpi sge, %broadcast_in_dim3A_33, %ge3A_35 : vector<16x1x1xi32>
      %select_n3A_37 = arith.select %ge3A_36, %add3A_29, %scan3A_19 : vector<16x1x1xi1>, vector<16x1x1xi32>
      %select_n3A_38 = arith.select %ge3A_36, %scan3A_20, %add3A_29 : vector<16x1x1xi1>, vector<16x1x1xi32>
      scf.yield %select_n3A_37, %select_n3A_38 : vector<16x1x1xi32>, vector<16x1x1xi32>
    }
    %reshape3A = vector.shape_cast %scan3A_13#0 : vector<16x1x1xi32> to vector<16x1xi32>
    %broadcast_in_dim3A_14 = vector.shape_cast %reshape3A : vector<16x1xi32> to vector<16x1xi32>
    %broadcast_in_dim3A_15 = vector.broadcast %broadcast_in_dim3A_14 : vector<16x1xi32> to vector<16x128xi32>
    %swap3A = arith.constant 0 : index
    %swap3A_16 = arith.constant 0 : index
    %swap3A_17 = vector.load %arg1[%swap3A, %swap3A_16] : memref<16x128xi32, #tpu.memory_space<vmem>>, vector<16x128xi32>
    tpu.vector_store %arg1[%swap3A, %swap3A_16], %broadcast_in_dim3A_15 {strides = array<i32>} : memref<16x128xi32, #tpu.memory_space<vmem>>, vector<16x128xi32>,
    return
  }
}

</mosaic_0001>

<sc_bundles>
// kernel: kernel.5.cloned.1.call-start
scs
__scs_entry_jumppad:
0x0: {  	(pc) =	sbr.rel $0x88, $3  }
0x1: {  	(tag) =	ssettag $0x0;
	lr =	simm.s32 $0x1  }
0x2: {  	[smem:$0x3F9E] =	sst lr;
	_ =	strace $0xD0000000  }
0x3: {  	_ = 	snop  }
0x4: {  	_ = 	snop  }
0x5: {  	_ = 	snop  }
0x6: {  	_ = 	snop  }
0x7: {  	_ = 	snop  }
__scs_overlays_trampoline_lowered:
0x8: {  	[smem:$0x3FAD] =	sst s0  }
0x9: {  	[smem:$0x3FAE] =	sst s1  }
0xa: {  	[smem:$0x3FAF] =	sst s2  }
0xb: {  	[smem:$0x3FB0] =	sst s3  }
0xc: {  	[smem:$0x3FB1] =	sst s4  }
0xd: {  	[smem:$0x3FB2] =	sst s5  }
0xe: {  	[smem:$0x3FB3] =	sst s6  }
0xf: {  	[smem:$0x3FB4] =	sst s7  }
0x10: {  	[smem:$0x3FB5] =	sst s8  }
0x11: {  	[smem:$0x3FB6] =	sst s9;
	s0 =	simm.s32 @!p0 $0x0  }
0x12: {  	s1 =	sld [smem:$0x3F9C];
	s0 =	simm.s32 @p0 $0x1  }
0x13: {  	[smem:$0x3FB7] =	sst s0;
	s0 =	simm.s32 @!p1 $0x0  }
0x14: {  	s2 =	sld [smem:$0x3F9B];
	s0 =	simm.s32 @p1 $0x1  }
0x15: {  	[smem:$0x3FB8] =	sst s0;
	s0 =	simm.s32 @!p2 $0x0  }
0x16: {  	s3 =	sld [smem:$0x3FDB];
	s0 =	simm.s32 @p2 $0x1  }
0x17: {  	s4 =	simm.s32 $0x1BF5;
	[smem:$0x3FBA] =	sst s0  }
0x18: {  	s0 =	sld [smem:$0x3F9D];
	_ =	swait.ge [sflag:s4], $0x0  }
0x19: {  	s7 =	sld [smem:$0x3F9E]  }
0x1a: {  	s8 =	sadd.s32 $0xFFFFE003, lr  }
0x1b: {  	s9 =	sadd.s32 $0xFFFFFEF7, lr;
	s5 =	simm.s32 $0xFFFFFFFF;
	p2 =	slt.u32 s8, $0xFFFFF086  }
0x1c: {  	p1 =	slt.u32 s9, $0xF7A;
	s5 =	simm.s32 @!p2 $0x0  }
0x1d: {  	s5 =	simm.s32 @p1 $0x1;
	p0 =	seq.s32 s7, s2  }
0x1e: {  	s7 =	smul.u32 @!p0 $0xF7A, s2;
	p2 =	seq.s32 @!p0 s5, $0x0  }
0x1f: {  	s9 =	smul.u32 $0xF7A, s1;
	s8 =	simm.s32 @!p0 $0x1BF5;
	p2 =	por !p2, p0  }
0x20: {  	[sflag:s8] =	ssyncset.s32 @!p0 $0xFFFFF086;
	s6 =	sadd.s32 @!p0 s3, s7;
	s7 =	simm.s32 @!p0 $0x108  }
0x21: {  	s3 =	sadd.s32 s3, s9;
	s6 =	sadd.s32 @!p0 $0x88, s6;
	s7 =	simm.s32 @p2 $0x1082  }
0x22: {  	[simem:s7], [sflag:s8] =	dma.local @!p0 [hbm:s6], $0xF7A  }
0x23: {  	s9 =	sor.u32 $0xD0000000, s2;
	s6 =	simm.s32 $0x108;
	_ =	swait.ge @!p0 [sflag:s8], $0x0  }
0x24: {  	s3 =	sadd.s32 $0x88, s3;
	s6 =	simm.s32 @!p1 $0x1082;
	[sflag:s4] =	ssyncset.s32 $0xFFFFF086  }
0x25: {  	[simem:s6], [sflag:s4] =	dma.local [hbm:s3], $0xF7A  }
0x26: {  	[smem:$0x3F9E] =	sst s1;
	(tag) =	ssettag s2;
	_ =	strace s9  }
0x27: {  	s1 =	sld [smem:$0x3FAE]  }
0x28: {  	s2 =	sld [smem:$0x3FAF]  }
0x29: {  	s4 =	sld [smem:$0x3FB1]  }
0x2a: {  	p0 =	seq.s32 s5, $0x0;
	s5 =	sld [smem:$0x3FB2]  }
0x2b: {  	s6 =	sld [smem:$0x3FB3]  }
0x2c: {  	s7 =	sld [smem:$0x3FB4]  }
0x2d: {  	s3 =	simm.s32 $0x108;
	s8 =	sld [smem:$0x3FB5]  }
0x2e: {  	s3 =	simm.s32 @!p0 $0x1082;
	s9 =	sld [smem:$0x3FB6]  }
0x2f: {  	lr =	sadd.s32 s0, s3;
	s0 =	sld [smem:$0x3FAD]  }
0x30: {  	s3 =	sld [smem:$0x3FB0]  }
0x31: {  	[smem:$0x3FB9] =	sst s10  }
0x32: {  	s10 =	sld [smem:$0x3FB7];
	_ =	sdelay $0x3  }
0x33: {  	p0 =	seq.s32 s10, $0x1;
	s10 =	sld [smem:$0x3FB9];
	_ =	sdelay $0x3  }
0x34: {  	[smem:$0x3FB9] =	sst s10  }
0x35: {  	s10 =	sld [smem:$0x3FB8];
	_ =	sdelay $0x3  }
0x36: {  	p1 =	seq.s32 s10, $0x1;
	s10 =	sld [smem:$0x3FB9];
	_ =	sdelay $0x3  }
0x37: {  	[smem:$0x3FB9] =	sst s10  }
0x38: {  	s10 =	sld [smem:$0x3FBA]  }
0x39: {  	_ = 	snop;
	(pc) =	sbr.ind lr, $3  }
0x3a: {  	_ = 	snop  }
0x3b: {  	_ = 	snop  }
0x3c: {  	p2 =	seq.s32 s10, $0x1;
	s10 =	sld [smem:$0x3FB9]  }
0x3d: {  	_ =	shalt  }
0x3e: {  	_ =	shalt  }
0x3f: {  	_ =	shalt  }
0x40: {  	_ =	shalt  }
0x41: {  	_ =	shalt  }
0x42: {  	_ =	shalt  }
0x43: {  	_ =	shalt  }
0x44: {  	_ =	shalt  }
0x45: {  	_ =	shalt  }
0x46: {  	_ =	shalt  }
0x47: {  	_ =	shalt  }
0x48: {  	_ =	shalt  }
0x49: {  	_ =	shalt  }
0x4a: {  	_ =	shalt  }
0x4b: {  	_ =	shalt  }
0x4c: {  	_ =	shalt  }
0x4d: {  	_ =	shalt  }
0x4e: {  	_ =	shalt  }
0x4f: {  	_ =	shalt  }
0x50: {  	_ =	shalt  }
0x51: {  	_ =	shalt  }
0x52: {  	_ =	shalt  }
0x53: {  	_ =	shalt  }
0x54: {  	_ =	shalt  }
0x55: {  	_ =	shalt  }
0x56: {  	_ =	shalt  }
0x57: {  	_ =	shalt  }
0x58: {  	_ =	shalt  }
0x59: {  	_ =	shalt  }
0x5a: {  	_ =	shalt  }
0x5b: {  	_ =	shalt  }
0x5c: {  	_ =	shalt  }
0x5d: {  	_ =	shalt  }
0x5e: {  	_ =	shalt  }
0x5f: {  	_ =	shalt  }
0x60: {  	_ =	shalt  }
0x61: {  	_ =	shalt  }
0x62: {  	_ =	shalt  }
0x63: {  	_ =	shalt  }
0x64: {  	_ =	shalt  }
0x65: {  	_ =	shalt  }
0x66: {  	_ =	shalt  }
0x67: {  	_ =	shalt  }
0x68: {  	_ =	shalt  }
0x69: {  	_ =	shalt  }
0x6a: {  	_ =	shalt  }
0x6b: {  	_ =	shalt  }
0x6c: {  	_ =	shalt  }
0x6d: {  	_ =	shalt  }
0x6e: {  	_ =	shalt  }
0x6f: {  	_ =	shalt  }
0x70: {  	_ =	shalt  }
0x71: {  	_ =	shalt  }
0x72: {  	_ =	shalt  }
0x73: {  	_ =	shalt  }
0x74: {  	_ =	shalt  }
0x75: {  	_ =	shalt  }
0x76: {  	_ =	shalt  }
0x77: {  	_ =	shalt  }
0x78: {  	_ =	shalt  }
0x79: {  	_ =	shalt  }
0x7a: {  	_ =	shalt  }
0x7b: {  	_ =	shalt  }
0x7c: {  	_ =	shalt  }
0x7d: {  	_ =	shalt  }
0x7e: {  	_ =	shalt  }
0x7f: {  	_ =	shalt  }
0x80: {  	_ =	shalt  }
0x81: {  	_ =	shalt  }
0x82: {  	_ =	shalt  }
0x83: {  	_ =	shalt  }
0x84: {  	_ =	shalt  }
0x85: {  	_ =	shalt  }
0x86: {  	_ =	shalt  }
0x87: {  	_ =	shalt  }
.Lfunc_end0:
.L_simem_size_0:
called_computation_lowered:
.L_overlay_start_0:
0x88: {  	s2 =	sld [smem:$0x3FD9]  }
0x89: {  	s3 =	sld [smem:$0x3FFE];
	_ =	sdelay $0x1  }
0x8a: {  	s1 =	srdreg.scid  }
0x8b: {  	s0 =	sand.u32 $0x1, s1  }
0x8c: {  	s14 =	sshll.u32 s0, $0xA;
	s2 =	sadd.s32 s3, s2  }
0x8d: {  	s2 =	sadd.s32 s2, s14  }
0x8e: {  	[smem:$0x3FC5] =	sst s2  }
0x8f: {  	_ = 	snop  }
0x90: {  	s2 =	sld [smem:$0x3FD0]  }
0x91: {  	s15 =	sld [smem:$0x3FC9]  }
0x92: {  	s4 =	sld [smem:$0x3FC8]  }
0x93: {  	s6 =	simm.s32 $0xA;
	s7 =	simm.s32 $0x10;
	s5 =	sld [smem:$0x3FC7]  }
0x94: {  	[smem:s7], [sflag:s6] =	dma.local [hbm:s2], $0x1  }
0x95: {  	_ =	swait.eq [sflag:s6], $0x1  }
0x96: {  	s16 =	sld [smem:$0x10];
	[sflag:s6] =	ssyncset.done $0x0  }
0x97: {  	s17 =	sld [smem:$0x11];
	[sflag:s6] =	ssyncadd.s32 $0xFFFFFFFF  }
0x98: {  	s18 =	sld [smem:$0x12];
	(tm) =	ssettm $0x1  }
0x99: {  	s8 =	sld [smem:$0x3FFB];
	_ =	sdelay $0x3  }
0x9a: {  	_ =	strace s8  }
0x9b: {  	s8 =	sld [smem:$0x3FFC];
	_ =	sdelay $0x3  }
0x9c: {  	_ =	strace s8  }
0x9d: {  	s8 =	sld [smem:$0x3FFD];
	_ =	sdelay $0x3  }
0x9e: {  	_ =	strace s8  }
0x9f: {  	_ =	strace $0x8FFFFFFF  }
0xa0: {  	s19 =	sld [smem:$0x3FDB];
	_ =	sdelay $0x1  }
0xa1: {  	s9 =	simm.s32 $_scs_section_size  }
0xa2: {  	s10 =	simm.s32 $_size__tile_overlayer_lowered;
	s11 =	simm.s32 $_tile_overlayer_lowered  }
0xa3: {  	s22 =	simm.s32 $0x1BFF;
	s21 =	sshll.u32 s11, $0x1;
	s8 =	sadd.s32 s9, s19  }
0xa4: {  	s12 =	simm.s32 $0x0;
	s20 =	sshll.u32 s10, $0x1;
	s10 =	sadd.s32 s21, s8  }
0xa5: {  	[timem:s12], [sflag:s22] =	dma.local [hbm:s10], s20  }
0xa6: {  	_ =	swait.ge [sflag:s22], s20  }
0xa7: {  	s9 =	ssub.s32 $0x0, s20;
	[sflag:s22] =	ssyncset.done $0x0  }
0xa8: {  	[sflag:s22] =	ssyncadd.s32 s9;
	_ =	sdelay $0x1  }
0xa9: {  	s23 =	simm.s32 $0x1B8B  }
0xaa: {  	_ =	swait.ge [sflag:s23], $0x1  }
0xab: {  	[sflag:s23] =	ssyncset.done $0x0  }
0xac: {  	s25 =	simm.s32 $0x1B8E;
	s24 =	sld [smem:$0x3FFE];
	[sflag:s23] =	ssyncadd.s32 $0xFFFFFFFF  }
0xad: {  	s26 =	simm.s32 $execute0_lowered;
	[smem:$0x3FD2] =	sst s25  }
0xae: {  	s10 =	sshll.u32 s26, $0x1;
	_ =	strace $0x80000046;
	[dreg:$0x1] =	wrdreg $0xFFFFFFFF  }
0xaf: {  	s28 =	simm.s32 $_size_execute0_lowered;
	s8 =	sadd.s32 s8, s10;
	[dreg:$0x0] =	wrdreg $0x0  }
0xb0: {  	s10 =	sshll.u32 s28, $0x1;
	[dreg:$0x2] =	wrdreg s8  }
0xb1: {  	[dreg:$0x3] =	wrdreg s10  }
0xb2: {  	[dreg:$0x4] =	wrdreg $0xC0  }
0xb3: {  	_ =	task [dreg:s12], $0x5FFFF  }
0xb4: {  	[dreg:$0x1] =	wrdreg $0xFFFFFFFF  }
0xb5: {  	[dreg:$0x0] =	wrdreg $0x60  }
0xb6: {  	[dreg:$0x2] =	wrdreg s15  }
0xb7: {  	[dreg:$0x3] =	wrdreg s24  }
0xb8: {  	[dreg:$0x4] =	wrdreg s18  }
0xb9: {  	[dreg:$0x5] =	wrdreg s5  }
0xba: {  	[dreg:$0x6] =	wrdreg s4  }
0xbb: {  	[dreg:$0x7] =	wrdreg s16  }
0xbc: {  	[dreg:$0x8] =	wrdreg s17  }
0xbd: {  	[dreg:$0x9] =	wrdreg $0x9  }
0xbe: {  	_ =	task.clear_ibuf [dreg:s12], $0xAFFFF;
	_ =	strace $0x90000046  }
0xbf: {  	s29 =	simm.s32 $0x9;
	_ =	strace $0x80000048  }
0xc0: {  	_ =	swait.ge [sflag:s29], $0x1  }
0xc1: {  	[sflag:s29] =	ssyncadd.s32 $0xFFFFFFFF  }
0xc2: {  	_ =	strace $0x90000048  }
0xc3: {  	_ =	sfence  }
0xc4: {  	s30 =	sld [smem:$0x0];
	_ =	sdelay $0x2  }
0xc5: {  	s31 =	sshll.u32 s1, $0xD;
	s1 =	sshrl.u32 s1, $0x2  }
0xc6: {  	s3 =	sand.u32 $0x4000, s31;
	s1 =	sadd.s32 s1, s30  }
0xc7: {  	s0 =	sor.u32 s3, s0;
	s1 =	sshll.u32 s1, $0x11  }
0xc8: {  	s0 =	sor.u32 s1, s0  }
0xc9: {  	s0 =	sadd.s32 $0x8F2B, s0  }
0xca: {  	[sflag:s0] =	ssyncadd.remote.s32 $0x1  }
0xcb: {  	_ =	sfence.sel $0xFFFF  }
0xcc: {  	[dreg:$0x0] =	wrdreg $0xFFFFFFFF;
	(pc) =	sbr.abs _section_cstart, $3  }
0xcd: {  	[dreg:$0x1] =	wrdreg $0xFFFFFFFF  }
0xce: {  	_ =	task.clear_ibuf [dreg:s12], $0x2FFFF;
	_ =	strace $0x9FFFFFFF  }
0xcf: {  	(tm) =	ssettm $0x7FFFFFFF  }
tec
execute0_lowered:
.L_overlay_start_1:
0x0: {  	(tag) =	ssettag $0x1  }
0x1: {  	s4 =	stileid.u32  }
0x2: {  	p0 =	sgt.u32 s4, $0x7  }
.Ltmp0:
0x3: {  	s3 =	rddreg [dreg:$0x1];
	(pc) =	sbr.rel @p0 .LBB2_22-.Ltmp0, $4  }
0x4: {  	s0 =	rddreg [dreg:$0x2]  }
0x5: {  	s1 =	rddreg [dreg:$0x5];
	s5 =	simm.s32 $0x0  }
0x6: {  	[smem:$0x7FF] =	sst s5  }
0x7: {  	s2 =	rddreg [dreg:$0x6];
	_ =	strace $0x80000047  }
0x8: {  	s4 =	srdreg.scid;
	s10 =	stileid.u32;
	s17 =	simm.s32 $0x5  }
0x9: {  	s18 =	simm.s32 $0x80;
	s28 =	simm.s32 $0x70;
	s29 =	simm.s32 $0x7A00  }
0xa: {  	s30 =	simm.s32 $0x7B00;
	s31 =	simm.s32 $0x7A80;
	s4 =	sand.u32 $0x1, s4  }
0xb: {  	s6 =	sshll.u32 s10, $0x1;
	s7 =	sshrl.u32 s10, $0x2;
	s25 =	smul.u32 $0x5000, s10  }
0xc: {  	s16 =	simm.s32 $0x2;
	s6 =	sor.u32 s4, s6;
	s9 =	smul.u32 $0x14000, s7  }
0xd: {  	s24 =	ssub.s32 $0x2, s4;
	s4 =	smul.u32 $0x2800, s4;
	s8 =	sshll.u32 s6, $0x7  }
0xe: {  	s7 =	sshll.u32 s7, $0xA;
	s26 =	sshrl.u32 s24, $0x1;
	s8 =	sand.u32 $0x380, s8  }
0xf: {  	s15 =	sadd.s32 s4, s25;
	s25 =	simm.s32 $0x7900;
	s9 =	sor.u32 s9, s8  }
0x10: {  	s4 =	simm.s32 $0xEB00;
	s7 =	sor.u32 s7, s8;
	s19 =	sshrl.u32 s9, $0x3  }
0x11: {  	s7 =	sshrl.u32 s7, $0x3;
	s9 =	sshll.u32 s6, $0x8;
	s6 =	smul.u32 $0xFFEC0000, s6  }
0x12: {  	s8 =	sadd.s32 s19, s3;
	s20 =	sadd.s32 s7, s3;
	s1 =	sadd.s32 s1, s7  }
0x13: {  	s21 =	sadd.s32 s2, s7;
	s13 =	sadd.s32 s0, s7;
	s0 =	simm.s32 $0x12300  }
0x14: {  	v0 =	vlaneseq.u32;
	s19 =	simm.s32 $0x3;
	s2 =	simm.s32 $0x4;
	[dreg:$0xa] =	wrdreg s1  }
0x15: {  	v18 =	vimm.s32 $0x0;
	v19 =	vimm.f32 $-Inf;
	v20 =	vimm.s32 $0x40000000;
	s3 =	simm.s32 $0x0;
	s8 =	sadd.s32 $0xE00, s8;
	[dreg:$0xb] =	wrdreg s21  }
0x16: {  	v21 =	vimm.f32 $0.0e+00;
	v1 =	vor.u32 $0x10, v0;
	v4 =	vor.u32 $0x20, v0;
	s22 =	sadd.s32 $0x5E00, s20;
	s23 =	sadd.s32 $0x6000, s20;
	s11 =	sadd.s32 $0x6200, s20  }
.Ltmp1:
0x17: {  	v5 =	vor.u32 $0x30, v0;
	v6 =	vor.u32 $0x40, v0;
	v10 =	vor.u32 $0x50, v0;
	s12 =	sadd.s32 $0x6400, s20;
	s1 =	ssub.s32 s24, s26;
	(pc) =	sbr.rel .LBB2_2-.Ltmp1, $4  }
0x18: {  	v11 =	vor.u32 $0x60, v0;
	v12 =	vor.u32 $0x70, v0;
	v16 =	vmov s9;
	s20 =	simm.s32 $0x2880;
	s21 =	simm.s32 $0x2900;
	[dreg:$0x9] =	wrdreg s8  }
0x19: {  	v2 =	vor.u32 s6, v0;
	v3 =	vor.u32 s6, v1;
	s24 =	simm.s32 $0x7100;
	s26 =	simm.s32 $0x7980;
	v7 =	vor.u32 s6, v4;
	[dreg:$0xc] =	wrdreg s22  }
0x1a: {  	v8 =	vor.u32 s6, v5;
	v9 =	vor.u32 s6, v6;
	v13 =	vor.u32 s6, v10;
	s8 =	sor.u32 $0x80, s9;
	[dreg:$0xd] =	wrdreg s23;
	s14 =	smax.u32 s1, $0x1  }
0x1b: {  	v14 =	vor.u32 s6, v11;
	v15 =	vor.u32 s6, v12;
	s22 =	simm.s32 $0x1;
	s23 =	simm.s32 $0x6900;
	s1 =	simm.s32 $0xB300;
	v17 =	vmov s8  }
.LBB2_21:
0x1c: {  	v22 =	vld [tilespmem:$0x7980];
	_ =	sdelay $0x1  }
0x1d: {  	v23 =	vld [tilespmem:$0x7990];
	_ =	sdelay $0x1  }
0x1e: {  	v24 =	vld [tilespmem:$0x79A0]  }
0x1f: {  	v22 =	vshrl.u32 v22, $0x7  }
0x20: {  	v25 =	vld [tilespmem:$0x79B0];
	v22 =	vand.u32 $0x7F, v22  }
0x21: {  	v23 =	vshrl.u32 v23, $0x7;
	v26 =	vor.u32 v16, v22  }
0x22: {  	v55 =	vld [tilespmem:$0x79C0];
	v23 =	vand.u32 $0x7F, v23;
	v22 =	vor.u32 v17, v22;
	[tilespmem:$0x7A00] =	vst v26  }
0x23: {  	v24 =	vshrl.u32 v24, $0x7;
	[tilespmem:$0x7A80] =	vst v22;
	v22 =	vor.u32 v16, v23  }
0x24: {  	v56 =	vld [tilespmem:$0x79D0];
	[tilespmem:$0x7A10] =	vst v22;
	v22 =	vor.u32 v17, v23;
	v23 =	vand.u32 $0x7F, v24  }
0x25: {  	v25 =	vshrl.u32 v25, $0x7;
	[tilespmem:$0x7A90] =	vst v22;
	v22 =	vor.u32 v16, v23  }
0x26: {  	v57 =	vld [tilespmem:$0x79E0];
	[tilespmem:$0x7A20] =	vst v22;
	v22 =	vor.u32 v17, v23;
	v23 =	vand.u32 $0x7F, v25  }
0x27: {  	v26 =	vshrl.u32 v55, $0x7;
	[tilespmem:$0x7AA0] =	vst v22;
	v22 =	vor.u32 v16, v23  }
0x28: {  	[tilespmem:$0x7A30] =	vst v22;
	v22 =	vor.u32 v17, v23;
	v23 =	vand.u32 $0x7F, v26  }
0x29: {  	v24 =	vshrl.u32 v56, $0x7;
	[tilespmem:$0x7AB0] =	vst v22;
	v22 =	vor.u32 v16, v23  }
0x2a: {  	[tilespmem:$0x7A40] =	vst v22;
	v22 =	vor.u32 v17, v23;
	v23 =	vand.u32 $0x7F, v24  }
0x2b: {  	v58 =	vshrl.u32 v57, $0x7;
	[tilespmem:$0x7AC0] =	vst v22;
	v22 =	vor.u32 v16, v23  }
0x2c: {  	[tilespmem:$0x7A50] =	vst v22;
	v22 =	vor.u32 v17, v23;
	v23 =	vand.u32 $0x7F, v58  }
0x2d: {  	[tilespmem:$0x7AD0] =	vst v22;
	v22 =	vor.u32 v16, v23  }
0x2e: {  	[tilespmem:$0x7A60] =	vst v22;
	v22 =	vor.u32 v17, v23  }
0x2f: {  	s6 =	rddreg [dreg:$0x3];
	[tilespmem:$0x7AE0] =	vst v22  }
0x30: {  	[tilespmem:s30], [sflag:$0x1] =	stream.indirect.gather [hbm4b:s6+s28], $0x80, s29, s28, $0xb8;
	[tilespmem:$0x16000] =	vst v63  }
0x31: {  	_ = 	snop  }
0x32: {  	[tilespmem:s1], [sflag:$0x2] =	stream.indirect.gather [hbm4b:s6+s28], $0x80, s31, s28, $0xb8;
	[tilespmem:$0x16000] =	vst v63  }
0x33: {  	s10 =	rddreg [dreg:$0x4]  }
0x34: {  	[tilespmem:s4], [sflag:$0x3] =	stream.indirect.gather [hbm4b:s10+s28], $0x80, s29, s28, $0xb8;
	[tilespmem:$0x16000] =	vst v63  }
0x35: {  	_ = 	snop  }
0x36: {  	[tilespmem:s0], [sflag:$0x4] =	stream.indirect.gather [hbm4b:s10+s28], $0x80, s31, s28, $0xb8;
	[tilespmem:$0x16000] =	vst v63  }
0x37: {  	_ =	swait.ge [sflag:s22], $0x3800  }
0x38: {  	[sflag:s22] =	ssyncset.done $0x0  }
0x39: {  	[sflag:s22] =	ssyncadd.s32 $0xFFFFC800  }
0x3a: {  	_ =	swait.ge [sflag:s16], $0x3800  }
0x3b: {  	[sflag:s16] =	ssyncset.done $0x0  }
0x3c: {  	[sflag:s16] =	ssyncadd.s32 $0xFFFFC800  }
0x3d: {  	_ =	swait.ge [sflag:s19], $0x3800  }
0x3e: {  	[sflag:s19] =	ssyncset.done $0x0  }
0x3f: {  	[sflag:s19] =	ssyncadd.s32 $0xFFFFC800  }
0x40: {  	_ =	swait.ge [sflag:s2], $0x3800  }
0x41: {  	[sflag:s2] =	ssyncset.done $0x0  }
0x42: {  	[sflag:s2] =	ssyncadd.s32 $0xFFFFC800  }
0x43: {  	v22 =	vld [tilespmem:$0x7980];
	_ =	sdelay $0x3  }
0x44: {  	v23 =	vmul.u32 $0x80, v0  }
0x45: {  	v22 =	vand.u32 $0x7F, v22  }
0x46: {  	v59 =	vld [tilespmem:$0x7990];
	v22 =	vor.u32 v23, v22;
	_ =	sdelay $0x4  }
0x47: {  	v25 =	vor.u32 $0x800, v23;
	v24 =	vand.u32 $0x7F, v59;
	v22 =	vld.idx.msk [tilespmem:v22+s30+$0x0], $0xffff  }
0x48: {  	v60 =	vld [tilespmem:$0x79A0];
	v24 =	vor.u32 v25, v24;
	_ =	sdelay $0x3  }
0x49: {  	[tilespmem:$0x15B00] =	vst v22  }
0x4a: {  	v26 =	vor.u32 $0x1000, v23;
	v61 =	vand.u32 $0x7F, v60;
	v22 =	vld.idx.msk [tilespmem:v24+s30+$0x0], $0xffff  }
0x4b: {  	v27 =	vld [tilespmem:$0x79B0];
	v24 =	vor.u32 v26, v61;
	_ =	sdelay $0x3  }
0x4c: {  	[tilespmem:$0x15B10] =	vst v22  }
0x4d: {  	v62 =	vand.u32 $0x7F, v27;
	v27 =	vor.u32 $0x1800, v23;
	v22 =	vld.idx.msk [tilespmem:v24+s30+$0x0], $0xffff  }
0x4e: {  	v28 =	vld [tilespmem:$0x79C0];
	v24 =	vor.u32 v27, v62;
	_ =	sdelay $0x3  }
0x4f: {  	[tilespmem:$0x15B20] =	vst v22  }
0x50: {  	v63 =	vand.u32 $0x7F, v28;
	v28 =	vor.u32 $0x2000, v23;
	v22 =	vld.idx.msk [tilespmem:v24+s30+$0x0], $0xffff  }
0x51: {  	v29 =	vld [tilespmem:$0x79D0];
	v24 =	vor.u32 v28, v63;
	_ =	sdelay $0x3  }
0x52: {  	[tilespmem:$0x15B30] =	vst v22  }
0x53: {  	v32 =	vand.u32 $0x7F, v29;
	v29 =	vor.u32 $0x2800, v23;
	v22 =	vld.idx.msk [tilespmem:v24+s30+$0x0], $0xffff  }
0x54: {  	v30 =	vld [tilespmem:$0x79E0];
	v24 =	vor.u32 v29, v32;
	_ =	sdelay $0x3  }
0x55: {  	[tilespmem:$0x15B40] =	vst v22  }
0x56: {  	v33 =	vand.u32 $0x7F, v30;
	v30 =	vor.u32 $0x3000, v23;
	v22 =	vld.idx.msk [tilespmem:v24+s30+$0x0], $0xffff  }
0x57: {  	v31 =	vld [tilespmem:$0x7980];
	v24 =	vor.u32 v30, v33;
	_ =	sdelay $0x3  }
0x58: {  	[tilespmem:$0x15B50] =	vst v22  }
0x59: {  	v34 =	vand.u32 $0x7F, v31;
	v22 =	vld.idx.msk [tilespmem:v24+s30+$0x0], $0xffff  }
0x5a: {  	v35 =	vld [tilespmem:$0x7990];
	v24 =	vor.u32 v23, v34;
	_ =	sdelay $0x3  }
0x5b: {  	[tilespmem:$0x15B60] =	vst v22  }
0x5c: {  	v36 =	vand.u32 $0x7F, v35;
	v22 =	vld.idx.msk [tilespmem:v24+s1+$0x0], $0xffff  }
0x5d: {  	v37 =	vld [tilespmem:$0x79A0];
	v24 =	vor.u32 v25, v36;
	_ =	sdelay $0x3  }
0x5e: {  	[tilespmem:$0x15B80] =	vst v22  }
0x5f: {  	v38 =	vand.u32 $0x7F, v37;
	v22 =	vld.idx.msk [tilespmem:v24+s1+$0x0], $0xffff  }
0x60: {  	v39 =	vld [tilespmem:$0x79B0];
	v24 =	vor.u32 v26, v38;
	_ =	sdelay $0x3  }
0x61: {  	[tilespmem:$0x15B90] =	vst v22  }
0x62: {  	v40 =	vand.u32 $0x7F, v39;
	v22 =	vld.idx.msk [tilespmem:v24+s1+$0x0], $0xffff  }
0x63: {  	v41 =	vld [tilespmem:$0x79C0];
	v24 =	vor.u32 v27, v40;
	_ =	sdelay $0x3  }
0x64: {  	[tilespmem:$0x15BA0] =	vst v22  }
0x65: {  	v42 =	vand.u32 $0x7F, v41;
	v22 =	vld.idx.msk [tilespmem:v24+s1+$0x0], $0xffff  }
0x66: {  	v43 =	vld [tilespmem:$0x79D0];
	v24 =	vor.u32 v28, v42;
	_ =	sdelay $0x3  }
0x67: {  	[tilespmem:$0x15BB0] =	vst v22  }
0x68: {  	v44 =	vand.u32 $0x7F, v43;
	v22 =	vld.idx.msk [tilespmem:v24+s1+$0x0], $0xffff  }
0x69: {  	v45 =	vld [tilespmem:$0x79E0];
	v24 =	vor.u32 v29, v44;
	_ =	sdelay $0x3  }
0x6a: {  	[tilespmem:$0x15BC0] =	vst v22  }
0x6b: {  	v46 =	vand.u32 $0x7F, v45;
	v22 =	vld.idx.msk [tilespmem:v24+s1+$0x0], $0xffff  }
0x6c: {  	v47 =	vld [tilespmem:$0x7980];
	v24 =	vor.u32 v30, v46;
	_ =	sdelay $0x3  }
0x6d: {  	[tilespmem:$0x15BD0] =	vst v22  }
0x6e: {  	v48 =	vand.u32 $0x7F, v47;
	v22 =	vld.idx.msk [tilespmem:v24+s1+$0x0], $0xffff  }
0x6f: {  	v49 =	vld [tilespmem:$0x7990];
	v24 =	vor.u32 v23, v48;
	_ =	sdelay $0x3  }
0x70: {  	[tilespmem:$0x15BE0] =	vst v22  }
0x71: {  	v50 =	vand.u32 $0x7F, v49;
	v22 =	vld.idx.msk [tilespmem:v24+s4+$0x0], $0xffff  }
0x72: {  	v51 =	vld [tilespmem:$0x79A0];
	v24 =	vor.u32 v25, v50;
	_ =	sdelay $0x3  }
0x73: {  	[tilespmem:$0x15C00] =	vst v22  }
0x74: {  	v52 =	vand.u32 $0x7F, v51;
	v22 =	vld.idx.msk [tilespmem:v24+s4+$0x0], $0xffff  }
0x75: {  	v53 =	vld [tilespmem:$0x79B0];
	v24 =	vor.u32 v26, v52;
	_ =	sdelay $0x3  }
0x76: {  	[tilespmem:$0x15C10] =	vst v22  }
0x77: {  	v54 =	vand.u32 $0x7F, v53;
	v22 =	vld.idx.msk [tilespmem:v24+s4+$0x0], $0xffff  }
0x78: {  	v55 =	vld [tilespmem:$0x79C0];
	v24 =	vor.u32 v27, v54;
	_ =	sdelay $0x3  }
0x79: {  	[tilespmem:$0x15C20] =	vst v22  }
0x7a: {  	v56 =	vand.u32 $0x7F, v55;
	v22 =	vld.idx.msk [tilespmem:v24+s4+$0x0], $0xffff  }
0x7b: {  	v57 =	vld [tilespmem:$0x79D0];
	v24 =	vor.u32 v28, v56;
	_ =	sdelay $0x3  }
0x7c: {  	[tilespmem:$0x15C30] =	vst v22  }
0x7d: {  	v58 =	vand.u32 $0x7F, v57;
	v22 =	vld.idx.msk [tilespmem:v24+s4+$0x0], $0xffff  }
0x7e: {  	v59 =	vld [tilespmem:$0x79E0];
	v24 =	vor.u32 v29, v58;
	_ =	sdelay $0x3  }
0x7f: {  	[tilespmem:$0x15C40] =	vst v22  }
0x80: {  	v60 =	vand.u32 $0x7F, v59;
	v22 =	vld.idx.msk [tilespmem:v24+s4+$0x0], $0xffff  }
0x81: {  	v61 =	vld [tilespmem:$0x7980];
	v24 =	vor.u32 v30, v60;
	_ =	sdelay $0x3  }
0x82: {  	[tilespmem:$0x15C50] =	vst v22  }
0x83: {  	v62 =	vand.u32 $0x7F, v61;
	v22 =	vld.idx.msk [tilespmem:v24+s4+$0x0], $0xffff  }
0x84: {  	v63 =	vld [tilespmem:$0x7990];
	v23 =	vor.u32 v23, v62;
	_ =	sdelay $0x3  }
0x85: {  	[tilespmem:$0x15C60] =	vst v22  }
0x86: {  	v22 =	vld.idx.msk [tilespmem:v23+s0+$0x0], $0xffff;
	v23 =	vand.u32 $0x7F, v63  }
0x87: {  	v31 =	vld [tilespmem:$0x79A0];
	v23 =	vor.u32 v25, v23;
	_ =	sdelay $0x3  }
0x88: {  	[tilespmem:$0x15C80] =	vst v22  }
0x89: {  	v22 =	vld.idx.msk [tilespmem:v23+s0+$0x0], $0xffff;
	v23 =	vand.u32 $0x7F, v31  }
0x8a: {  	v32 =	vld [tilespmem:$0x79B0];
	v23 =	vor.u32 v26, v23;
	_ =	sdelay $0x3  }
0x8b: {  	[tilespmem:$0x15C90] =	vst v22  }
0x8c: {  	v22 =	vld.idx.msk [tilespmem:v23+s0+$0x0], $0xffff;
	v23 =	vand.u32 $0x7F, v32  }
0x8d: {  	v33 =	vld [tilespmem:$0x79C0];
	v23 =	vor.u32 v27, v23;
	_ =	sdelay $0x2  }
0x8e: {  	v35 =	vld [tilespmem:$0x79E0]  }
0x8f: {  	v34 =	vld [tilespmem:$0x79D0];
	[tilespmem:$0x15CA0] =	vst v22  }
0x90: {  	v22 =	vld.idx.msk [tilespmem:v23+s0+$0x0], $0xffff;
	v23 =	vand.u32 $0x7F, v33  }
0x91: {  	v36 =	vld [tilespmem:$0x15B00];
	v23 =	vor.u32 v28, v23  }
0x92: {  	v37 =	vld [tilespmem:$0x15B80]  }
0x93: {  	v38 =	vld [tilespmem:$0x15C00]  }
0x94: {  	v42 =	vld [tilespmem:$0x7990]  }
0x95: {  	v44 =	vld [tilespmem:$0x15B10];
	[tilespmem:$0x15CB0] =	vst v22  }
0x96: {  	v22 =	vld.idx.msk [tilespmem:v23+s0+$0x0], $0xffff;
	v23 =	vand.u32 $0x7F, v34  }
0x97: {  	v48 =	vld [tilespmem:$0x79A0];
	v23 =	vor.u32 v29, v23  }
0x98: {  	v43 =	vmul.f32 $5.000000000e-01, v38;
	v38 =	vld [tilespmem:$0x7910]  }
0x99: {  	v46 =	vld [tilespmem:$0x15C10]  }
0x9a: {  	v54 =	vld [tilespmem:$0x15BA0]  }
0x9b: {  	[tilespmem:$0x15CC0] =	vst v22;
	v22 =	vld [tilespmem:$0x7980]  }
0x9c: {  	v49 =	vcvt.s32.f32 v42;
	v24 =	vand.u32 $0x7F, v35;
	v35 =	vand.u32 $0x7F, v42;
	v23 =	vld.idx.msk [tilespmem:v23+s0+$0x0], $0xffff  }
0x9d: {  	v56 =	vld [tilespmem:$0x15C20];
	v24 =	vor.u32 v30, v24;
	v35 =	vcvt.s32.f32 v35  }
0x9e: {  	v55 =	vmul.f32 $6.103515630e-05, v49;
	v40 =	vld [tilespmem:$0x15C80]  }
0x9f: {  	v57 =	vand.u32 $0x3FFF, v48;
	v32 =	vld [tilespmem:$0x15B90];
	v27 =	vadd.f32 v35, v44;
	v34 =	vand.u32 $0x3FFF, v42  }
0xa0: {  	v34 =	vcvt.s32.f32 v34;
	v29 =	vmul.f32 $5.000000000e-01, v46;
	v46 =	vld [tilespmem:$0x15C30];
	v39 =	vand.u32 $0x3FFF, v22  }
0xa1: {  	v58 =	vcvt.s32.f32 v57;
	v41 =	vand.u32 $0x7F, v22;
	v28 =	vcvt.s32.f32 v39;
	[tilespmem:$0x15CD0] =	vst v23;
	v39 =	vld [tilespmem:$0x15CA0]  }
0xa2: {  	v34 =	vmul.f32 $7.812500000e-03, v34;
	v53 =	vsub.f32 v27, v29;
	v23 =	vcvt.s32.f32 v41;
	v24 =	vld.idx.msk [tilespmem:v24+s0+$0x0], $0xffff  }
0xa3: {  	v59 =	vand.u32 $0x7F, v48;
	v22 =	vcvt.s32.f32 v22;
	[tilespmem:$0x15D10] =	vst v55;
	v55 =	vld [tilespmem:$0x7930];
	v28 =	vmul.f32 $7.812500000e-03, v28  }
0xa4: {  	v51 =	vadd.f32 v32, v34;
	v34 =	vmul.f32 $4.000000000e+00, v53;
	v23 =	vadd.f32 v23, v36;
	v36 =	vld [tilespmem:$0x15C90]  }
0xa5: {  	v45 =	vmul.f32 $5.000000000e-01, v40;
	v22 =	vmul.f32 $6.103515630e-05, v22;
	[tilespmem:$0x15D90] =	vst v38;
	v26 =	vadd.f32 v37, v28  }
0xa6: {  	v50 =	vld [tilespmem:$0x15B20];
	v62 =	vmul.f32 $7.812500000e-03, v58;
	[tilespmem:$0x15E10] =	vst v34;
	v47 =	vsub.f32 v23, v43;
	v23 =	vadd.f32 v43, v23  }
0xa7: {  	v58 =	vmul.f32 $5.000000000e-01, v46;
	[tilespmem:$0x15D00] =	vst v22;
	v37 =	vld [tilespmem:$0x7900];
	v28 =	vmul.f32 $5.000000000e-01, v56;
	v33 =	vsub.f32 v26, v45  }
0xa8: {  	v60 =	vld [tilespmem:$0x79B0];
	v31 =	vmul.f32 $4.000000000e+00, v47;
	v23 =	vmul.f32 $4.000000000e+00, v23;
	v26 =	vadd.f32 v45, v26;
	[tilespmem:$0x15CE0] =	vst v24  }
0xa9: {  	v44 =	vadd.f32 v54, v62;
	v45 =	vmul.f32 $5.000000000e-01, v39;
	[tilespmem:$0x15DB0] =	vst v55;
	v52 =	vmul.f32 $5.000000000e-01, v36  }
0xaa: {  	v54 =	vld [tilespmem:$0x79C0];
	v27 =	vadd.f32 v29, v27;
	v33 =	vmul.f32 $4.000000000e+00, v33;
	v22 =	vmul.f32 $4.000000000e+00, v26;
	[tilespmem:$0x15E00] =	vst v31  }
0xab: {  	v31 =	vcvt.s32.f32 v59;
	[tilespmem:$0x15F00] =	vst v23;
	v56 =	vadd.f32 v45, v44;
	v36 =	vsub.f32 v51, v52  }
0xac: {  	v63 =	vld [tilespmem:$0x15B30];
	v23 =	vmul.f32 $4.000000000e+00, v27;
	[tilespmem:$0x15D80] =	vst v37;
	v24 =	vadd.f32 v52, v51;
	v51 =	vsub.f32 v44, v45  }
0xad: {  	v49 =	vld [tilespmem:$0x15CB0];
	v52 =	vand.u32 $0x7F, v60;
	[tilespmem:$0x15F80] =	vst v22;
	v22 =	vcvt.s32.f32 v48;
	v42 =	vadd.f32 v31, v50  }
0xae: {  	v43 =	vld [tilespmem:$0x15BB0];
	[tilespmem:$0x15E80] =	vst v33;
	v48 =	vand.u32 $0x3FFF, v60;
	v53 =	vcvt.s32.f32 v52;
	v61 =	vmul.f32 $4.000000000e+00, v36  }
0xaf: {  	v44 =	vand.u32 $0x7F, v54;
	v50 =	vld [tilespmem:$0x7920];
	[tilespmem:$0x15F10] =	vst v23;
	v24 =	vmul.f32 $4.000000000e+00, v24;
	v35 =	vcvt.s32.f32 v48  }
0xb0: {  	v59 =	vld [tilespmem:$0x15B40];
	v46 =	vcvt.s32.f32 v44;
	v23 =	vmul.f32 $4.000000000e+00, v51;
	v47 =	vsub.f32 v42, v28;
	[tilespmem:$0x15E90] =	vst v61  }
0xb1: {  	v22 =	vmul.f32 $6.103515630e-05, v22;
	v57 =	vadd.f32 v53, v63;
	v63 =	vld [tilespmem:$0x15C40];
	v35 =	vmul.f32 $7.812500000e-03, v35;
	[tilespmem:$0x15F90] =	vst v24  }
0xb2: {  	v25 =	vadd.f32 v28, v42;
	v42 =	vld [tilespmem:$0x15CC0];
	v24 =	vmul.f32 $4.000000000e+00, v56;
	[tilespmem:$0x15EA0] =	vst v23;
	v32 =	vmul.f32 $4.000000000e+00, v47  }
0xb3: {  	v41 =	vand.u32 $0x3FFF, v54;
	v61 =	vld [tilespmem:$0x15BC0];
	[tilespmem:$0x15D20] =	vst v22;
	v22 =	vcvt.s32.f32 v60;
	v60 =	vmul.f32 $5.000000000e-01, v49  }
0xb4: {  	v56 =	vld [tilespmem:$0x15C50];
	v25 =	vmul.f32 $4.000000000e+00, v25;
	v62 =	vsub.f32 v57, v58;
	v48 =	vadd.f32 v58, v57;
	[tilespmem:$0x15DA0] =	vst v50  }
0xb5: {  	v47 =	vld [tilespmem:$0x79D0];
	v30 =	vadd.f32 v43, v35;
	v43 =	vcvt.s32.f32 v41;
	[tilespmem:$0x15FA0] =	vst v24;
	v22 =	vmul.f32 $6.103515630e-05, v22  }
0xb6: {  	v29 =	vadd.f32 v46, v59;
	v50 =	vld [tilespmem:$0x7940];
	[tilespmem:$0x15E20] =	vst v32;
	v23 =	vmul.f32 $4.000000000e+00, v62;
	v24 =	vmul.f32 $4.000000000e+00, v48  }
0xb7: {  	[tilespmem:$0x15F20] =	vst v25;
	v40 =	vsub.f32 v30, v60;
	v51 =	vmul.f32 $7.812500000e-03, v43;
	v52 =	vmul.f32 $5.000000000e-01, v63  }
0xb8: {  	v53 =	vld [tilespmem:$0x15B50];
	v49 =	vadd.f32 v60, v30;
	v55 =	vmul.f32 $5.000000000e-01, v42;
	[tilespmem:$0x15D30] =	vst v22;
	v22 =	vcvt.s32.f32 v54  }
0xb9: {  	v62 =	vld [tilespmem:$0x15CD0];
	[tilespmem:$0x15E30] =	vst v23;
	v42 =	vmul.f32 $5.000000000e-01, v56;
	v45 =	vmul.f32 $4.000000000e+00, v40  }
0xba: {  	v58 =	vld [tilespmem:$0x15BD0];
	[tilespmem:$0x15F30] =	vst v24;
	v54 =	vadd.f32 v61, v51;
	v23 =	vmul.f32 $4.000000000e+00, v49;
	v57 =	vsub.f32 v29, v52  }
0xbb: {  	v60 =	vand.u32 $0x3FFF, v47;
	v61 =	vand.u32 $0x7F, v47;
	v40 =	vld [tilespmem:$0x79E0];
	v44 =	vcvt.s32.f32 v47;
	[tilespmem:$0x15DC0] =	vst v50  }
0xbc: {  	v39 =	vadd.f32 v52, v29;
	v47 =	vld [tilespmem:$0x15BE0];
	v22 =	vmul.f32 $6.103515630e-05, v22;
	v63 =	vcvt.s32.f32 v60;
	[tilespmem:$0x15EB0] =	vst v45  }
0xbd: {  	v37 =	vcvt.s32.f32 v61;
	v50 =	vld [tilespmem:$0x15C60];
	v59 =	vsub.f32 v54, v55;
	[tilespmem:$0x15FB0] =	vst v23;
	v23 =	vmul.f32 $4.000000000e+00, v57  }
0xbe: {  	v61 =	vld [tilespmem:$0x7960];
	v26 =	vmul.f32 $4.000000000e+00, v39;
	v43 =	vadd.f32 v55, v54;
	v46 =	vmul.f32 $5.000000000e-01, v62;
	[tilespmem:$0x15D40] =	vst v22  }
0xbf: {  	v49 =	vmul.f32 $6.103515630e-05, v44;
	v22 =	vld [tilespmem:$0x7950];
	v24 =	vmul.f32 $7.812500000e-03, v63;
	v41 =	vadd.f32 v37, v53;
	[tilespmem:$0x15E40] =	vst v23  }
0xc0: {  	v45 =	vld [tilespmem:$0x15B60];
	v25 =	vmul.f32 $4.000000000e+00, v59;
	v48 =	vmul.f32 $4.000000000e+00, v43;
	[tilespmem:$0x15F40] =	vst v26  }
0xc1: {  	v54 =	vld [tilespmem:$0x15CE0];
	[tilespmem:$0x15D50] =	vst v49;
	v23 =	vadd.f32 v58, v24;
	v33 =	vsub.f32 v41, v42;
	v53 =	vand.u32 $0x3FFF, v40  }
0xc2: {  	v57 =	vand.u32 $0x7F, v40;
	v29 =	vcvt.s32.f32 v40;
	[tilespmem:$0x15EC0] =	vst v25;
	v56 =	vcvt.s32.f32 v53  }
0xc3: {  	v55 =	vadd.f32 v42, v41;
	[tilespmem:$0x15FC0] =	vst v48;
	v32 =	vcvt.s32.f32 v57;
	v28 =	vmul.f32 $5.000000000e-01, v50  }
0xc4: {  	v51 =	vmul.f32 $4.000000000e+00, v33;
	[tilespmem:$0x15DD0] =	vst v22;
	v22 =	vadd.f32 v46, v23;
	v59 =	vmul.f32 $7.812500000e-03, v56  }
0xc5: {  	[tilespmem:$0x15DE0] =	vst v61;
	v52 =	vsub.f32 v23, v46;
	v23 =	vmul.f32 $4.000000000e+00, v55;
	v60 =	vadd.f32 v32, v45  }
0xc6: {  	v62 =	vmul.f32 $5.000000000e-01, v54;
	[tilespmem:$0x15E50] =	vst v51;
	v24 =	vadd.f32 v47, v59;
	v22 =	vmul.f32 $4.000000000e+00, v22  }
0xc7: {  	[tilespmem:$0x15F50] =	vst v23;
	v23 =	vmul.f32 $6.103515630e-05, v29;
	v63 =	vsub.f32 v60, v28  }
0xc8: {  	v58 =	vmul.f32 $4.000000000e+00, v52;
	[tilespmem:$0x15FD0] =	vst v22;
	v22 =	vsub.f32 v24, v62  }
0xc9: {  	v25 =	vadd.f32 v28, v60;
	[tilespmem:$0x15D60] =	vst v23;
	v23 =	vmul.f32 $4.000000000e+00, v63  }
0xca: {  	[tilespmem:$0x15ED0] =	vst v58;
	v24 =	vadd.f32 v62, v24;
	v22 =	vmul.f32 $4.000000000e+00, v22  }
0xcb: {  	[tilespmem:$0x15E60] =	vst v23;
	v23 =	vmul.f32 $4.000000000e+00, v25  }
0xcc: {  	[tilespmem:$0x15EE0] =	vst v22;
	v22 =	vmul.f32 $4.000000000e+00, v24  }
0xcd: {  	[tilespmem:$0x15F60] =	vst v23  }
0xce: {  	s7 =	simm.s32 $0x15D00;
	s18 =	rddreg [dreg:$0xa];
	[tilespmem:$0x15FE0] =	vst v22  }
0xcf: {  	[hbm4b:s18+s5] =	stream.linear.scatter [tilespmem:s7], [sflag:$0x5], $0x80, $0x38;
	[tilespmem:$0x16000] =	vst v63  }
0xd0: {  	_ =	swait.ge [sflag:s17], $0x80  }
0xd1: {  	[sflag:s17] =	ssyncset.done $0x0  }
0xd2: {  	s9 =	simm.s32 $0x15D80;
	s8 =	rddreg [dreg:$0xb];
	[sflag:s17] =	ssyncadd.s32 $0xFFFFFF80  }
0xd3: {  	[hbm4b:s8+s5] =	stream.linear.scatter [tilespmem:s9], [sflag:$0x5], $0x80, $0x38;
	[tilespmem:$0x16000] =	vst v63  }
0xd4: {  	_ =	swait.ge [sflag:s17], $0x80  }
0xd5: {  	[sflag:s17] =	ssyncset.done $0x0  }
0xd6: {  	s18 =	simm.s32 $0x15E00;
	s10 =	rddreg [dreg:$0xc];
	[sflag:s17] =	ssyncadd.s32 $0xFFFFFF80  }
0xd7: {  	[hbm4b:s10+s5] =	stream.linear.scatter [tilespmem:s18], [sflag:$0x5], $0x80, $0x38;
	[tilespmem:$0x16000] =	vst v63  }
0xd8: {  	_ =	swait.ge [sflag:s17], $0x80  }
0xd9: {  	[sflag:s17] =	ssyncset.done $0x0  }
0xda: {  	s9 =	simm.s32 $0x15E80;
	s8 =	rddreg [dreg:$0xd];
	[sflag:s17] =	ssyncadd.s32 $0xFFFFFF80  }
0xdb: {  	[hbm4b:s8+s5] =	stream.linear.scatter [tilespmem:s9], [sflag:$0x5], $0x80, $0x38;
	[tilespmem:$0x16000] =	vst v63  }
0xdc: {  	_ =	swait.ge [sflag:s17], $0x80  }
0xdd: {  	[sflag:s17] =	ssyncset.done $0x0  }
0xde: {  	s10 =	simm.s32 $0x15F00;
	[sflag:s17] =	ssyncadd.s32 $0xFFFFFF80  }
0xdf: {  	[hbm4b:s11+s5] =	stream.linear.scatter [tilespmem:s10], [sflag:$0x5], $0x80, $0x38;
	[tilespmem:$0x16000] =	vst v63  }
0xe0: {  	s3 =	sadd.s32 $0x1, s3;
	_ =	swait.ge [sflag:s17], $0x80  }
0xe1: {  	p0 =	sne.s32 s3, s14;
	[sflag:s17] =	ssyncset.done $0x0  }
.Ltmp2:
0xe2: {  	s18 =	simm.s32 $0x15F80;
	[sflag:s17] =	ssyncadd.s32 $0xFFFFFF80;
	(pc) =	sbr.rel @!p0 .LBB2_22-.Ltmp2, $4  }
0xe3: {  	[hbm4b:s12+s5] =	stream.linear.scatter [tilespmem:s18], [sflag:$0x5], $0x80, $0x38;
	[tilespmem:$0x16000] =	vst v63  }
0xe4: {  	_ =	swait.ge [sflag:s17], $0x80  }
0xe5: {  	[sflag:s17] =	ssyncset.done $0x0  }
0xe6: {  	s18 =	simm.s32 $0x80;
	[sflag:s17] =	ssyncadd.s32 $0xFFFFFF80  }
.LBB2_2:
0xe7: {  	s6 =	simm.s32 $0x0;
	s7 =	simm.s32 $0x2800  }
0xe8: {  	[tilespmem:s7], [sflag:$0x5] =	stream.linear.gather [hbm4b:s13+s6], $0x80, $0x38;
	[tilespmem:$0x16000] =	vst v63  }
0xe9: {  	_ =	swait.ge [sflag:s17], $0x80  }
0xea: {  	[sflag:s17] =	ssyncset.done $0x0  }
0xeb: {  	s8 =	simm.s32 $0x400;
	s10 =	rddreg [dreg:$0x9];
	[sflag:s17] =	ssyncadd.s32 $0xFFFFFF80  }
0xec: {  	v22 =	vld [tilespmem:$0x2800];
	[tilespmem:s6], [sflag:$0x5] =	stream.strided.gather [hbm4b:s10+s18], $0x2800, s8, s18, $0x38  }
0xed: {  	_ =	swait.ge [sflag:s17], $0x2800  }
0xee: {  	[sflag:s17] =	ssyncset.done $0x0  }
0xef: {  	[sflag:s17] =	ssyncadd.s32 $0xFFFFD800  }
0xf0: {  	[tilespmem:$0x2880] =	vst v18  }
0xf1: {  	[tilespmem:$0x2890] =	vst v18  }
0xf2: {  	[tilespmem:$0x28A0] =	vst v18  }
0xf3: {  	[tilespmem:$0x28B0] =	vst v18  }
0xf4: {  	[tilespmem:$0x28C0] =	vst v18  }
0xf5: {  	[tilespmem:$0x28D0] =	vst v18  }
0xf6: {  	[tilespmem:$0x28E0] =	vst v18  }
0xf7: {  	s7 =	simm.s32 $0x0;
	s6 =	simm.s32 $0x40;
	[tilespmem:$0x28F0] =	vst v18  }
.LBB2_3:
0xf8: {  	p0 =	sne.s32 s6, $0x1FC0;
	[tilespmem:s7+$0x6900] =	vst v19;
	s8 =	smov.u32 s6;
	s6 =	sadd.s32 $0x40, s6  }
.Ltmp3:
0xf9: {  	[tilespmem:s7+$0x7100] =	vst v20;
	(pc) =	sbr.rel @p0 .LBB2_3-.Ltmp3, $2  }
0xfa: {  	_ =	sdelay $0x2  }
0xfb: {  	s7 =	sshra.s32 s8, $0x2  }
0xfc: {  	[tilespmem:s7+$0x6900] =	vst v19  }
0xfd: {  	[tilespmem:s7+$0x7100] =	vst v20  }
0xfe: {  	[tilespmem:$0x7900] =	vst v21  }
0xff: {  	[tilespmem:$0x7980] =	vst v18  }
0x100: {  	[tilespmem:$0x7910] =	vst v21  }
0x101: {  	[tilespmem:$0x7990] =	vst v18  }
0x102: {  	[tilespmem:$0x7920] =	vst v21  }
0x103: {  	[tilespmem:$0x79A0] =	vst v18  }
0x104: {  	[tilespmem:$0x7930] =	vst v21  }
0x105: {  	[tilespmem:$0x79B0] =	vst v18  }
0x106: {  	[tilespmem:$0x7940] =	vst v21  }
0x107: {  	[tilespmem:$0x79C0] =	vst v18  }
0x108: {  	[tilespmem:$0x7950] =	vst v21  }
0x109: {  	[tilespmem:$0x79D0] =	vst v18  }
0x10a: {  	[tilespmem:$0x7960] =	vst v21  }
0x10b: {  	s6 =	simm.s32 $0x0;
	[tilespmem:$0x79E0] =	vst v18  }
0x10c: {  	v23 =	vld [tilespmem:s6+$0x0];
	_ =	sdelay $0x2  }
0x10d: {  	v24 =	vxor.u32 $0x7FFFFFFF, v22;
	vm0 =	vlt.s32 v22, $0x0  }
0x10e: {  	v22 =	vsel vm0, v24, v22  }
0x10f: {  	vm0 =	vge.f32 v23, v22  }
0x110: {  	v61 =	vsel vm0, $0x3F800000, v21  }
0x111: {  	(xrf0) =	vmax.scan.msk.f32 $0xffff, v61;
	_ =	sdelay $0x5  }
0x112: {  	v24, _, _ =	vpop (xrf0)  }
0x113: {  	(v2sf) =	vpush v24, $0xF;
	_ =	sdelay $0xe  }
0x114: {  	s9 =	spop (v2sf)  }
0x115: {  	p1 =	sgt.f32 s9, $0.0e+00;
	_ =	sdelay $0x1  }
0x116: {  	vm0 =	vge.f32 @p1 v23, v22;
	v23 =	vimm.s32 @p1 $0x0  }
0x117: {  	v23 =	vsel @p1 vm0, $0x1, v23  }
0x118: {  	(xrf0) =	vadd.scan.msk.s32 @p1 $0xffff, v23;
	_ =	sdelay $0x1  }
0x119: {  	s7 =	simm.s32 $0x0  }
0x11a: {  	v23 =	vmov @p1 s7  }
0x11b: {  	v23 =	vadd.s32 @p1 $0xFFFFFFFF, v23  }
0x11c: {  	v23 =	vbroadcast @p1 v23, $0x0  }
0x11d: {  	v24, _, _ =	vpop @p1 (xrf0)  }
0x11e: {  	v23 =	vadd.s32 @p1 v24, v23  }
0x11f: {  	vm1 =	vlt.s32 @p1 v23, $0x7F  }
0x120: {  	v23 =	vnsel @p1 vm1, $0x7F, v23;
	_ =	sdelay $0x2  }
0x121: {  	v25 =	vlaneseq.u32 @p1  }
0x122: {  	s6 =	simm.s32 @p1 $0x2880;
	v25 =	vor.u32 @p1 s15, v25  }
0x123: {  	s10 =	simm.s32 $0x10;
	[tilespmem:v23+s6+$0x0] =	vst.idx.msk @p1 vm0, v25  }
0x124: {  	v23 =	vld [tilespmem:s10+$0x0];
	_ =	sdelay $0x4  }
0x125: {  	vm0 =	vge.f32 v23, v22  }
0x126: {  	v62 =	vsel vm0, $0x3F800000, v21  }
0x127: {  	(xrf0) =	vmax.scan.msk.f32 $0xffff, v62;
	_ =	sdelay $0x5  }
0x128: {  	(v2sf) =	vpush @p1 v24, $0xF;
	v63, _, _ =	vpop (xrf0)  }
0x129: {  	(v2sf) =	vpush v63, $0xF;
	_ =	sdelay $0xd  }
0x12a: {  	s6 =	spop @p1 (v2sf)  }
0x12b: {  	s8 =	spop (v2sf)  }
0x12c: {  	p0 =	sgt.f32 s8, $0.0e+00;
	_ =	sdelay $0x1  }
0x12d: {  	vm0 =	vge.f32 @p0 v23, v22;
	v23 =	vimm.s32 @p0 $0x0  }
0x12e: {  	v23 =	vsel @p0 vm0, $0x1, v23  }
0x12f: {  	(xrf0) =	vadd.scan.msk.s32 @p0 $0xffff, v23  }
0x130: {  	s6 =	sadd.s32 @p1 $0x0, s6  }
0x131: {  	s7 =	smov.u32 @p1 s6  }
0x132: {  	s6 =	smov.u32 s15;
	s8 =	simm.s32 $0x80;
	v23 =	vmov @p0 s7  }
.LBB2_5:
0x133: {  	v23 =	vadd.s32 @p0 $0xFFFFFFFF, v23;
	s9 =	smov.u32 s8;
	s8 =	sadd.s32 $0x40, s8  }
0x134: {  	p1 =	sne.s32 s8, $0xA000;
	v23 =	vbroadcast @p0 v23, $0x0  }
0x135: {  	v24, _, _ =	vpop @p0 (xrf0)  }
0x136: {  	v23 =	vadd.s32 @p0 v24, v23;
	(v2sf) =	vpush @p0 v24, $0xF  }
0x137: {  	vm1 =	vlt.s32 @p0 v23, $0x7F  }
0x138: {  	v23 =	vnsel @p0 vm1, $0x7F, v23;
	_ =	sdelay $0x2  }
0x139: {  	s6 =	sadd.s32 $0x10, s6;
	v24 =	vlaneseq.u32 @p0  }
0x13a: {  	s10 =	simm.s32 @p0 $0x2880;
	v24 =	vor.u32 @p0 s6, v24  }
0x13b: {  	s9 =	sshra.s32 s9, $0x2;
	[tilespmem:v23+s10+$0x0] =	vst.idx.msk @p0 vm0, v24  }
0x13c: {  	v23 =	vld [tilespmem:s9+$0x0];
	_ =	sdelay $0x4  }
0x13d: {  	vm0 =	vge.f32 v23, v22  }
0x13e: {  	v24 =	vsel vm0, $0x3F800000, v21  }
0x13f: {  	(xrf0) =	vmax.scan.msk.f32 $0xffff, v24;
	s9 =	spop @p0 (v2sf)  }
0x140: {  	s9 =	sadd.s32 @p0 s7, s9  }
0x141: {  	s7 =	smov.u32 @p0 s9;
	_ =	sdelay $0x3  }
0x142: {  	v24, _, _ =	vpop (xrf0)  }
0x143: {  	(v2sf) =	vpush v24, $0xF;
	_ =	sdelay $0xe  }
0x144: {  	s9 =	spop (v2sf)  }
0x145: {  	p0 =	sgt.f32 s9, $0.0e+00;
	_ =	sdelay $0x1  }
0x146: {  	vm0 =	vge.f32 @p0 v23, v22;
	v23 =	vimm.s32 @p0 $0x0  }
.Ltmp4:
0x147: {  	v23 =	vsel @p0 vm0, $0x1, v23;
	(pc) =	sbr.rel @p1 .LBB2_5-.Ltmp4, $2  }
0x148: {  	(xrf0) =	vadd.scan.msk.s32 @p0 $0xffff, v23;
	_ =	sdelay $0x2  }
0x149: {  	v23 =	vmov @p0 s7  }
0x14a: {  	_ =	sdelay $0x1  }
0x14b: {  	v24, _, _ =	vpop @p0 (xrf0)  }
0x14c: {  	(v2sf) =	vpush @p0 v24, $0xF;
	_ =	sdelay $0x5  }
0x14d: {  	v23 =	vadd.s32 @p0 $0xFFFFFFFF, v23  }
0x14e: {  	v23 =	vbroadcast @p0 v23, $0x0;
	_ =	sdelay $0x1  }
0x14f: {  	v23 =	vadd.s32 @p0 v24, v23  }
0x150: {  	vm1 =	vlt.s32 @p0 v23, $0x7F  }
0x151: {  	v23 =	vnsel @p0 vm1, $0x7F, v23;
	_ =	sdelay $0x2  }
0x152: {  	s6 =	sadd.s32 $0x10, s6;
	v24 =	vlaneseq.u32 @p0  }
0x153: {  	v24 =	vor.u32 @p0 s6, v24;
	s6 =	simm.s32 @p0 $0x2880;
	s8 =	spop @p0 (v2sf)  }
0x154: {  	[tilespmem:v23+s6+$0x0] =	vst.idx.msk @p0 vm0, v24;
	s6 =	sadd.s32 @p0 s7, s8  }
0x155: {  	s7 =	smov.u32 @p0 s6  }
0x156: {  	p0 =	slt.s32 s7, $0x1  }
.Ltmp5:
0x157: {  	s10 =	rddreg [dreg:$0x0];
	(pc) =	sbr.rel @p0 .LBB2_9-.Ltmp5, $4  }
0x158: {  	[tilespmem:s21], [sflag:$0x5] =	stream.indirect.gather [hbm4b:s10+s18], $0x80, s20, s18, $0xb8;
	[tilespmem:$0x16000] =	vst v63  }
0x159: {  	_ =	swait.ge [sflag:s17], $0x4000  }
0x15a: {  	[sflag:s17] =	ssyncset.done $0x0  }
0x15b: {  	s18 =	simm.s32 $0x0;
	s6 =	simm.s32 $0x0;
	[sflag:s17] =	ssyncadd.s32 $0xFFFFC000  }
0x15c: {  	p0 =	slt.s32 s7, $0x80  }
0x15d: {  	s7 =	simm.s32 @!p0 $0x80  }
0x15e: {  	s18 =	simm.s32 $0x0;
	[dreg:$0x8] =	wrdreg s7;
	s7 =	simm.s32 $0x0  }
.LBB2_8:
0x15f: {  	v23 =	vmov s7  }
0x160: {  	v24 =	vshll.u32 v23, $0x7  }
0x161: {  	v25 =	vor.u32 v0, v24;
	_ =	sdelay $0x4  }
0x162: {  	v25 =	vld.idx.msk [tilespmem:v25+s21+$0x0], $0xffff;
	_ =	sdelay $0x4  }
0x163: {  	vm0 =	vge.f32 v25, v22  }
0x164: {  	v26 =	vsel vm0, $0x3F800000, v21  }
0x165: {  	(xrf0) =	vmax.scan.msk.f32 $0xffff, v26;
	_ =	sdelay $0x5  }
0x166: {  	v26, _, _ =	vpop (xrf0)  }
0x167: {  	(v2sf) =	vpush v26, $0xF;
	_ =	sdelay $0xe  }
0x168: {  	s8 =	spop (v2sf)  }
0x169: {  	p1 =	sgt.f32 s8, $0.0e+00;
	_ =	sdelay $0x1  }
0x16a: {  	vm0 =	vge.f32 @p1 v25, v22;
	v26 =	vimm.s32 @p1 $0x0  }
0x16b: {  	v26 =	vsel @p1 vm0, $0x1, v26  }
0x16c: {  	(xrf0) =	vadd.scan.msk.s32 @p1 $0xffff, v26;
	_ =	sdelay $0x2  }
0x16d: {  	v26 =	vmov @p1 s18  }
0x16e: {  	v26 =	vadd.s32 @p1 $0xFFFFFFFF, v26  }
0x16f: {  	v26 =	vbroadcast @p1 v26, $0x0  }
0x170: {  	v27, _, _ =	vpop @p1 (xrf0)  }
0x171: {  	v26 =	vadd.s32 @p1 v27, v26  }
0x172: {  	v23 =	vld.idx.msk [tilespmem:v23+s20+$0x0], $0xffff;
	vm1 =	vlt.s32 @p1 v26, $0x7FF  }
0x173: {  	v26 =	vnsel @p1 vm1, $0x7FF, v26;
	_ =	sdelay $0x1  }
0x174: {  	v28 =	vor.u32 v1, v24;
	_ =	sdelay $0x1  }
0x175: {  	v29 =	vshll.u32 @p1 v23, $0x7;
	s8 =	simm.s32 @p1 $0x6900  }
0x176: {  	v29 =	vadd.s32 @p1 v29, v2;
	[tilespmem:v26+s8+$0x0] =	vst.idx.msk @p1 vm0, v25;
	s8 =	simm.s32 @p1 $0x7100  }
0x177: {  	[tilespmem:v26+s8+$0x0] =	vst.idx.msk @p1 vm0, v29  }
0x178: {  	v25 =	vld.idx.msk [tilespmem:v28+s21+$0x0], $0xffff;
	_ =	sdelay $0x4  }
0x179: {  	vm9 =	vge.f32 v25, v22  }
0x17a: {  	v52 =	vsel vm9, $0x3F800000, v21  }
0x17b: {  	(xrf0) =	vmax.scan.msk.f32 $0xffff, v52;
	_ =	sdelay $0x5  }
0x17c: {  	(v2sf) =	vpush @p1 v27, $0xF;
	v26, _, _ =	vpop (xrf0)  }
0x17d: {  	(v2sf) =	vpush v26, $0xF;
	_ =	sdelay $0xd  }
0x17e: {  	s8 =	spop @p1 (v2sf)  }
0x17f: {  	s9 =	spop (v2sf)  }
0x180: {  	p0 =	sgt.f32 s9, $0.0e+00;
	_ =	sdelay $0x1  }
0x181: {  	vm0 =	vge.f32 @p0 v25, v22;
	v26 =	vimm.s32 @p0 $0x0  }
0x182: {  	v26 =	vsel @p0 vm0, $0x1, v26  }
0x183: {  	(xrf0) =	vadd.scan.msk.s32 @p0 $0xffff, v26  }
0x184: {  	s8 =	sadd.s32 @p1 s18, s8  }
0x185: {  	s18 =	smov.u32 @p1 s8  }
0x186: {  	v26 =	vmov @p0 s18  }
0x187: {  	v26 =	vadd.s32 @p0 $0xFFFFFFFF, v26  }
0x188: {  	v26 =	vbroadcast @p0 v26, $0x0  }
0x189: {  	v27, _, _ =	vpop @p0 (xrf0)  }
0x18a: {  	v26 =	vadd.s32 @p0 v27, v26  }
0x18b: {  	vm1 =	vlt.s32 @p0 v26, $0x7FF  }
0x18c: {  	v26 =	vnsel @p0 vm1, $0x7FF, v26;
	_ =	sdelay $0x1  }
0x18d: {  	v53 =	vor.u32 v4, v24;
	_ =	sdelay $0x1  }
0x18e: {  	v29 =	vshll.u32 @p0 v23, $0x7;
	s8 =	simm.s32 @p0 $0x6900  }
0x18f: {  	v29 =	vadd.s32 @p0 v29, v3;
	[tilespmem:v26+s8+$0x0] =	vst.idx.msk @p0 vm0, v25;
	s8 =	simm.s32 @p0 $0x7100  }
0x190: {  	[tilespmem:v26+s8+$0x0] =	vst.idx.msk @p0 vm0, v29  }
0x191: {  	v25 =	vld.idx.msk [tilespmem:v53+s21+$0x0], $0xffff;
	_ =	sdelay $0x4  }
0x192: {  	vm10 =	vge.f32 v25, v22  }
0x193: {  	v54 =	vsel vm10, $0x3F800000, v21  }
0x194: {  	(xrf0) =	vmax.scan.msk.f32 $0xffff, v54;
	_ =	sdelay $0x5  }
0x195: {  	(v2sf) =	vpush @p0 v27, $0xF;
	v26, _, _ =	vpop (xrf0)  }
0x196: {  	(v2sf) =	vpush v26, $0xF;
	_ =	sdelay $0xd  }
0x197: {  	s8 =	spop @p0 (v2sf)  }
0x198: {  	s10 =	spop (v2sf)  }
0x199: {  	p1 =	sgt.f32 s10, $0.0e+00;
	_ =	sdelay $0x1  }
0x19a: {  	vm0 =	vge.f32 @p1 v25, v22;
	v26 =	vimm.s32 @p1 $0x0  }
0x19b: {  	v26 =	vsel @p1 vm0, $0x1, v26  }
0x19c: {  	(xrf0) =	vadd.scan.msk.s32 @p1 $0xffff, v26  }
0x19d: {  	s8 =	sadd.s32 @p0 s18, s8  }
0x19e: {  	s18 =	smov.u32 @p0 s8  }
0x19f: {  	v26 =	vmov @p1 s18  }
0x1a0: {  	v26 =	vadd.s32 @p1 $0xFFFFFFFF, v26  }
0x1a1: {  	v26 =	vbroadcast @p1 v26, $0x0  }
0x1a2: {  	v27, _, _ =	vpop @p1 (xrf0)  }
0x1a3: {  	v26 =	vadd.s32 @p1 v27, v26  }
0x1a4: {  	vm1 =	vlt.s32 @p1 v26, $0x7FF  }
0x1a5: {  	v26 =	vnsel @p1 vm1, $0x7FF, v26;
	_ =	sdelay $0x1  }
0x1a6: {  	v55 =	vor.u32 v5, v24;
	_ =	sdelay $0x1  }
0x1a7: {  	v29 =	vshll.u32 @p1 v23, $0x7;
	s8 =	simm.s32 @p1 $0x6900  }
0x1a8: {  	v29 =	vadd.s32 @p1 v29, v7;
	[tilespmem:v26+s8+$0x0] =	vst.idx.msk @p1 vm0, v25;
	s8 =	simm.s32 @p1 $0x7100  }
0x1a9: {  	[tilespmem:v26+s8+$0x0] =	vst.idx.msk @p1 vm0, v29  }
0x1aa: {  	v25 =	vld.idx.msk [tilespmem:v55+s21+$0x0], $0xffff;
	_ =	sdelay $0x4  }
0x1ab: {  	vm11 =	vge.f32 v25, v22  }
0x1ac: {  	v56 =	vsel vm11, $0x3F800000, v21  }
0x1ad: {  	(xrf0) =	vmax.scan.msk.f32 $0xffff, v56;
	_ =	sdelay $0x5  }
0x1ae: {  	(v2sf) =	vpush @p1 v27, $0xF;
	v26, _, _ =	vpop (xrf0)  }
0x1af: {  	(v2sf) =	vpush v26, $0xF;
	_ =	sdelay $0xd  }
0x1b0: {  	s8 =	spop @p1 (v2sf)  }
0x1b1: {  	s10 =	spop (v2sf)  }
0x1b2: {  	p0 =	sgt.f32 s10, $0.0e+00;
	_ =	sdelay $0x1  }
0x1b3: {  	vm0 =	vge.f32 @p0 v25, v22;
	v26 =	vimm.s32 @p0 $0x0  }
0x1b4: {  	v26 =	vsel @p0 vm0, $0x1, v26  }
0x1b5: {  	(xrf0) =	vadd.scan.msk.s32 @p0 $0xffff, v26  }
0x1b6: {  	s8 =	sadd.s32 @p1 s18, s8  }
0x1b7: {  	s18 =	smov.u32 @p1 s8  }
0x1b8: {  	v26 =	vmov @p0 s18  }
0x1b9: {  	v26 =	vadd.s32 @p0 $0xFFFFFFFF, v26  }
0x1ba: {  	v26 =	vbroadcast @p0 v26, $0x0  }
0x1bb: {  	v27, _, _ =	vpop @p0 (xrf0)  }
0x1bc: {  	v26 =	vadd.s32 @p0 v27, v26  }
0x1bd: {  	vm1 =	vlt.s32 @p0 v26, $0x7FF  }
0x1be: {  	v26 =	vnsel @p0 vm1, $0x7FF, v26;
	_ =	sdelay $0x1  }
0x1bf: {  	v57 =	vor.u32 v6, v24;
	_ =	sdelay $0x1  }
0x1c0: {  	v29 =	vshll.u32 @p0 v23, $0x7;
	s8 =	simm.s32 @p0 $0x6900  }
0x1c1: {  	v29 =	vadd.s32 @p0 v29, v8;
	[tilespmem:v26+s8+$0x0] =	vst.idx.msk @p0 vm0, v25;
	s8 =	simm.s32 @p0 $0x7100  }
0x1c2: {  	[tilespmem:v26+s8+$0x0] =	vst.idx.msk @p0 vm0, v29  }
0x1c3: {  	v25 =	vld.idx.msk [tilespmem:v57+s21+$0x0], $0xffff;
	_ =	sdelay $0x4  }
0x1c4: {  	vm12 =	vge.f32 v25, v22  }
0x1c5: {  	v58 =	vsel vm12, $0x3F800000, v21  }
0x1c6: {  	(xrf0) =	vmax.scan.msk.f32 $0xffff, v58;
	_ =	sdelay $0x5  }
0x1c7: {  	(v2sf) =	vpush @p0 v27, $0xF;
	v26, _, _ =	vpop (xrf0)  }
0x1c8: {  	(v2sf) =	vpush v26, $0xF;
	_ =	sdelay $0xd  }
0x1c9: {  	s8 =	spop @p0 (v2sf)  }
0x1ca: {  	s10 =	spop (v2sf)  }
0x1cb: {  	p1 =	sgt.f32 s10, $0.0e+00;
	_ =	sdelay $0x1  }
0x1cc: {  	vm0 =	vge.f32 @p1 v25, v22;
	v26 =	vimm.s32 @p1 $0x0  }
0x1cd: {  	v26 =	vsel @p1 vm0, $0x1, v26  }
0x1ce: {  	(xrf0) =	vadd.scan.msk.s32 @p1 $0xffff, v26  }
0x1cf: {  	s8 =	sadd.s32 @p0 s18, s8  }
0x1d0: {  	s18 =	smov.u32 @p0 s8  }
0x1d1: {  	v26 =	vmov @p1 s18  }
0x1d2: {  	v26 =	vadd.s32 @p1 $0xFFFFFFFF, v26  }
0x1d3: {  	v26 =	vbroadcast @p1 v26, $0x0  }
0x1d4: {  	v27, _, _ =	vpop @p1 (xrf0)  }
0x1d5: {  	v26 =	vadd.s32 @p1 v27, v26  }
0x1d6: {  	vm1 =	vlt.s32 @p1 v26, $0x7FF  }
0x1d7: {  	v26 =	vnsel @p1 vm1, $0x7FF, v26;
	_ =	sdelay $0x1  }
0x1d8: {  	v59 =	vor.u32 v10, v24;
	_ =	sdelay $0x1  }
0x1d9: {  	v29 =	vshll.u32 @p1 v23, $0x7;
	s8 =	simm.s32 @p1 $0x6900  }
0x1da: {  	v29 =	vadd.s32 @p1 v29, v9;
	[tilespmem:v26+s8+$0x0] =	vst.idx.msk @p1 vm0, v25;
	s8 =	simm.s32 @p1 $0x7100  }
0x1db: {  	[tilespmem:v26+s8+$0x0] =	vst.idx.msk @p1 vm0, v29  }
0x1dc: {  	v25 =	vld.idx.msk [tilespmem:v59+s21+$0x0], $0xffff;
	_ =	sdelay $0x4  }
0x1dd: {  	vm13 =	vge.f32 v25, v22  }
0x1de: {  	v60 =	vsel vm13, $0x3F800000, v21  }
0x1df: {  	(xrf0) =	vmax.scan.msk.f32 $0xffff, v60;
	_ =	sdelay $0x5  }
0x1e0: {  	(v2sf) =	vpush @p1 v27, $0xF;
	v26, _, _ =	vpop (xrf0)  }
0x1e1: {  	(v2sf) =	vpush v26, $0xF;
	_ =	sdelay $0xd  }
0x1e2: {  	s8 =	spop @p1 (v2sf)  }
0x1e3: {  	s10 =	spop (v2sf)  }
0x1e4: {  	p2 =	sgt.f32 s10, $0.0e+00;
	_ =	sdelay $0x1  }
0x1e5: {  	vm0 =	vge.f32 @p2 v25, v22;
	v26 =	vimm.s32 @p2 $0x0  }
0x1e6: {  	v26 =	vsel @p2 vm0, $0x1, v26  }
0x1e7: {  	(xrf0) =	vadd.scan.msk.s32 @p2 $0xffff, v26  }
0x1e8: {  	s8 =	sadd.s32 @p1 s18, s8  }
0x1e9: {  	s18 =	smov.u32 @p1 s8  }
0x1ea: {  	v26 =	vmov @p2 s18  }
0x1eb: {  	v26 =	vadd.s32 @p2 $0xFFFFFFFF, v26  }
0x1ec: {  	v26 =	vbroadcast @p2 v26, $0x0  }
0x1ed: {  	v27, _, _ =	vpop @p2 (xrf0)  }
0x1ee: {  	v26 =	vadd.s32 @p2 v27, v26  }
0x1ef: {  	vm1 =	vlt.s32 @p2 v26, $0x7FF  }
0x1f0: {  	v26 =	vnsel @p2 vm1, $0x7FF, v26;
	_ =	sdelay $0x1  }
0x1f1: {  	v61 =	vor.u32 v11, v24;
	_ =	sdelay $0x1  }
0x1f2: {  	v29 =	vshll.u32 @p2 v23, $0x7;
	s8 =	simm.s32 @p2 $0x6900  }
0x1f3: {  	[tilespmem:v26+s8+$0x0] =	vst.idx.msk @p2 vm0, v25;
	v25 =	vadd.s32 @p2 v29, v13;
	s8 =	simm.s32 @p2 $0x7100  }
0x1f4: {  	[tilespmem:v26+s8+$0x0] =	vst.idx.msk @p2 vm0, v25  }
0x1f5: {  	v25 =	vld.idx.msk [tilespmem:v61+s21+$0x0], $0xffff;
	_ =	sdelay $0x4  }
0x1f6: {  	vm14 =	vge.f32 v25, v22  }
0x1f7: {  	v62 =	vsel vm14, $0x3F800000, v21  }
0x1f8: {  	(xrf0) =	vmax.scan.msk.f32 $0xffff, v62;
	_ =	sdelay $0x5  }
0x1f9: {  	(v2sf) =	vpush @p2 v27, $0xF;
	v26, _, _ =	vpop (xrf0)  }
0x1fa: {  	(v2sf) =	vpush v26, $0xF;
	_ =	sdelay $0xd  }
0x1fb: {  	s8 =	spop @p2 (v2sf)  }
0x1fc: {  	s10 =	spop (v2sf)  }
0x1fd: {  	p0 =	sgt.f32 s10, $0.0e+00;
	_ =	sdelay $0x1  }
0x1fe: {  	vm0 =	vge.f32 @p0 v25, v22;
	v26 =	vimm.s32 @p0 $0x0  }
0x1ff: {  	v26 =	vsel @p0 vm0, $0x1, v26  }
0x200: {  	(xrf0) =	vadd.scan.msk.s32 @p0 $0xffff, v26  }
0x201: {  	s8 =	sadd.s32 @p2 s18, s8  }
0x202: {  	s18 =	smov.u32 @p2 s8  }
0x203: {  	v26 =	vmov @p0 s18  }
0x204: {  	v26 =	vadd.s32 @p0 $0xFFFFFFFF, v26  }
0x205: {  	v26 =	vbroadcast @p0 v26, $0x0  }
0x206: {  	v27, _, _ =	vpop @p0 (xrf0)  }
0x207: {  	v26 =	vadd.s32 @p0 v27, v26  }
0x208: {  	vm1 =	vlt.s32 @p0 v26, $0x7FF  }
0x209: {  	v26 =	vnsel @p0 vm1, $0x7FF, v26;
	_ =	sdelay $0x1  }
0x20a: {  	v24 =	vor.u32 v12, v24;
	_ =	sdelay $0x1  }
0x20b: {  	v28 =	vshll.u32 @p0 v23, $0x7;
	s8 =	simm.s32 @p0 $0x6900  }
0x20c: {  	v28 =	vadd.s32 @p0 v28, v14;
	[tilespmem:v26+s8+$0x0] =	vst.idx.msk @p0 vm0, v25;
	s8 =	simm.s32 @p0 $0x7100  }
0x20d: {  	[tilespmem:v26+s8+$0x0] =	vst.idx.msk @p0 vm0, v28  }
0x20e: {  	v24 =	vld.idx.msk [tilespmem:v24+s21+$0x0], $0xffff;
	_ =	sdelay $0x4  }
0x20f: {  	vm15 =	vge.f32 v24, v22  }
0x210: {  	v63 =	vsel vm15, $0x3F800000, v21  }
0x211: {  	(xrf0) =	vmax.scan.msk.f32 $0xffff, v63;
	_ =	sdelay $0x5  }
0x212: {  	(v2sf) =	vpush @p0 v27, $0xF;
	v25, _, _ =	vpop (xrf0)  }
0x213: {  	(v2sf) =	vpush v25, $0xF;
	_ =	sdelay $0xd  }
0x214: {  	s8 =	spop @p0 (v2sf)  }
0x215: {  	s10 =	spop (v2sf)  }
0x216: {  	p1 =	sgt.f32 s10, $0.0e+00;
	_ =	sdelay $0x1  }
0x217: {  	vm0 =	vge.f32 @p1 v24, v22;
	v25 =	vimm.s32 @p1 $0x0  }
0x218: {  	v25 =	vsel @p1 vm0, $0x1, v25  }
0x219: {  	(xrf0) =	vadd.scan.msk.s32 @p1 $0xffff, v25;
	_ =	sdelay $0x5  }
0x21a: {  	v25, _, _ =	vpop @p1 (xrf0)  }
0x21b: {  	(v2sf) =	vpush @p1 v25, $0xF;
	_ =	sdelay $0x2  }
0x21c: {  	s8 =	sadd.s32 @p0 s18, s8  }
0x21d: {  	s18 =	smov.u32 @p0 s8  }
0x21e: {  	v26 =	vmov @p1 s18  }
0x21f: {  	v26 =	vadd.s32 @p1 $0xFFFFFFFF, v26  }
0x220: {  	v26 =	vbroadcast @p1 v26, $0x0;
	_ =	sdelay $0x1  }
0x221: {  	v25 =	vadd.s32 @p1 v25, v26  }
0x222: {  	vm1 =	vlt.s32 @p1 v25, $0x7FF  }
0x223: {  	s7 =	sadd.s32 $0x1, s7;
	s8 =	rddreg [dreg:$0x8];
	v25 =	vnsel @p1 vm1, $0x7FF, v25  }
0x224: {  	p0 =	sne.s32 s8, s7  }
.Ltmp6:
0x225: {  	_ = 	snop;
	(pc) =	sbr.rel @p0 .LBB2_8-.Ltmp6, $4  }
0x226: {  	_ = 	snop  }
0x227: {  	v23 =	vshll.u32 @p1 v23, $0x7;
	s9 =	simm.s32 @p1 $0x6900;
	s10 =	spop @p1 (v2sf)  }
0x228: {  	s8 =	simm.s32 @p1 $0x7100;
	v23 =	vadd.s32 @p1 v23, v15;
	[tilespmem:v25+s9+$0x0] =	vst.idx.msk @p1 vm0, v24;
	s9 =	sadd.s32 @p1 s18, s10  }
0x229: {  	[tilespmem:v25+s8+$0x0] =	vst.idx.msk @p1 vm0, v23;
	s18 =	smov.u32 @p1 s9  }
.LBB2_9:
0x22a: {  	p0 =	slt.s32 s18, $0x800;
	s7 =	smov.u32 s18  }
0x22b: {  	s7 =	simm.s32 @!p0 $0x800  }
0x22c: {  	s8 =	sadd.s32 $0xF, s7  }
0x22d: {  	s9 =	sand.u32 $0xF, s8  }
0x22e: {  	p1 =	slt.s32 s18, $0xFFFFFFF2;
	s10 =	sshra.s32 s8, $0x1F;
	p6 =	sne.s32 s9, $0x0  }
0x22f: {  	s9 =	sshrl.u32 s10, $0x1C;
	p0 =	por !p1, !p6  }
0x230: {  	s8 =	sadd.s32 s9, s8;
	s9 =	simm.s32 $0x1;
	p0 =	por !p0, !p0  }
0x231: {  	s8 =	sshra.s32 s8, $0x4;
	s9 =	simm.s32 @!p0 $0x0  }
0x232: {  	s8 =	ssub.s32 s8, s9  }
0x233: {  	p0 =	slt.s32 s8, $0x1  }
.Ltmp7:
0x234: {  	_ = 	snop;
	(pc) =	sbr.rel @!p0 .LBB2_10-.Ltmp7, $4  }
.Ltmp8:
0x235: {  	_ = 	snop;
	(pc) =	sbr.rel @p0 .LBB2_21-.Ltmp8, $4  }
0x236: {  	_ = 	snop  }
0x237: {  	_ = 	snop  }
0x238: {  	_ = 	snop  }
0x239: {  	_ = 	snop  }
.LBB2_12:
0x23a: {  	v26 =	vimm.s32 $0x0  }
.LBB2_19:
0x23b: {  	_ =	sdelay $0x3  }
0x23c: {  	v27 =	vld.idx.msk [tilespmem:v25+s23+$0x0], $0xffff  }
0x23d: {  	v25 =	vld.idx.msk [tilespmem:v25+s24+$0x0], $0xffff;
	_ =	sdelay $0x1  }
0x23e: {  	vm1 =	veq.f32 @p0 v29, v23;
	vm2 =	vlt.s32 @p0 v28, v22;
	v28 =	vsel @p1 vm0, $0x1, v18  }
0x23f: {  	vm1 =	vmand @p0 vm1, vm2;
	vm2 =	vgt.f32 @p0 v29, v23;
	v26 =	vadd.s32 @p1 v28, v26  }
0x240: {  	vm0 =	vmor @p0 vm2, vm1;
	v26 =	vpsel p1, v26, v24  }
0x241: {  	vm0 =	vmmov @p0 vm0;
	vm13 =	veq.f32 v27, v23;
	vm14 =	vlt.s32 v25, v22  }
0x242: {  	v25 =	vsel @p0 vm0, $0x1, v18;
	vm15 =	vgt.f32 v27, v23;
	vm1 =	vmand vm13, vm14  }
0x243: {  	v25 =	vadd.s32 @p0 v25, v26;
	vm0 =	vmor vm15, vm1  }
0x244: {  	v24 =	vpsel p0, v25, v24;
	v25 =	vsel vm0, $0x1, v18  }
0x245: {  	v24 =	vadd.s32 v25, v24  }
.LBB2_20:
0x246: {  	vm0 =	vlt.s32 v24, $0x64;
	vm1 =	vlt.s32 v24, $0x6F  }
0x247: {  	s6 =	sadd.s32 $0x1, s6;
	v24 =	vnsel vm1, $0x6F, v24  }
0x248: {  	p0 =	sne.s32 s6, s8  }
.Ltmp9:
0x249: {  	_ = 	snop;
	(pc) =	sbr.rel @!p0 .LBB2_21-.Ltmp9, $3  }
0x24a: {  	_ =	sdelay $0x1  }
0x24b: {  	[tilespmem:v24+s25+$0x0] =	vst.idx.msk vm0, v23  }
0x24c: {  	[tilespmem:v24+s26+$0x0] =	vst.idx.msk vm0, v22  }
.LBB2_10:
0x24d: {  	p0 =	slt.s32 s18, $0x1  }
.Ltmp10:
0x24e: {  	_ = 	snop;
	(pc) =	sbr.rel @p0 .LBB2_20-.Ltmp10, $4  }
0x24f: {  	_ = 	snop  }
0x250: {  	s9 =	sshll.u32 s6, $0x4  }
0x251: {  	v23 =	vld [tilespmem:s9+$0x6900]  }
0x252: {  	s10 =	simm.s32 $0x0;
	v24 =	vimm.s32 $0x0;
	v22 =	vld [tilespmem:s9+$0x7100]  }
0x253: {  	p2 =	sne.s32 s7, $0x1  }
.Ltmp11:
0x254: {  	_ = 	snop;
	(pc) =	sbr.rel @!p2 .LBB2_12-.Ltmp11, $2  }
0x255: {  	_ =	sdelay $0x2  }
0x256: {  	s9 =	simm.s32 $0x1;
	v25 =	vmov s10;
	p0 =	por $0x0, $0x0;
	p1 =	por $0x0, $0x0  }
0x257: {  	p2 =	sne.s32 s7, $0x2  }
.Ltmp12:
0x258: {  	_ = 	snop;
	(pc) =	sbr.rel @!p2 .LBB2_14-.Ltmp12, $3  }
0x259: {  	_ =	sdelay $0x1  }
0x25a: {  	v29 =	vld.idx.msk [tilespmem:v25+s23+$0x0], $0xffff  }
0x25b: {  	s10 =	simm.s32 $0x2;
	v30 =	vmov s9;
	v28 =	vld.idx.msk [tilespmem:v25+s24+$0x0], $0xffff;
	p0 =	por $0x1, $0x1  }
0x25c: {  	_ = 	snop  }
0x25d: {  	p2 =	sne.s32 s7, $0x3  }
.Ltmp13:
0x25e: {  	_ = 	snop;
	(pc) =	sbr.rel @!p2 .LBB2_16-.Ltmp13, $4  }
0x25f: {  	_ = 	snop  }
0x260: {  	vm0 =	veq.f32 v29, v23;
	vm1 =	vlt.s32 v28, v22  }
0x261: {  	v27 =	vld.idx.msk [tilespmem:v30+s23+$0x0], $0xffff;
	v25 =	vmov s10;
	vm2 =	vgt.f32 v29, v23;
	vm0 =	vmand vm0, vm1  }
0x262: {  	s9 =	simm.s32 $0x3;
	p1 =	por $0x1, $0x1;
	v26 =	vimm.s32 $0x0;
	v28 =	vld.idx.msk [tilespmem:v30+s24+$0x0], $0xffff;
	vm0 =	vmor vm2, vm0  }
.LBB2_17:
0x263: {  	s10 =	smov.u32 s9;
	s9 =	sadd.s32 $0x1, s9  }
0x264: {  	v30 =	vsel vm0, $0x1, v18;
	p2 =	sne.s32 s7, s9  }
.Ltmp14:
0x265: {  	v26 =	vadd.s32 v30, v26;
	(pc) =	sbr.rel @p2 .LBB2_17-.Ltmp14, $4  }
0x266: {  	vm0 =	veq.f32 v27, v23;
	v29 =	vmov v27;
	v27 =	vld.idx.msk [tilespmem:v25+s23+$0x0], $0xffff  }
0x267: {  	vm1 =	vgt.f32 v29, v23;
	vm2 =	vlt.s32 v28, v22;
	v28 =	vld.idx.msk [tilespmem:v25+s24+$0x0], $0xffff;
	v25 =	vmov s10  }
0x268: {  	vm0 =	vmand vm0, vm2  }
0x269: {  	vm0 =	vmor vm1, vm0  }
.Ltmp15:
0x26a: {  	(pc) =	sbr.rel .LBB2_19-.Ltmp15, $2  }
0x26b: {  	_ =	sdelay $0x2  }
0x26c: {  	v29 =	vmov v27  }
.LBB2_14:
.Ltmp16:
0x26d: {  	(pc) =	sbr.rel .LBB2_19-.Ltmp16, $2  }
0x26e: {  	_ =	sdelay $0x2  }
0x26f: {  	v26 =	vimm.s32 $0x0;
	v25 =	vmov v30  }
.LBB2_16:
.Ltmp17:
0x270: {  	(pc) =	sbr.rel .LBB2_19-.Ltmp17, $2  }
0x271: {  	_ =	sdelay $0x2  }
0x272: {  	v26 =	vimm.s32 $0x0;
	v29 =	vmov v27  }
.LBB2_22:
0x273: {  	_ =	sfence.sel $0x180000  }
0x274: {  	[bflag:$0x0] =	sbarrier.arrive $0xFFFF  }
0x275: {  	_ =	strace $0x90000047  }
0x276: {  	s0 =	stileid.u32;
	[bflag:$0x2] =	sbarrier.arrive $0xFFFF  }
0x277: {  	p0 =	sne.s32 s0, $0x0;
	s0 =	rddreg [dreg:$0x7]  }
0x278: {  	s0 =	sadd.s32 @!p0 $0x100000, s0  }
0x279: {  	[sflag:s0] =	ssyncadd.tile.s32 @!p0 $0x1;
	_ =	shalt  }
.Lfunc_end2:
_tile_overlayer_lowered:
.L_overlay_start_2:
0x27a: {  	(tag) =	ssettag $0x2  }
0x27b: {  	s0 =	rddreg [dreg:$0x0];
	s2 =	stileid.u32  }
0x27c: {  	s1 =	rddreg [dreg:$0x1];
	p0 =	sne.s32 s2, $0x0  }
0x27d: {  	s3 =	rddreg [dreg:$0x2];
	[bflag:$0x3] =	sbarrier.arrive $0xFFFF;
	s2 =	simm.s32 @!p0 $0x1C05  }
0x27e: {  	[timem:s3], [sflag:s2] =	dma.local @!p0 [hbm:s0], s1  }
0x27f: {  	s0 =	simm.s32 @!p0 $0x5  }
0x280: {  	_ =	swait.ge @!p0 [sflag:s0], s1  }
0x281: {  	s1 =	ssub.s32 @!p0 $0x0, s1;
	[sflag:s0] =	ssyncset.done @!p0 $0x0  }
0x282: {  	[sflag:s0] =	ssyncadd.s32 @!p0 s1  }
0x283: {  	[bflag:$0x3] =	sbarrier.arrive $0xFFFF  }
0x284: {  	_ =	shalt  }

</sc_bundles>
